<compile_context>
chip_gen: v7x
topology: tpu7x:2x2x1
jax: 0.10.2.dev20260603
libtpu: 0.0.44.dev20260713+nightly
codegen_flags: <defaults>
</compile_context>

<pallas_src>
import functools

import jax
import jax.numpy as jnp
from jax import lax
from jax.experimental import pallas as pl
from jax.experimental.pallas import tpu as pltpu
from jax.experimental.pallas import tpu_sc as plsc

_NW = 32
_RC = 128


def _sc_body(vals_hbm, binsp_hbm, b0_hbm, bm_hbm, zeros_hbm, out_hbm,
             vals_v, bins_v, b0_v, bm_v,
             rowbuf0, rowbuf1, colbuf0, colbuf1, sem0, sem1,
             *, rows_per_w, r0, nbins):
    nchunks = rows_per_w // _RC
    wid = lax.axis_index("s") * 2 + lax.axis_index("c")
    base = wid * rows_per_w

    pltpu.sync_copy(vals_hbm.at[pl.ds(base, rows_per_w)], vals_v)
    pltpu.sync_copy(binsp_hbm, bins_v)
    pltpu.sync_copy(b0_hbm, b0_v)
    pltpu.sync_copy(bm_hbm, bm_v)
    pltpu.sync_copy(zeros_hbm, rowbuf0)
    pltpu.sync_copy(zeros_hbm, rowbuf1)

    zf = jnp.zeros((16,), jnp.float32)
    zi = jnp.zeros((16,), jnp.int32)
    for t in range(_RC // 16):
        colbuf0[pl.ds(t * 16, 16)] = zi
        colbuf1[pl.ds(t * 16, 16)] = zi

    b0 = b0_v[pl.ds(0, 16)]
    bm = bm_v[pl.ds(0, 16)]
    lane = lax.iota(jnp.int32, 16)

    def do_chunk(c, rbuf, cbuf, sem):
        @pl.when(c >= 2)
        def _wait_prior():
            pltpu.make_async_copy(
                rbuf, out_hbm.at[0, pl.ds(0, _RC)], sem).wait()

        for t in range(_RC // 16):
            rr = t * 16 + lane
            stale = cbuf[pl.ds(t * 16, 16)]
            plsc.store_scatter(rbuf, [rr, stale], zf)
            plsc.store_scatter(rbuf, [rr, stale + 1], zf)

            v = vals_v[pl.ds(c * _RC + t * 16, 16)]
            v = jnp.minimum(jnp.maximum(v, b0), bm)
            idx = zi
            for step in (128, 64, 32, 16, 8, 4, 2, 1):
                cand = idx + step
                g = plsc.load_gather(bins_v, [cand - 1])
                idx = jnp.where(g < v, cand, idx)
            left = jnp.maximum(idx - 1, 0)
            lv = plsc.load_gather(bins_v, [left])
            rv = plsc.load_gather(bins_v, [left + 1])
            rw = (v - lv) / (rv - lv)
            lw = 1.0 - rw
            plsc.store_scatter(rbuf, [rr, left], lw)
            plsc.store_scatter(rbuf, [rr, left + 1], rw)
            cbuf[pl.ds(t * 16, 16)] = left

        g0 = base + c * _RC
        p = g0 // r0
        q = g0 - p * r0
        pltpu.make_async_copy(
            rbuf, out_hbm.at[p, pl.ds(q, _RC)], sem).start()

    def chunk_pair(pp, _):
        do_chunk(2 * pp, rowbuf0, colbuf0, sem0)
        do_chunk(2 * pp + 1, rowbuf1, colbuf1, sem1)
        return 0

    lax.fori_loop(0, nchunks // 2, chunk_pair, 0)
    pltpu.make_async_copy(rowbuf0, out_hbm.at[0, pl.ds(0, _RC)], sem0).wait()
    pltpu.make_async_copy(rowbuf1, out_hbm.at[0, pl.ds(0, _RC)], sem1).wait()


def kernel(values, bin_values):
    r0, r1 = values.shape
    nbins = bin_values.shape[0]
    n = r0 * r1
    rows_per_w = n // _NW
    vt_flat = values.T.reshape(n)
    binsp = jnp.concatenate([bin_values, bin_values[-1:]])
    b0 = jnp.broadcast_to(bin_values[0], (16,))
    bm = jnp.broadcast_to(bin_values[-1], (16,))
    zeros = jnp.zeros((_RC, nbins), jnp.float32)

    mesh = plsc.VectorSubcoreMesh(core_axis_name="c", subcore_axis_name="s")
    run = pl.kernel(
        functools.partial(_sc_body, rows_per_w=rows_per_w, r0=r0,
                          nbins=nbins),
        out_type=jax.ShapeDtypeStruct((r1, r0, nbins), jnp.float32),
        mesh=mesh,
        scratch_types=[
            pltpu.VMEM((rows_per_w,), jnp.float32),
            pltpu.VMEM((nbins + 1,), jnp.float32),
            pltpu.VMEM((16,), jnp.float32),
            pltpu.VMEM((16,), jnp.float32),
            pltpu.VMEM((_RC, nbins), jnp.float32),
            pltpu.VMEM((_RC, nbins), jnp.float32),
            pltpu.VMEM((_RC,), jnp.int32),
            pltpu.VMEM((_RC,), jnp.int32),
            pltpu.SemaphoreType.DMA,
            pltpu.SemaphoreType.DMA,
        ],
        compiler_params=pltpu.CompilerParams(
            needs_layout_passes=False,
        ),
    )
    out = run(vt_flat, binsp, b0, bm, zeros)
    return out.transpose(1, 0, 2)

# --- scband reference (transcript-rebuilt; emitter-appended) ---
"""Pipeline reference for scband-sym-exp-two-hot-23802708754874 (READ-ONLY COPY).

The authoritative reference and input builder live on the scoring server;
editing this copy changes nothing except your own understanding.
"""

import jax, jax.numpy as jnp
import numpy as np

NUM_BINS = 255

def _bin_values():
    v = jnp.linspace(-20.0, 20.0, NUM_BINS)
    return (jnp.sign(v) * (jnp.exp(jnp.abs(v)) - 1.0)).astype(jnp.float32)

def setup_inputs(seed: int = 0) -> dict:
    key = jax.random.key(seed)
    values = jax.random.normal(key, (4096, 50), dtype=jnp.float32)
    return {"values": values, "bin_values": _bin_values()}

def reference(values, bin_values):
    num_bins = bin_values.shape[0]
    min_val = bin_values[0]
    max_val = bin_values[-1]
    orig_shape = values.shape
    flat = values.reshape(-1)
    n = flat.shape[0]
    flat = jnp.clip(flat, min_val, max_val)
    indices = jnp.searchsorted(bin_values, flat)
    left_indices = jnp.maximum(indices - 1, 0)
    right_indices = jnp.minimum(left_indices + 1, num_bins - 1)
    left_values = bin_values[left_indices]
    right_values = bin_values[right_indices]
    total_distance = jnp.maximum(right_values - left_values, 1e-08)
    left_weight = (right_values - flat) / total_distance
    right_weight = 1.0 - left_weight
    rows = jnp.arange(n)
    encoded = jnp.zeros((n, num_bins), dtype=jnp.float32)
    encoded = encoded.at[rows, left_indices].set(left_weight)
    encoded = encoded.at[rows, right_indices].set(right_weight)
    return encoded.reshape(*orig_shape, num_bins)

if __name__ == "__main__":
    import jax
    _d = setup_inputs()
    print(jax.jit(kernel)(*tuple(_d.values())))

</pallas_src>

<mosaic_0001>
#map = affine_map<(d0, d1) -> (0)>
#map1 = affine_map<(d0, d1) -> (0, 0)>
#map2 = affine_map<(d0, d1) -> (0, 0, 0)>
module attributes {stable_mosaic.version = 14 : i64} {
  func.func @_sc_body(%arg0: i32, %arg1: i32, %arg2: memref<204800xf32, #tpu.memory_space<hbm>>, %arg3: memref<256xf32, #tpu.memory_space<hbm>>, %arg4: memref<16xf32, #tpu.memory_space<hbm>>, %arg5: memref<16xf32, #tpu.memory_space<hbm>>, %arg6: memref<128x255xf32, #tpu.memory_space<hbm>>, %arg7: memref<50x4096x255xf32, #tpu.memory_space<hbm>>, %arg8: memref<6400xf32, #tpu.memory_space<vmem>>, %arg9: memref<256xf32, #tpu.memory_space<vmem>>, %arg10: memref<16xf32, #tpu.memory_space<vmem>>, %arg11: memref<16xf32, #tpu.memory_space<vmem>>, %arg12: memref<128x255xf32, #tpu.memory_space<vmem>>, %arg13: memref<128x255xf32, #tpu.memory_space<vmem>>, %arg14: memref<128xi32, #tpu.memory_space<vmem>>, %arg15: memref<128xi32, #tpu.memory_space<vmem>>, %arg16: memref<!tpu.dma_semaphore, #tpu.memory_space<semaphore_mem>>, %arg17: memref<!tpu.dma_semaphore, #tpu.memory_space<semaphore_mem>>) attributes {dimension_semantics = [#tpu.dimension_semantics<core_parallel>, #tpu.dimension_semantics<subcore_parallel>], iteration_bounds = array<i64: 2, 16>, scalar_prefetch = 0 : i64, scratch_operands = 10 : i64, tpu.core_type = #tpu.core_type<sc_vector_subcore>, window_params = [{transform_indices = #map}, {transform_indices = #map}, {transform_indices = #map}, {transform_indices = #map}, {transform_indices = #map1}, {transform_indices = #map2}]} {
    %mul3A = arith.constant 2 : i32
    %mul3A_0 = arith.muli %arg1, %mul3A : i32
    %add3A = arith.addi %mul3A_0, %arg0 : i32
    %mul3A_1 = arith.constant 6400 : i32
    %mul3A_2 = arith.muli %add3A, %mul3A_1 : i32
    "tpu.region"() ({
      %run_scoped3A = tpu.sem_alloc : memref<!tpu.dma_semaphore, #tpu.memory_space<semaphore_mem>>
      %dma_start3A = tpu.memref_slice %arg2[%mul3A_2] : memref<204800xf32, #tpu.memory_space<hbm>> -> memref<6400xf32, #tpu.memory_space<hbm>>
      %dma_start3A_63 = tpu.memref_slice %arg2[%mul3A_2] : memref<204800xf32, #tpu.memory_space<hbm>> -> memref<6400xf32, #tpu.memory_space<hbm>>
      tpu.enqueue_dma source(%dma_start3A_63 : memref<6400xf32, #tpu.memory_space<hbm>>) target(%arg8 : memref<6400xf32, #tpu.memory_space<vmem>>) target_semaphore(%run_scoped3A : memref<!tpu.dma_semaphore, #tpu.memory_space<semaphore_mem>>)
      %dma_wait3A_64 = tpu.memref_slice %arg2[%mul3A_2] : memref<204800xf32, #tpu.memory_space<hbm>> -> memref<6400xf32, #tpu.memory_space<hbm>>
      %dma_wait3A_65 = tpu.memref_slice %arg2[%mul3A_2] : memref<204800xf32, #tpu.memory_space<hbm>> -> memref<6400xf32, #tpu.memory_space<hbm>>
      tpu.wait_dma2 semaphore(%run_scoped3A : memref<!tpu.dma_semaphore, #tpu.memory_space<semaphore_mem>>) src(%dma_wait3A_65 : memref<6400xf32, #tpu.memory_space<hbm>>) dst(%arg8 : memref<6400xf32, #tpu.memory_space<vmem>>)
      tpu.yield
    }) : () -> ()
    "tpu.region"() ({
      %run_scoped3A = tpu.sem_alloc : memref<!tpu.dma_semaphore, #tpu.memory_space<semaphore_mem>>
      tpu.enqueue_dma source(%arg3 : memref<256xf32, #tpu.memory_space<hbm>>) target(%arg9 : memref<256xf32, #tpu.memory_space<vmem>>) target_semaphore(%run_scoped3A : memref<!tpu.dma_semaphore, #tpu.memory_space<semaphore_mem>>)
      tpu.wait_dma2 semaphore(%run_scoped3A : memref<!tpu.dma_semaphore, #tpu.memory_space<semaphore_mem>>) src(%arg3 : memref<256xf32, #tpu.memory_space<hbm>>) dst(%arg9 : memref<256xf32, #tpu.memory_space<vmem>>)
      tpu.yield
    }) : () -> ()
    "tpu.region"() ({
      %run_scoped3A = tpu.sem_alloc : memref<!tpu.dma_semaphore, #tpu.memory_space<semaphore_mem>>
      tpu.enqueue_dma source(%arg4 : memref<16xf32, #tpu.memory_space<hbm>>) target(%arg10 : memref<16xf32, #tpu.memory_space<vmem>>) target_semaphore(%run_scoped3A : memref<!tpu.dma_semaphore, #tpu.memory_space<semaphore_mem>>)
      tpu.wait_dma2 semaphore(%run_scoped3A : memref<!tpu.dma_semaphore, #tpu.memory_space<semaphore_mem>>) src(%arg4 : memref<16xf32, #tpu.memory_space<hbm>>) dst(%arg10 : memref<16xf32, #tpu.memory_space<vmem>>)
      tpu.yield
    }) : () -> ()
    "tpu.region"() ({
      %run_scoped3A = tpu.sem_alloc : memref<!tpu.dma_semaphore, #tpu.memory_space<semaphore_mem>>
      tpu.enqueue_dma source(%arg5 : memref<16xf32, #tpu.memory_space<hbm>>) target(%arg11 : memref<16xf32, #tpu.memory_space<vmem>>) target_semaphore(%run_scoped3A : memref<!tpu.dma_semaphore, #tpu.memory_space<semaphore_mem>>)
      tpu.wait_dma2 semaphore(%run_scoped3A : memref<!tpu.dma_semaphore, #tpu.memory_space<semaphore_mem>>) src(%arg5 : memref<16xf32, #tpu.memory_space<hbm>>) dst(%arg11 : memref<16xf32, #tpu.memory_space<vmem>>)
      tpu.yield
    }) : () -> ()
    "tpu.region"() ({
      %run_scoped3A = tpu.sem_alloc : memref<!tpu.dma_semaphore, #tpu.memory_space<semaphore_mem>>
      tpu.enqueue_dma source(%arg6 : memref<128x255xf32, #tpu.memory_space<hbm>>) target(%arg12 : memref<128x255xf32, #tpu.memory_space<vmem>>) target_semaphore(%run_scoped3A : memref<!tpu.dma_semaphore, #tpu.memory_space<semaphore_mem>>)
      tpu.wait_dma2 semaphore(%run_scoped3A : memref<!tpu.dma_semaphore, #tpu.memory_space<semaphore_mem>>) src(%arg6 : memref<128x255xf32, #tpu.memory_space<hbm>>) dst(%arg12 : memref<128x255xf32, #tpu.memory_space<vmem>>)
      tpu.yield
    }) : () -> ()
    "tpu.region"() ({
      %run_scoped3A = tpu.sem_alloc : memref<!tpu.dma_semaphore, #tpu.memory_space<semaphore_mem>>
      tpu.enqueue_dma source(%arg6 : memref<128x255xf32, #tpu.memory_space<hbm>>) target(%arg13 : memref<128x255xf32, #tpu.memory_space<vmem>>) target_semaphore(%run_scoped3A : memref<!tpu.dma_semaphore, #tpu.memory_space<semaphore_mem>>)
      tpu.wait_dma2 semaphore(%run_scoped3A : memref<!tpu.dma_semaphore, #tpu.memory_space<semaphore_mem>>) src(%arg6 : memref<128x255xf32, #tpu.memory_space<hbm>>) dst(%arg13 : memref<128x255xf32, #tpu.memory_space<vmem>>)
      tpu.yield
    }) : () -> ()
    %broadcast_in_dim3A = arith.constant 0.000000e+00 : f32
    %broadcast_in_dim3A_3 = vector.broadcast %broadcast_in_dim3A : f32 to vector<16xf32>
    %broadcast_in_dim3A_4 = arith.constant 0 : i32
    %broadcast_in_dim3A_5 = vector.broadcast %broadcast_in_dim3A_4 : i32 to vector<16xi32>
    %swap3A = arith.constant 0 : index
    %swap3A_6 = tpu.vector_load %arg14[%swap3A] {strides = array<i32>} : memref<128xi32, #tpu.memory_space<vmem>>, vector<16xi32>,
    tpu.vector_store %arg14[%swap3A], %broadcast_in_dim3A_5 {strides = array<i32>} : memref<128xi32, #tpu.memory_space<vmem>>, vector<16xi32>,
    %swap3A_7 = arith.constant 0 : index
    %swap3A_8 = tpu.vector_load %arg15[%swap3A_7] {strides = array<i32>} : memref<128xi32, #tpu.memory_space<vmem>>, vector<16xi32>,
    tpu.vector_store %arg15[%swap3A_7], %broadcast_in_dim3A_5 {strides = array<i32>} : memref<128xi32, #tpu.memory_space<vmem>>, vector<16xi32>,
    %swap3A_9 = arith.constant 16 : index
    %swap3A_10 = tpu.vector_load %arg14[%swap3A_9] {strides = array<i32>} : memref<128xi32, #tpu.memory_space<vmem>>, vector<16xi32>,
    tpu.vector_store %arg14[%swap3A_9], %broadcast_in_dim3A_5 {strides = array<i32>} : memref<128xi32, #tpu.memory_space<vmem>>, vector<16xi32>,
    %swap3A_11 = arith.constant 16 : index
    %swap3A_12 = tpu.vector_load %arg15[%swap3A_11] {strides = array<i32>} : memref<128xi32, #tpu.memory_space<vmem>>, vector<16xi32>,
    tpu.vector_store %arg15[%swap3A_11], %broadcast_in_dim3A_5 {strides = array<i32>} : memref<128xi32, #tpu.memory_space<vmem>>, vector<16xi32>,
    %swap3A_13 = arith.constant 32 : index
    %swap3A_14 = tpu.vector_load %arg14[%swap3A_13] {strides = array<i32>} : memref<128xi32, #tpu.memory_space<vmem>>, vector<16xi32>,
    tpu.vector_store %arg14[%swap3A_13], %broadcast_in_dim3A_5 {strides = array<i32>} : memref<128xi32, #tpu.memory_space<vmem>>, vector<16xi32>,
    %swap3A_15 = arith.constant 32 : index
    %swap3A_16 = tpu.vector_load %arg15[%swap3A_15] {strides = array<i32>} : memref<128xi32, #tpu.memory_space<vmem>>, vector<16xi32>,
    tpu.vector_store %arg15[%swap3A_15], %broadcast_in_dim3A_5 {strides = array<i32>} : memref<128xi32, #tpu.memory_space<vmem>>, vector<16xi32>,
    %swap3A_17 = arith.constant 48 : index
    %swap3A_18 = tpu.vector_load %arg14[%swap3A_17] {strides = array<i32>} : memref<128xi32, #tpu.memory_space<vmem>>, vector<16xi32>,
    tpu.vector_store %arg14[%swap3A_17], %broadcast_in_dim3A_5 {strides = array<i32>} : memref<128xi32, #tpu.memory_space<vmem>>, vector<16xi32>,
    %swap3A_19 = arith.constant 48 : index
    %swap3A_20 = tpu.vector_load %arg15[%swap3A_19] {strides = array<i32>} : memref<128xi32, #tpu.memory_space<vmem>>, vector<16xi32>,
    tpu.vector_store %arg15[%swap3A_19], %broadcast_in_dim3A_5 {strides = array<i32>} : memref<128xi32, #tpu.memory_space<vmem>>, vector<16xi32>,
    %swap3A_21 = arith.constant 64 : index
    %swap3A_22 = tpu.vector_load %arg14[%swap3A_21] {strides = array<i32>} : memref<128xi32, #tpu.memory_space<vmem>>, vector<16xi32>,
    tpu.vector_store %arg14[%swap3A_21], %broadcast_in_dim3A_5 {strides = array<i32>} : memref<128xi32, #tpu.memory_space<vmem>>, vector<16xi32>,
    %swap3A_23 = arith.constant 64 : index
    %swap3A_24 = tpu.vector_load %arg15[%swap3A_23] {strides = array<i32>} : memref<128xi32, #tpu.memory_space<vmem>>, vector<16xi32>,
    tpu.vector_store %arg15[%swap3A_23], %broadcast_in_dim3A_5 {strides = array<i32>} : memref<128xi32, #tpu.memory_space<vmem>>, vector<16xi32>,
    %swap3A_25 = arith.constant 80 : index
    %swap3A_26 = tpu.vector_load %arg14[%swap3A_25] {strides = array<i32>} : memref<128xi32, #tpu.memory_space<vmem>>, vector<16xi32>,
    tpu.vector_store %arg14[%swap3A_25], %broadcast_in_dim3A_5 {strides = array<i32>} : memref<128xi32, #tpu.memory_space<vmem>>, vector<16xi32>,
    %swap3A_27 = arith.constant 80 : index
    %swap3A_28 = tpu.vector_load %arg15[%swap3A_27] {strides = array<i32>} : memref<128xi32, #tpu.memory_space<vmem>>, vector<16xi32>,
    tpu.vector_store %arg15[%swap3A_27], %broadcast_in_dim3A_5 {strides = array<i32>} : memref<128xi32, #tpu.memory_space<vmem>>, vector<16xi32>,
    %swap3A_29 = arith.constant 96 : index
    %swap3A_30 = tpu.vector_load %arg14[%swap3A_29] {strides = array<i32>} : memref<128xi32, #tpu.memory_space<vmem>>, vector<16xi32>,
    tpu.vector_store %arg14[%swap3A_29], %broadcast_in_dim3A_5 {strides = array<i32>} : memref<128xi32, #tpu.memory_space<vmem>>, vector<16xi32>,
    %swap3A_31 = arith.constant 96 : index
    %swap3A_32 = tpu.vector_load %arg15[%swap3A_31] {strides = array<i32>} : memref<128xi32, #tpu.memory_space<vmem>>, vector<16xi32>,
    tpu.vector_store %arg15[%swap3A_31], %broadcast_in_dim3A_5 {strides = array<i32>} : memref<128xi32, #tpu.memory_space<vmem>>, vector<16xi32>,
    %swap3A_33 = arith.constant 112 : index
    %swap3A_34 = tpu.vector_load %arg14[%swap3A_33] {strides = array<i32>} : memref<128xi32, #tpu.memory_space<vmem>>, vector<16xi32>,
    tpu.vector_store %arg14[%swap3A_33], %broadcast_in_dim3A_5 {strides = array<i32>} : memref<128xi32, #tpu.memory_space<vmem>>, vector<16xi32>,
    %swap3A_35 = arith.constant 112 : index
    %swap3A_36 = tpu.vector_load %arg15[%swap3A_35] {strides = array<i32>} : memref<128xi32, #tpu.memory_space<vmem>>, vector<16xi32>,
    tpu.vector_store %arg15[%swap3A_35], %broadcast_in_dim3A_5 {strides = array<i32>} : memref<128xi32, #tpu.memory_space<vmem>>, vector<16xi32>,
    %get3A = arith.constant 0 : index
    %get3A_37 = tpu.vector_load %arg10[%get3A] {strides = array<i32>} : memref<16xf32, #tpu.memory_space<vmem>>, vector<16xf32>,
    %get3A_38 = arith.constant 0 : index
    %get3A_39 = tpu.vector_load %arg11[%get3A_38] {strides = array<i32>} : memref<16xf32, #tpu.memory_space<vmem>>, vector<16xf32>,
    %iota3A = tpu.iota {dimensions = array<i32: 0>} : vector<16xi32>
    %scan3A = arith.constant 0 : i32
    %scan3A_40 = arith.constant 0 : i32
    %scan3A_41 = arith.constant 25 : i32
    %scan3A_42 = arith.addi %scan3A_40, %scan3A_41 : i32
    %scan3A_43 = arith.constant 1 : i32
    %scan3A_44 = scf.for %scan3A_63 = %scan3A_40 to %scan3A_42 step %scan3A_43 iter_args(%scan3A_64 = %scan3A) -> (i32)  : i32 {
      %mul3A_65 = arith.constant 2 : i32
      %mul3A_66 = arith.muli %mul3A_65, %scan3A_63 : i32
      %ge3A = arith.constant 2 : i32
      %ge3A_67 = arith.cmpi sge, %mul3A_66, %ge3A : i32
      %convert_element_type3A = arith.extui %ge3A_67 : i1 to i32
      %cond3A = arith.constant 0 : i32
      %cond3A_68 = arith.cmpi ne, %convert_element_type3A, %cond3A : i32
      scf.if %cond3A_68 {
        %dma_wait3A_1898 = arith.constant 0 : i32
        %dma_wait3A_1899 = arith.constant 0 : i32
        %dma_wait3A_1900 = arith.constant 0 : i32
        %dma_wait3A_1901 = tpu.memref_slice %arg7[%dma_wait3A_1898, %dma_wait3A_1899, %dma_wait3A_1900] : memref<50x4096x255xf32, #tpu.memory_space<hbm>> -> memref<1x128x255xf32, #tpu.memory_space<hbm>>
        %dma_wait3A_1902 = tpu.memref_squeeze %dma_wait3A_1901 : memref<1x128x255xf32, #tpu.memory_space<hbm>> -> memref<128x255xf32, #tpu.memory_space<hbm>>
        %dma_wait3A_1903 = arith.constant 0 : i32
        %dma_wait3A_1904 = arith.constant 0 : i32
        %dma_wait3A_1905 = tpu.memref_slice %arg7[%dma_wait3A_1898, %dma_wait3A_1903, %dma_wait3A_1904] : memref<50x4096x255xf32, #tpu.memory_space<hbm>> -> memref<1x128x255xf32, #tpu.memory_space<hbm>>
        %dma_wait3A_1906 = tpu.memref_squeeze %dma_wait3A_1905 : memref<1x128x255xf32, #tpu.memory_space<hbm>> -> memref<128x255xf32, #tpu.memory_space<hbm>>
        tpu.wait_dma2 semaphore(%arg16 : memref<!tpu.dma_semaphore, #tpu.memory_space<semaphore_mem>>) src(%arg12 : memref<128x255xf32, #tpu.memory_space<vmem>>) dst(%dma_wait3A_1906 : memref<128x255xf32, #tpu.memory_space<hbm>>)
      } else {
      }
      %add3A_69 = arith.constant 0 : i32
      %add3A_70 = vector.broadcast %add3A_69 : i32 to vector<16xi32>
      %add3A_71 = arith.addi %add3A_70, %iota3A : vector<16xi32>
      %get3A_72 = arith.constant 0 : index
      %get3A_73 = tpu.vector_load %arg14[%get3A_72] {strides = array<i32>} : memref<128xi32, #tpu.memory_space<vmem>>, vector<16xi32>,
      tpu.vector_store_idx %arg12[%add3A_71, %get3A_73], %broadcast_in_dim3A_3 : memref<128x255xf32, #tpu.memory_space<vmem>>[vector<16xi32>, vector<16xi32>], vector<16xf32>,
      %add3A_74 = arith.constant 1 : i32
      %add3A_75 = vector.broadcast %add3A_74 : i32 to vector<16xi32>
      %add3A_76 = arith.addi %get3A_73, %add3A_75 : vector<16xi32>
      tpu.vector_store_idx %arg12[%add3A_71, %add3A_76], %broadcast_in_dim3A_3 : memref<128x255xf32, #tpu.memory_space<vmem>>[vector<16xi32>, vector<16xi32>], vector<16xf32>,
      %mul3A_77 = arith.constant 128 : i32
      %mul3A_78 = arith.muli %mul3A_66, %mul3A_77 : i32
      %add3A_79 = arith.constant 0 : i32
      %add3A_80 = arith.addi %mul3A_78, %add3A_79 : i32
      %get3A_81 = arith.index_cast %add3A_80 : i32 to index
      %get3A_82 = tpu.vector_load %arg8[%get3A_81] {strides = array<i32>} : memref<6400xf32, #tpu.memory_space<vmem>>, vector<16xf32>,
      %max3A = arith.maximumf %get3A_82, %get3A_37 : vector<16xf32>
      %min3A = arith.minimumf %max3A, %get3A_39 : vector<16xf32>
      %add3A_83 = arith.constant 128 : i32
      %add3A_84 = vector.broadcast %add3A_83 : i32 to vector<16xi32>
      %add3A_85 = arith.addi %broadcast_in_dim3A_5, %add3A_84 : vector<16xi32>
      %sub3A = arith.constant 1 : i32
      %sub3A_86 = vector.broadcast %sub3A : i32 to vector<16xi32>
      %sub3A_87 = arith.subi %add3A_85, %sub3A_86 : vector<16xi32>
      %gather3A = tpu.vector_load_idx %arg9[%sub3A_87] : memref<256xf32, #tpu.memory_space<vmem>>[vector<16xi32>], vector<16xf32>,
      %lt3A = arith.cmpf olt, %gather3A, %min3A : vector<16xf32>
      %select_n3A = arith.select %lt3A, %add3A_85, %broadcast_in_dim3A_5 : vector<16xi1>, vector<16xi32>
      %add3A_88 = arith.constant 64 : i32
      %add3A_89 = vector.broadcast %add3A_88 : i32 to vector<16xi32>
      %add3A_90 = arith.addi %select_n3A, %add3A_89 : vector<16xi32>
      %sub3A_91 = arith.constant 1 : i32
      %sub3A_92 = vector.broadcast %sub3A_91 : i32 to vector<16xi32>
      %sub3A_93 = arith.subi %add3A_90, %sub3A_92 : vector<16xi32>
      %gather3A_94 = tpu.vector_load_idx %arg9[%sub3A_93] : memref<256xf32, #tpu.memory_space<vmem>>[vector<16xi32>], vector<16xf32>,
      %lt3A_95 = arith.cmpf olt, %gather3A_94, %min3A : vector<16xf32>
      %select_n3A_96 = arith.select %lt3A_95, %add3A_90, %select_n3A : vector<16xi1>, vector<16xi32>
      %add3A_97 = arith.constant 32 : i32
      %add3A_98 = vector.broadcast %add3A_97 : i32 to vector<16xi32>
      %add3A_99 = arith.addi %select_n3A_96, %add3A_98 : vector<16xi32>
      %sub3A_100 = arith.constant 1 : i32
      %sub3A_101 = vector.broadcast %sub3A_100 : i32 to vector<16xi32>
      %sub3A_102 = arith.subi %add3A_99, %sub3A_101 : vector<16xi32>
      %gather3A_103 = tpu.vector_load_idx %arg9[%sub3A_102] : memref<256xf32, #tpu.memory_space<vmem>>[vector<16xi32>], vector<16xf32>,
      %lt3A_104 = arith.cmpf olt, %gather3A_103, %min3A : vector<16xf32>
      %select_n3A_105 = arith.select %lt3A_104, %add3A_99, %select_n3A_96 : vector<16xi1>, vector<16xi32>
      %add3A_106 = arith.constant 16 : i32
      %add3A_107 = vector.broadcast %add3A_106 : i32 to vector<16xi32>
      %add3A_108 = arith.addi %select_n3A_105, %add3A_107 : vector<16xi32>
      %sub3A_109 = arith.constant 1 : i32
      %sub3A_110 = vector.broadcast %sub3A_109 : i32 to vector<16xi32>
      %sub3A_111 = arith.subi %add3A_108, %sub3A_110 : vector<16xi32>
      %gather3A_112 = tpu.vector_load_idx %arg9[%sub3A_111] : memref<256xf32, #tpu.memory_space<vmem>>[vector<16xi32>], vector<16xf32>,
      %lt3A_113 = arith.cmpf olt, %gather3A_112, %min3A : vector<16xf32>
      %select_n3A_114 = arith.select %lt3A_113, %add3A_108, %select_n3A_105 : vector<16xi1>, vector<16xi32>
      %add3A_115 = arith.constant 8 : i32
      %add3A_116 = vector.broadcast %add3A_115 : i32 to vector<16xi32>
      %add3A_117 = arith.addi %select_n3A_114, %add3A_116 : vector<16xi32>
      %sub3A_118 = arith.constant 1 : i32
      %sub3A_119 = vector.broadcast %sub3A_118 : i32 to vector<16xi32>
      %sub3A_120 = arith.subi %add3A_117, %sub3A_119 : vector<16xi32>
      %gather3A_121 = tpu.vector_load_idx %arg9[%sub3A_120] : memref<256xf32, #tpu.memory_space<vmem>>[vector<16xi32>], vector<16xf32>,
      %lt3A_122 = arith.cmpf olt, %gather3A_121, %min3A : vector<16xf32>
      %select_n3A_123 = arith.select %lt3A_122, %add3A_117, %select_n3A_114 : vector<16xi1>, vector<16xi32>
      %add3A_124 = arith.constant 4 : i32
      %add3A_125 = vector.broadcast %add3A_124 : i32 to vector<16xi32>
      %add3A_126 = arith.addi %select_n3A_123, %add3A_125 : vector<16xi32>
      %sub3A_127 = arith.constant 1 : i32
      %sub3A_128 = vector.broadcast %sub3A_127 : i32 to vector<16xi32>
      %sub3A_129 = arith.subi %add3A_126, %sub3A_128 : vector<16xi32>
      %gather3A_130 = tpu.vector_load_idx %arg9[%sub3A_129] : memref<256xf32, #tpu.memory_space<vmem>>[vector<16xi32>], vector<16xf32>,
      %lt3A_131 = arith.cmpf olt, %gather3A_130, %min3A : vector<16xf32>
      %select_n3A_132 = arith.select %lt3A_131, %add3A_126, %select_n3A_123 : vector<16xi1>, vector<16xi32>
      %add3A_133 = arith.constant 2 : i32
      %add3A_134 = vector.broadcast %add3A_133 : i32 to vector<16xi32>
      %add3A_135 = arith.addi %select_n3A_132, %add3A_134 : vector<16xi32>
      %sub3A_136 = arith.constant 1 : i32
      %sub3A_137 = vector.broadcast %sub3A_136 : i32 to vector<16xi32>
      %sub3A_138 = arith.subi %add3A_135, %sub3A_137 : vector<16xi32>
      %gather3A_139 = tpu.vector_load_idx %arg9[%sub3A_138] : memref<256xf32, #tpu.memory_space<vmem>>[vector<16xi32>], vector<16xf32>,
      %lt3A_140 = arith.cmpf olt, %gather3A_139, %min3A : vector<16xf32>
      %select_n3A_141 = arith.select %lt3A_140, %add3A_135, %select_n3A_132 : vector<16xi1>, vector<16xi32>
      %add3A_142 = arith.constant 1 : i32
      %add3A_143 = vector.broadcast %add3A_142 : i32 to vector<16xi32>
      %add3A_144 = arith.addi %select_n3A_141, %add3A_143 : vector<16xi32>
      %sub3A_145 = arith.constant 1 : i32
      %sub3A_146 = vector.broadcast %sub3A_145 : i32 to vector<16xi32>
      %sub3A_147 = arith.subi %add3A_144, %sub3A_146 : vector<16xi32>
      %gather3A_148 = tpu.vector_load_idx %arg9[%sub3A_147] : memref<256xf32, #tpu.memory_space<vmem>>[vector<16xi32>], vector<16xf32>,
      %lt3A_149 = arith.cmpf olt, %gather3A_148, %min3A : vector<16xf32>
      %select_n3A_150 = arith.select %lt3A_149, %add3A_144, %select_n3A_141 : vector<16xi1>, vector<16xi32>
      %sub3A_151 = arith.constant 1 : i32
      %sub3A_152 = vector.broadcast %sub3A_151 : i32 to vector<16xi32>
      %sub3A_153 = arith.subi %select_n3A_150, %sub3A_152 : vector<16xi32>
      %max3A_154 = arith.constant 0 : i32
      %max3A_155 = vector.broadcast %max3A_154 : i32 to vector<16xi32>
      %max3A_156 = arith.maxsi %sub3A_153, %max3A_155 : vector<16xi32>
      %gather3A_157 = tpu.vector_load_idx %arg9[%max3A_156] : memref<256xf32, #tpu.memory_space<vmem>>[vector<16xi32>], vector<16xf32>,
      %add3A_158 = arith.constant 1 : i32
      %add3A_159 = vector.broadcast %add3A_158 : i32 to vector<16xi32>
      %add3A_160 = arith.addi %max3A_156, %add3A_159 : vector<16xi32>
      %gather3A_161 = tpu.vector_load_idx %arg9[%add3A_160] : memref<256xf32, #tpu.memory_space<vmem>>[vector<16xi32>], vector<16xf32>,
      %sub3A_162 = arith.subf %min3A, %gather3A_157 : vector<16xf32>
      %sub3A_163 = arith.subf %gather3A_161, %gather3A_157 : vector<16xf32>
      %div3A = arith.divf %sub3A_162, %sub3A_163 : vector<16xf32>
      %sub3A_164 = arith.constant 1.000000e+00 : f32
      %sub3A_165 = vector.broadcast %sub3A_164 : f32 to vector<16xf32>
      %sub3A_166 = arith.subf %sub3A_165, %div3A : vector<16xf32>
      tpu.vector_store_idx %arg12[%add3A_71, %max3A_156], %sub3A_166 : memref<128x255xf32, #tpu.memory_space<vmem>>[vector<16xi32>, vector<16xi32>], vector<16xf32>,
      %add3A_167 = arith.constant 1 : i32
      %add3A_168 = vector.broadcast %add3A_167 : i32 to vector<16xi32>
      %add3A_169 = arith.addi %max3A_156, %add3A_168 : vector<16xi32>
      tpu.vector_store_idx %arg12[%add3A_71, %add3A_169], %div3A : memref<128x255xf32, #tpu.memory_space<vmem>>[vector<16xi32>, vector<16xi32>], vector<16xf32>,
      %swap3A_170 = arith.constant 0 : index
      %swap3A_171 = tpu.vector_load %arg14[%swap3A_170] {strides = array<i32>} : memref<128xi32, #tpu.memory_space<vmem>>, vector<16xi32>,
      tpu.vector_store %arg14[%swap3A_170], %max3A_156 {strides = array<i32>} : memref<128xi32, #tpu.memory_space<vmem>>, vector<16xi32>,
      %add3A_172 = arith.constant 16 : i32
      %add3A_173 = vector.broadcast %add3A_172 : i32 to vector<16xi32>
      %add3A_174 = arith.addi %add3A_173, %iota3A : vector<16xi32>
      %get3A_175 = arith.constant 16 : index
      %get3A_176 = tpu.vector_load %arg14[%get3A_175] {strides = array<i32>} : memref<128xi32, #tpu.memory_space<vmem>>, vector<16xi32>,
      tpu.vector_store_idx %arg12[%add3A_174, %get3A_176], %broadcast_in_dim3A_3 : memref<128x255xf32, #tpu.memory_space<vmem>>[vector<16xi32>, vector<16xi32>], vector<16xf32>,
      %add3A_177 = arith.constant 1 : i32
      %add3A_178 = vector.broadcast %add3A_177 : i32 to vector<16xi32>
      %add3A_179 = arith.addi %get3A_176, %add3A_178 : vector<16xi32>
      tpu.vector_store_idx %arg12[%add3A_174, %add3A_179], %broadcast_in_dim3A_3 : memref<128x255xf32, #tpu.memory_space<vmem>>[vector<16xi32>, vector<16xi32>], vector<16xf32>,
      %mul3A_180 = arith.constant 128 : i32
      %mul3A_181 = arith.muli %mul3A_66, %mul3A_180 : i32
      %add3A_182 = arith.constant 16 : i32
      %add3A_183 = arith.addi %mul3A_181, %add3A_182 : i32
      %get3A_184 = arith.index_cast %add3A_183 : i32 to index
      %get3A_185 = tpu.vector_load %arg8[%get3A_184] {strides = array<i32>} : memref<6400xf32, #tpu.memory_space<vmem>>, vector<16xf32>,
      %max3A_186 = arith.maximumf %get3A_185, %get3A_37 : vector<16xf32>
      %min3A_187 = arith.minimumf %max3A_186, %get3A_39 : vector<16xf32>
      %add3A_188 = arith.constant 128 : i32
      %add3A_189 = vector.broadcast %add3A_188 : i32 to vector<16xi32>
      %add3A_190 = arith.addi %broadcast_in_dim3A_5, %add3A_189 : vector<16xi32>
      %sub3A_191 = arith.constant 1 : i32
      %sub3A_192 = vector.broadcast %sub3A_191 : i32 to vector<16xi32>
      %sub3A_193 = arith.subi %add3A_190, %sub3A_192 : vector<16xi32>
      %gather3A_194 = tpu.vector_load_idx %arg9[%sub3A_193] : memref<256xf32, #tpu.memory_space<vmem>>[vector<16xi32>], vector<16xf32>,
      %lt3A_195 = arith.cmpf olt, %gather3A_194, %min3A_187 : vector<16xf32>
      %select_n3A_196 = arith.select %lt3A_195, %add3A_190, %broadcast_in_dim3A_5 : vector<16xi1>, vector<16xi32>
      %add3A_197 = arith.constant 64 : i32
      %add3A_198 = vector.broadcast %add3A_197 : i32 to vector<16xi32>
      %add3A_199 = arith.addi %select_n3A_196, %add3A_198 : vector<16xi32>
      %sub3A_200 = arith.constant 1 : i32
      %sub3A_201 = vector.broadcast %sub3A_200 : i32 to vector<16xi32>
      %sub3A_202 = arith.subi %add3A_199, %sub3A_201 : vector<16xi32>
      %gather3A_203 = tpu.vector_load_idx %arg9[%sub3A_202] : memref<256xf32, #tpu.memory_space<vmem>>[vector<16xi32>], vector<16xf32>,
      %lt3A_204 = arith.cmpf olt, %gather3A_203, %min3A_187 : vector<16xf32>
      %select_n3A_205 = arith.select %lt3A_204, %add3A_199, %select_n3A_196 : vector<16xi1>, vector<16xi32>
      %add3A_206 = arith.constant 32 : i32
      %add3A_207 = vector.broadcast %add3A_206 : i32 to vector<16xi32>
      %add3A_208 = arith.addi %select_n3A_205, %add3A_207 : vector<16xi32>
      %sub3A_209 = arith.constant 1 : i32
      %sub3A_210 = vector.broadcast %sub3A_209 : i32 to vector<16xi32>
      %sub3A_211 = arith.subi %add3A_208, %sub3A_210 : vector<16xi32>
      %gather3A_212 = tpu.vector_load_idx %arg9[%sub3A_211] : memref<256xf32, #tpu.memory_space<vmem>>[vector<16xi32>], vector<16xf32>,
      %lt3A_213 = arith.cmpf olt, %gather3A_212, %min3A_187 : vector<16xf32>
      %select_n3A_214 = arith.select %lt3A_213, %add3A_208, %select_n3A_205 : vector<16xi1>, vector<16xi32>
      %add3A_215 = arith.constant 16 : i32
      %add3A_216 = vector.broadcast %add3A_215 : i32 to vector<16xi32>
      %add3A_217 = arith.addi %select_n3A_214, %add3A_216 : vector<16xi32>
      %sub3A_218 = arith.constant 1 : i32
      %sub3A_219 = vector.broadcast %sub3A_218 : i32 to vector<16xi32>
      %sub3A_220 = arith.subi %add3A_217, %sub3A_219 : vector<16xi32>
      %gather3A_221 = tpu.vector_load_idx %arg9[%sub3A_220] : memref<256xf32, #tpu.memory_space<vmem>>[vector<16xi32>], vector<16xf32>,
      %lt3A_222 = arith.cmpf olt, %gather3A_221, %min3A_187 : vector<16xf32>
      %select_n3A_223 = arith.select %lt3A_222, %add3A_217, %select_n3A_214 : vector<16xi1>, vector<16xi32>
      %add3A_224 = arith.constant 8 : i32
      %add3A_225 = vector.broadcast %add3A_224 : i32 to vector<16xi32>
      %add3A_226 = arith.addi %select_n3A_223, %add3A_225 : vector<16xi32>
      %sub3A_227 = arith.constant 1 : i32
      %sub3A_228 = vector.broadcast %sub3A_227 : i32 to vector<16xi32>
      %sub3A_229 = arith.subi %add3A_226, %sub3A_228 : vector<16xi32>
      %gather3A_230 = tpu.vector_load_idx %arg9[%sub3A_229] : memref<256xf32, #tpu.memory_space<vmem>>[vector<16xi32>], vector<16xf32>,
      %lt3A_231 = arith.cmpf olt, %gather3A_230, %min3A_187 : vector<16xf32>
      %select_n3A_232 = arith.select %lt3A_231, %add3A_226, %select_n3A_223 : vector<16xi1>, vector<16xi32>
      %add3A_233 = arith.constant 4 : i32
      %add3A_234 = vector.broadcast %add3A_233 : i32 to vector<16xi32>
      %add3A_235 = arith.addi %select_n3A_232, %add3A_234 : vector<16xi32>
      %sub3A_236 = arith.constant 1 : i32
      %sub3A_237 = vector.broadcast %sub3A_236 : i32 to vector<16xi32>
      %sub3A_238 = arith.subi %add3A_235, %sub3A_237 : vector<16xi32>
      %gather3A_239 = tpu.vector_load_idx %arg9[%sub3A_238] : memref<256xf32, #tpu.memory_space<vmem>>[vector<16xi32>], vector<16xf32>,
      %lt3A_240 = arith.cmpf olt, %gather3A_239, %min3A_187 : vector<16xf32>
      %select_n3A_241 = arith.select %lt3A_240, %add3A_235, %select_n3A_232 : vector<16xi1>, vector<16xi32>
      %add3A_242 = arith.constant 2 : i32
      %add3A_243 = vector.broadcast %add3A_242 : i32 to vector<16xi32>
      %add3A_244 = arith.addi %select_n3A_241, %add3A_243 : vector<16xi32>
      %sub3A_245 = arith.constant 1 : i32
      %sub3A_246 = vector.broadcast %sub3A_245 : i32 to vector<16xi32>
      %sub3A_247 = arith.subi %add3A_244, %sub3A_246 : vector<16xi32>
      %gather3A_248 = tpu.vector_load_idx %arg9[%sub3A_247] : memref<256xf32, #tpu.memory_space<vmem>>[vector<16xi32>], vector<16xf32>,
      %lt3A_249 = arith.cmpf olt, %gather3A_248, %min3A_187 : vector<16xf32>
      %select_n3A_250 = arith.select %lt3A_249, %add3A_244, %select_n3A_241 : vector<16xi1>, vector<16xi32>
      %add3A_251 = arith.constant 1 : i32
      %add3A_252 = vector.broadcast %add3A_251 : i32 to vector<16xi32>
      %add3A_253 = arith.addi %select_n3A_250, %add3A_252 : vector<16xi32>
      %sub3A_254 = arith.constant 1 : i32
      %sub3A_255 = vector.broadcast %sub3A_254 : i32 to vector<16xi32>
      %sub3A_256 = arith.subi %add3A_253, %sub3A_255 : vector<16xi32>
      %gather3A_257 = tpu.vector_load_idx %arg9[%sub3A_256] : memref<256xf32, #tpu.memory_space<vmem>>[vector<16xi32>], vector<16xf32>,
      %lt3A_258 = arith.cmpf olt, %gather3A_257, %min3A_187 : vector<16xf32>
      %select_n3A_259 = arith.select %lt3A_258, %add3A_253, %select_n3A_250 : vector<16xi1>, vector<16xi32>
      %sub3A_260 = arith.constant 1 : i32
      %sub3A_261 = vector.broadcast %sub3A_260 : i32 to vector<16xi32>
      %sub3A_262 = arith.subi %select_n3A_259, %sub3A_261 : vector<16xi32>
      %max3A_263 = arith.constant 0 : i32
      %max3A_264 = vector.broadcast %max3A_263 : i32 to vector<16xi32>
      %max3A_265 = arith.maxsi %sub3A_262, %max3A_264 : vector<16xi32>
      %gather3A_266 = tpu.vector_load_idx %arg9[%max3A_265] : memref<256xf32, #tpu.memory_space<vmem>>[vector<16xi32>], vector<16xf32>,
      %add3A_267 = arith.constant 1 : i32
      %add3A_268 = vector.broadcast %add3A_267 : i32 to vector<16xi32>
      %add3A_269 = arith.addi %max3A_265, %add3A_268 : vector<16xi32>
      %gather3A_270 = tpu.vector_load_idx %arg9[%add3A_269] : memref<256xf32, #tpu.memory_space<vmem>>[vector<16xi32>], vector<16xf32>,
      %sub3A_271 = arith.subf %min3A_187, %gather3A_266 : vector<16xf32>
      %sub3A_272 = arith.subf %gather3A_270, %gather3A_266 : vector<16xf32>
      %div3A_273 = arith.divf %sub3A_271, %sub3A_272 : vector<16xf32>
      %sub3A_274 = arith.constant 1.000000e+00 : f32
      %sub3A_275 = vector.broadcast %sub3A_274 : f32 to vector<16xf32>
      %sub3A_276 = arith.subf %sub3A_275, %div3A_273 : vector<16xf32>
      tpu.vector_store_idx %arg12[%add3A_174, %max3A_265], %sub3A_276 : memref<128x255xf32, #tpu.memory_space<vmem>>[vector<16xi32>, vector<16xi32>], vector<16xf32>,
      %add3A_277 = arith.constant 1 : i32
      %add3A_278 = vector.broadcast %add3A_277 : i32 to vector<16xi32>
      %add3A_279 = arith.addi %max3A_265, %add3A_278 : vector<16xi32>
      tpu.vector_store_idx %arg12[%add3A_174, %add3A_279], %div3A_273 : memref<128x255xf32, #tpu.memory_space<vmem>>[vector<16xi32>, vector<16xi32>], vector<16xf32>,
      %swap3A_280 = arith.constant 16 : index
      %swap3A_281 = tpu.vector_load %arg14[%swap3A_280] {strides = array<i32>} : memref<128xi32, #tpu.memory_space<vmem>>, vector<16xi32>,
      tpu.vector_store %arg14[%swap3A_280], %max3A_265 {strides = array<i32>} : memref<128xi32, #tpu.memory_space<vmem>>, vector<16xi32>,
      %add3A_282 = arith.constant 32 : i32
      %add3A_283 = vector.broadcast %add3A_282 : i32 to vector<16xi32>
      %add3A_284 = arith.addi %add3A_283, %iota3A : vector<16xi32>
      %get3A_285 = arith.constant 32 : index
      %get3A_286 = tpu.vector_load %arg14[%get3A_285] {strides = array<i32>} : memref<128xi32, #tpu.memory_space<vmem>>, vector<16xi32>,
      tpu.vector_store_idx %arg12[%add3A_284, %get3A_286], %broadcast_in_dim3A_3 : memref<128x255xf32, #tpu.memory_space<vmem>>[vector<16xi32>, vector<16xi32>], vector<16xf32>,
      %add3A_287 = arith.constant 1 : i32
      %add3A_288 = vector.broadcast %add3A_287 : i32 to vector<16xi32>
      %add3A_289 = arith.addi %get3A_286, %add3A_288 : vector<16xi32>
      tpu.vector_store_idx %arg12[%add3A_284, %add3A_289], %broadcast_in_dim3A_3 : memref<128x255xf32, #tpu.memory_space<vmem>>[vector<16xi32>, vector<16xi32>], vector<16xf32>,
      %mul3A_290 = arith.constant 128 : i32
      %mul3A_291 = arith.muli %mul3A_66, %mul3A_290 : i32
      %add3A_292 = arith.constant 32 : i32
      %add3A_293 = arith.addi %mul3A_291, %add3A_292 : i32
      %get3A_294 = arith.index_cast %add3A_293 : i32 to index
      %get3A_295 = tpu.vector_load %arg8[%get3A_294] {strides = array<i32>} : memref<6400xf32, #tpu.memory_space<vmem>>, vector<16xf32>,
      %max3A_296 = arith.maximumf %get3A_295, %get3A_37 : vector<16xf32>
      %min3A_297 = arith.minimumf %max3A_296, %get3A_39 : vector<16xf32>
      %add3A_298 = arith.constant 128 : i32
      %add3A_299 = vector.broadcast %add3A_298 : i32 to vector<16xi32>
      %add3A_300 = arith.addi %broadcast_in_dim3A_5, %add3A_299 : vector<16xi32>
      %sub3A_301 = arith.constant 1 : i32
      %sub3A_302 = vector.broadcast %sub3A_301 : i32 to vector<16xi32>
      %sub3A_303 = arith.subi %add3A_300, %sub3A_302 : vector<16xi32>
      %gather3A_304 = tpu.vector_load_idx %arg9[%sub3A_303] : memref<256xf32, #tpu.memory_space<vmem>>[vector<16xi32>], vector<16xf32>,
      %lt3A_305 = arith.cmpf olt, %gather3A_304, %min3A_297 : vector<16xf32>
      %select_n3A_306 = arith.select %lt3A_305, %add3A_300, %broadcast_in_dim3A_5 : vector<16xi1>, vector<16xi32>
      %add3A_307 = arith.constant 64 : i32
      %add3A_308 = vector.broadcast %add3A_307 : i32 to vector<16xi32>
      %add3A_309 = arith.addi %select_n3A_306, %add3A_308 : vector<16xi32>
      %sub3A_310 = arith.constant 1 : i32
      %sub3A_311 = vector.broadcast %sub3A_310 : i32 to vector<16xi32>
      %sub3A_312 = arith.subi %add3A_309, %sub3A_311 : vector<16xi32>
      %gather3A_313 = tpu.vector_load_idx %arg9[%sub3A_312] : memref<256xf32, #tpu.memory_space<vmem>>[vector<16xi32>], vector<16xf32>,
      %lt3A_314 = arith.cmpf olt, %gather3A_313, %min3A_297 : vector<16xf32>
      %select_n3A_315 = arith.select %lt3A_314, %add3A_309, %select_n3A_306 : vector<16xi1>, vector<16xi32>
      %add3A_316 = arith.constant 32 : i32
      %add3A_317 = vector.broadcast %add3A_316 : i32 to vector<16xi32>
      %add3A_318 = arith.addi %select_n3A_315, %add3A_317 : vector<16xi32>
      %sub3A_319 = arith.constant 1 : i32
      %sub3A_320 = vector.broadcast %sub3A_319 : i32 to vector<16xi32>
      %sub3A_321 = arith.subi %add3A_318, %sub3A_320 : vector<16xi32>
      %gather3A_322 = tpu.vector_load_idx %arg9[%sub3A_321] : memref<256xf32, #tpu.memory_space<vmem>>[vector<16xi32>], vector<16xf32>,
      %lt3A_323 = arith.cmpf olt, %gather3A_322, %min3A_297 : vector<16xf32>
      %select_n3A_324 = arith.select %lt3A_323, %add3A_318, %select_n3A_315 : vector<16xi1>, vector<16xi32>
      %add3A_325 = arith.constant 16 : i32
      %add3A_326 = vector.broadcast %add3A_325 : i32 to vector<16xi32>
      %add3A_327 = arith.addi %select_n3A_324, %add3A_326 : vector<16xi32>
      %sub3A_328 = arith.constant 1 : i32
      %sub3A_329 = vector.broadcast %sub3A_328 : i32 to vector<16xi32>
      %sub3A_330 = arith.subi %add3A_327, %sub3A_329 : vector<16xi32>
      %gather3A_331 = tpu.vector_load_idx %arg9[%sub3A_330] : memref<256xf32, #tpu.memory_space<vmem>>[vector<16xi32>], vector<16xf32>,
      %lt3A_332 = arith.cmpf olt, %gather3A_331, %min3A_297 : vector<16xf32>
      %select_n3A_333 = arith.select %lt3A_332, %add3A_327, %select_n3A_324 : vector<16xi1>, vector<16xi32>
      %add3A_334 = arith.constant 8 : i32
      %add3A_335 = vector.broadcast %add3A_334 : i32 to vector<16xi32>
      %add3A_336 = arith.addi %select_n3A_333, %add3A_335 : vector<16xi32>
      %sub3A_337 = arith.constant 1 : i32
      %sub3A_338 = vector.broadcast %sub3A_337 : i32 to vector<16xi32>
      %sub3A_339 = arith.subi %add3A_336, %sub3A_338 : vector<16xi32>
      %gather3A_340 = tpu.vector_load_idx %arg9[%sub3A_339] : memref<256xf32, #tpu.memory_space<vmem>>[vector<16xi32>], vector<16xf32>,
      %lt3A_341 = arith.cmpf olt, %gather3A_340, %min3A_297 : vector<16xf32>
      %select_n3A_342 = arith.select %lt3A_341, %add3A_336, %select_n3A_333 : vector<16xi1>, vector<16xi32>
      %add3A_343 = arith.constant 4 : i32
      %add3A_344 = vector.broadcast %add3A_343 : i32 to vector<16xi32>
      %add3A_345 = arith.addi %select_n3A_342, %add3A_344 : vector<16xi32>
      %sub3A_346 = arith.constant 1 : i32
      %sub3A_347 = vector.broadcast %sub3A_346 : i32 to vector<16xi32>
      %sub3A_348 = arith.subi %add3A_345, %sub3A_347 : vector<16xi32>
      %gather3A_349 = tpu.vector_load_idx %arg9[%sub3A_348] : memref<256xf32, #tpu.memory_space<vmem>>[vector<16xi32>], vector<16xf32>,
      %lt3A_350 = arith.cmpf olt, %gather3A_349, %min3A_297 : vector<16xf32>
      %select_n3A_351 = arith.select %lt3A_350, %add3A_345, %select_n3A_342 : vector<16xi1>, vector<16xi32>
      %add3A_352 = arith.constant 2 : i32
      %add3A_353 = vector.broadcast %add3A_352 : i32 to vector<16xi32>
      %add3A_354 = arith.addi %select_n3A_351, %add3A_353 : vector<16xi32>
      %sub3A_355 = arith.constant 1 : i32
      %sub3A_356 = vector.broadcast %sub3A_355 : i32 to vector<16xi32>
      %sub3A_357 = arith.subi %add3A_354, %sub3A_356 : vector<16xi32>
      %gather3A_358 = tpu.vector_load_idx %arg9[%sub3A_357] : memref<256xf32, #tpu.memory_space<vmem>>[vector<16xi32>], vector<16xf32>,
      %lt3A_359 = arith.cmpf olt, %gather3A_358, %min3A_297 : vector<16xf32>
      %select_n3A_360 = arith.select %lt3A_359, %add3A_354, %select_n3A_351 : vector<16xi1>, vector<16xi32>
      %add3A_361 = arith.constant 1 : i32
      %add3A_362 = vector.broadcast %add3A_361 : i32 to vector<16xi32>
      %add3A_363 = arith.addi %select_n3A_360, %add3A_362 : vector<16xi32>
      %sub3A_364 = arith.constant 1 : i32
      %sub3A_365 = vector.broadcast %sub3A_364 : i32 to vector<16xi32>
      %sub3A_366 = arith.subi %add3A_363, %sub3A_365 : vector<16xi32>
      %gather3A_367 = tpu.vector_load_idx %arg9[%sub3A_366] : memref<256xf32, #tpu.memory_space<vmem>>[vector<16xi32>], vector<16xf32>,
      %lt3A_368 = arith.cmpf olt, %gather3A_367, %min3A_297 : vector<16xf32>
      %select_n3A_369 = arith.select %lt3A_368, %add3A_363, %select_n3A_360 : vector<16xi1>, vector<16xi32>
      %sub3A_370 = arith.constant 1 : i32
      %sub3A_371 = vector.broadcast %sub3A_370 : i32 to vector<16xi32>
      %sub3A_372 = arith.subi %select_n3A_369, %sub3A_371 : vector<16xi32>
      %max3A_373 = arith.constant 0 : i32
      %max3A_374 = vector.broadcast %max3A_373 : i32 to vector<16xi32>
      %max3A_375 = arith.maxsi %sub3A_372, %max3A_374 : vector<16xi32>
      %gather3A_376 = tpu.vector_load_idx %arg9[%max3A_375] : memref<256xf32, #tpu.memory_space<vmem>>[vector<16xi32>], vector<16xf32>,
      %add3A_377 = arith.constant 1 : i32
      %add3A_378 = vector.broadcast %add3A_377 : i32 to vector<16xi32>
      %add3A_379 = arith.addi %max3A_375, %add3A_378 : vector<16xi32>
      %gather3A_380 = tpu.vector_load_idx %arg9[%add3A_379] : memref<256xf32, #tpu.memory_space<vmem>>[vector<16xi32>], vector<16xf32>,
      %sub3A_381 = arith.subf %min3A_297, %gather3A_376 : vector<16xf32>
      %sub3A_382 = arith.subf %gather3A_380, %gather3A_376 : vector<16xf32>
      %div3A_383 = arith.divf %sub3A_381, %sub3A_382 : vector<16xf32>
      %sub3A_384 = arith.constant 1.000000e+00 : f32
      %sub3A_385 = vector.broadcast %sub3A_384 : f32 to vector<16xf32>
      %sub3A_386 = arith.subf %sub3A_385, %div3A_383 : vector<16xf32>
      tpu.vector_store_idx %arg12[%add3A_284, %max3A_375], %sub3A_386 : memref<128x255xf32, #tpu.memory_space<vmem>>[vector<16xi32>, vector<16xi32>], vector<16xf32>,
      %add3A_387 = arith.constant 1 : i32
      %add3A_388 = vector.broadcast %add3A_387 : i32 to vector<16xi32>
      %add3A_389 = arith.addi %max3A_375, %add3A_388 : vector<16xi32>
      tpu.vector_store_idx %arg12[%add3A_284, %add3A_389], %div3A_383 : memref<128x255xf32, #tpu.memory_space<vmem>>[vector<16xi32>, vector<16xi32>], vector<16xf32>,
      %swap3A_390 = arith.constant 32 : index
      %swap3A_391 = tpu.vector_load %arg14[%swap3A_390] {strides = array<i32>} : memref<128xi32, #tpu.memory_space<vmem>>, vector<16xi32>,
      tpu.vector_store %arg14[%swap3A_390], %max3A_375 {strides = array<i32>} : memref<128xi32, #tpu.memory_space<vmem>>, vector<16xi32>,
      %add3A_392 = arith.constant 48 : i32
      %add3A_393 = vector.broadcast %add3A_392 : i32 to vector<16xi32>
      %add3A_394 = arith.addi %add3A_393, %iota3A : vector<16xi32>
      %get3A_395 = arith.constant 48 : index
      %get3A_396 = tpu.vector_load %arg14[%get3A_395] {strides = array<i32>} : memref<128xi32, #tpu.memory_space<vmem>>, vector<16xi32>,
      tpu.vector_store_idx %arg12[%add3A_394, %get3A_396], %broadcast_in_dim3A_3 : memref<128x255xf32, #tpu.memory_space<vmem>>[vector<16xi32>, vector<16xi32>], vector<16xf32>,
      %add3A_397 = arith.constant 1 : i32
      %add3A_398 = vector.broadcast %add3A_397 : i32 to vector<16xi32>
      %add3A_399 = arith.addi %get3A_396, %add3A_398 : vector<16xi32>
      tpu.vector_store_idx %arg12[%add3A_394, %add3A_399], %broadcast_in_dim3A_3 : memref<128x255xf32, #tpu.memory_space<vmem>>[vector<16xi32>, vector<16xi32>], vector<16xf32>,
      %mul3A_400 = arith.constant 128 : i32
      %mul3A_401 = arith.muli %mul3A_66, %mul3A_400 : i32
      %add3A_402 = arith.constant 48 : i32
      %add3A_403 = arith.addi %mul3A_401, %add3A_402 : i32
      %get3A_404 = arith.index_cast %add3A_403 : i32 to index
      %get3A_405 = tpu.vector_load %arg8[%get3A_404] {strides = array<i32>} : memref<6400xf32, #tpu.memory_space<vmem>>, vector<16xf32>,
      %max3A_406 = arith.maximumf %get3A_405, %get3A_37 : vector<16xf32>
      %min3A_407 = arith.minimumf %max3A_406, %get3A_39 : vector<16xf32>
      %add3A_408 = arith.constant 128 : i32
      %add3A_409 = vector.broadcast %add3A_408 : i32 to vector<16xi32>
      %add3A_410 = arith.addi %broadcast_in_dim3A_5, %add3A_409 : vector<16xi32>
      %sub3A_411 = arith.constant 1 : i32
      %sub3A_412 = vector.broadcast %sub3A_411 : i32 to vector<16xi32>
      %sub3A_413 = arith.subi %add3A_410, %sub3A_412 : vector<16xi32>
      %gather3A_414 = tpu.vector_load_idx %arg9[%sub3A_413] : memref<256xf32, #tpu.memory_space<vmem>>[vector<16xi32>], vector<16xf32>,
      %lt3A_415 = arith.cmpf olt, %gather3A_414, %min3A_407 : vector<16xf32>
      %select_n3A_416 = arith.select %lt3A_415, %add3A_410, %broadcast_in_dim3A_5 : vector<16xi1>, vector<16xi32>
      %add3A_417 = arith.constant 64 : i32
      %add3A_418 = vector.broadcast %add3A_417 : i32 to vector<16xi32>
      %add3A_419 = arith.addi %select_n3A_416, %add3A_418 : vector<16xi32>
      %sub3A_420 = arith.constant 1 : i32
      %sub3A_421 = vector.broadcast %sub3A_420 : i32 to vector<16xi32>
      %sub3A_422 = arith.subi %add3A_419, %sub3A_421 : vector<16xi32>
      %gather3A_423 = tpu.vector_load_idx %arg9[%sub3A_422] : memref<256xf32, #tpu.memory_space<vmem>>[vector<16xi32>], vector<16xf32>,
      %lt3A_424 = arith.cmpf olt, %gather3A_423, %min3A_407 : vector<16xf32>
      %select_n3A_425 = arith.select %lt3A_424, %add3A_419, %select_n3A_416 : vector<16xi1>, vector<16xi32>
      %add3A_426 = arith.constant 32 : i32
      %add3A_427 = vector.broadcast %add3A_426 : i32 to vector<16xi32>
      %add3A_428 = arith.addi %select_n3A_425, %add3A_427 : vector<16xi32>
      %sub3A_429 = arith.constant 1 : i32
      %sub3A_430 = vector.broadcast %sub3A_429 : i32 to vector<16xi32>
      %sub3A_431 = arith.subi %add3A_428, %sub3A_430 : vector<16xi32>
      %gather3A_432 = tpu.vector_load_idx %arg9[%sub3A_431] : memref<256xf32, #tpu.memory_space<vmem>>[vector<16xi32>], vector<16xf32>,
      %lt3A_433 = arith.cmpf olt, %gather3A_432, %min3A_407 : vector<16xf32>
      %select_n3A_434 = arith.select %lt3A_433, %add3A_428, %select_n3A_425 : vector<16xi1>, vector<16xi32>
      %add3A_435 = arith.constant 16 : i32
      %add3A_436 = vector.broadcast %add3A_435 : i32 to vector<16xi32>
      %add3A_437 = arith.addi %select_n3A_434, %add3A_436 : vector<16xi32>
      %sub3A_438 = arith.constant 1 : i32
      %sub3A_439 = vector.broadcast %sub3A_438 : i32 to vector<16xi32>
      %sub3A_440 = arith.subi %add3A_437, %sub3A_439 : vector<16xi32>
      %gather3A_441 = tpu.vector_load_idx %arg9[%sub3A_440] : memref<256xf32, #tpu.memory_space<vmem>>[vector<16xi32>], vector<16xf32>,
      %lt3A_442 = arith.cmpf olt, %gather3A_441, %min3A_407 : vector<16xf32>
      %select_n3A_443 = arith.select %lt3A_442, %add3A_437, %select_n3A_434 : vector<16xi1>, vector<16xi32>
      %add3A_444 = arith.constant 8 : i32
      %add3A_445 = vector.broadcast %add3A_444 : i32 to vector<16xi32>
      %add3A_446 = arith.addi %select_n3A_443, %add3A_445 : vector<16xi32>
      %sub3A_447 = arith.constant 1 : i32
      %sub3A_448 = vector.broadcast %sub3A_447 : i32 to vector<16xi32>
      %sub3A_449 = arith.subi %add3A_446, %sub3A_448 : vector<16xi32>
      %gather3A_450 = tpu.vector_load_idx %arg9[%sub3A_449] : memref<256xf32, #tpu.memory_space<vmem>>[vector<16xi32>], vector<16xf32>,
      %lt3A_451 = arith.cmpf olt, %gather3A_450, %min3A_407 : vector<16xf32>
      %select_n3A_452 = arith.select %lt3A_451, %add3A_446, %select_n3A_443 : vector<16xi1>, vector<16xi32>
      %add3A_453 = arith.constant 4 : i32
      %add3A_454 = vector.broadcast %add3A_453 : i32 to vector<16xi32>
      %add3A_455 = arith.addi %select_n3A_452, %add3A_454 : vector<16xi32>
      %sub3A_456 = arith.constant 1 : i32
      %sub3A_457 = vector.broadcast %sub3A_456 : i32 to vector<16xi32>
      %sub3A_458 = arith.subi %add3A_455, %sub3A_457 : vector<16xi32>
      %gather3A_459 = tpu.vector_load_idx %arg9[%sub3A_458] : memref<256xf32, #tpu.memory_space<vmem>>[vector<16xi32>], vector<16xf32>,
      %lt3A_460 = arith.cmpf olt, %gather3A_459, %min3A_407 : vector<16xf32>
      %select_n3A_461 = arith.select %lt3A_460, %add3A_455, %select_n3A_452 : vector<16xi1>, vector<16xi32>
      %add3A_462 = arith.constant 2 : i32
      %add3A_463 = vector.broadcast %add3A_462 : i32 to vector<16xi32>
      %add3A_464 = arith.addi %select_n3A_461, %add3A_463 : vector<16xi32>
      %sub3A_465 = arith.constant 1 : i32
      %sub3A_466 = vector.broadcast %sub3A_465 : i32 to vector<16xi32>
      %sub3A_467 = arith.subi %add3A_464, %sub3A_466 : vector<16xi32>
      %gather3A_468 = tpu.vector_load_idx %arg9[%sub3A_467] : memref<256xf32, #tpu.memory_space<vmem>>[vector<16xi32>], vector<16xf32>,
      %lt3A_469 = arith.cmpf olt, %gather3A_468, %min3A_407 : vector<16xf32>
      %select_n3A_470 = arith.select %lt3A_469, %add3A_464, %select_n3A_461 : vector<16xi1>, vector<16xi32>
      %add3A_471 = arith.constant 1 : i32
      %add3A_472 = vector.broadcast %add3A_471 : i32 to vector<16xi32>
      %add3A_473 = arith.addi %select_n3A_470, %add3A_472 : vector<16xi32>
      %sub3A_474 = arith.constant 1 : i32
      %sub3A_475 = vector.broadcast %sub3A_474 : i32 to vector<16xi32>
      %sub3A_476 = arith.subi %add3A_473, %sub3A_475 : vector<16xi32>
      %gather3A_477 = tpu.vector_load_idx %arg9[%sub3A_476] : memref<256xf32, #tpu.memory_space<vmem>>[vector<16xi32>], vector<16xf32>,
      %lt3A_478 = arith.cmpf olt, %gather3A_477, %min3A_407 : vector<16xf32>
      %select_n3A_479 = arith.select %lt3A_478, %add3A_473, %select_n3A_470 : vector<16xi1>, vector<16xi32>
      %sub3A_480 = arith.constant 1 : i32
      %sub3A_481 = vector.broadcast %sub3A_480 : i32 to vector<16xi32>
      %sub3A_482 = arith.subi %select_n3A_479, %sub3A_481 : vector<16xi32>
      %max3A_483 = arith.constant 0 : i32
      %max3A_484 = vector.broadcast %max3A_483 : i32 to vector<16xi32>
      %max3A_485 = arith.maxsi %sub3A_482, %max3A_484 : vector<16xi32>
      %gather3A_486 = tpu.vector_load_idx %arg9[%max3A_485] : memref<256xf32, #tpu.memory_space<vmem>>[vector<16xi32>], vector<16xf32>,
      %add3A_487 = arith.constant 1 : i32
      %add3A_488 = vector.broadcast %add3A_487 : i32 to vector<16xi32>
      %add3A_489 = arith.addi %max3A_485, %add3A_488 : vector<16xi32>
      %gather3A_490 = tpu.vector_load_idx %arg9[%add3A_489] : memref<256xf32, #tpu.memory_space<vmem>>[vector<16xi32>], vector<16xf32>,
      %sub3A_491 = arith.subf %min3A_407, %gather3A_486 : vector<16xf32>
      %sub3A_492 = arith.subf %gather3A_490, %gather3A_486 : vector<16xf32>
      %div3A_493 = arith.divf %sub3A_491, %sub3A_492 : vector<16xf32>
      %sub3A_494 = arith.constant 1.000000e+00 : f32
      %sub3A_495 = vector.broadcast %sub3A_494 : f32 to vector<16xf32>
      %sub3A_496 = arith.subf %sub3A_495, %div3A_493 : vector<16xf32>
      tpu.vector_store_idx %arg12[%add3A_394, %max3A_485], %sub3A_496 : memref<128x255xf32, #tpu.memory_space<vmem>>[vector<16xi32>, vector<16xi32>], vector<16xf32>,
      %add3A_497 = arith.constant 1 : i32
      %add3A_498 = vector.broadcast %add3A_497 : i32 to vector<16xi32>
      %add3A_499 = arith.addi %max3A_485, %add3A_498 : vector<16xi32>
      tpu.vector_store_idx %arg12[%add3A_394, %add3A_499], %div3A_493 : memref<128x255xf32, #tpu.memory_space<vmem>>[vector<16xi32>, vector<16xi32>], vector<16xf32>,
      %swap3A_500 = arith.constant 48 : index
      %swap3A_501 = tpu.vector_load %arg14[%swap3A_500] {strides = array<i32>} : memref<128xi32, #tpu.memory_space<vmem>>, vector<16xi32>,
      tpu.vector_store %arg14[%swap3A_500], %max3A_485 {strides = array<i32>} : memref<128xi32, #tpu.memory_space<vmem>>, vector<16xi32>,
      %add3A_502 = arith.constant 64 : i32
      %add3A_503 = vector.broadcast %add3A_502 : i32 to vector<16xi32>
      %add3A_504 = arith.addi %add3A_503, %iota3A : vector<16xi32>
      %get3A_505 = arith.constant 64 : index
      %get3A_506 = tpu.vector_load %arg14[%get3A_505] {strides = array<i32>} : memref<128xi32, #tpu.memory_space<vmem>>, vector<16xi32>,
      tpu.vector_store_idx %arg12[%add3A_504, %get3A_506], %broadcast_in_dim3A_3 : memref<128x255xf32, #tpu.memory_space<vmem>>[vector<16xi32>, vector<16xi32>], vector<16xf32>,
      %add3A_507 = arith.constant 1 : i32
      %add3A_508 = vector.broadcast %add3A_507 : i32 to vector<16xi32>
      %add3A_509 = arith.addi %get3A_506, %add3A_508 : vector<16xi32>
      tpu.vector_store_idx %arg12[%add3A_504, %add3A_509], %broadcast_in_dim3A_3 : memref<128x255xf32, #tpu.memory_space<vmem>>[vector<16xi32>, vector<16xi32>], vector<16xf32>,
      %mul3A_510 = arith.constant 128 : i32
      %mul3A_511 = arith.muli %mul3A_66, %mul3A_510 : i32
      %add3A_512 = arith.constant 64 : i32
      %add3A_513 = arith.addi %mul3A_511, %add3A_512 : i32
      %get3A_514 = arith.index_cast %add3A_513 : i32 to index
      %get3A_515 = tpu.vector_load %arg8[%get3A_514] {strides = array<i32>} : memref<6400xf32, #tpu.memory_space<vmem>>, vector<16xf32>,
      %max3A_516 = arith.maximumf %get3A_515, %get3A_37 : vector<16xf32>
      %min3A_517 = arith.minimumf %max3A_516, %get3A_39 : vector<16xf32>
      %add3A_518 = arith.constant 128 : i32
      %add3A_519 = vector.broadcast %add3A_518 : i32 to vector<16xi32>
      %add3A_520 = arith.addi %broadcast_in_dim3A_5, %add3A_519 : vector<16xi32>
      %sub3A_521 = arith.constant 1 : i32
      %sub3A_522 = vector.broadcast %sub3A_521 : i32 to vector<16xi32>
      %sub3A_523 = arith.subi %add3A_520, %sub3A_522 : vector<16xi32>
      %gather3A_524 = tpu.vector_load_idx %arg9[%sub3A_523] : memref<256xf32, #tpu.memory_space<vmem>>[vector<16xi32>], vector<16xf32>,
      %lt3A_525 = arith.cmpf olt, %gather3A_524, %min3A_517 : vector<16xf32>
      %select_n3A_526 = arith.select %lt3A_525, %add3A_520, %broadcast_in_dim3A_5 : vector<16xi1>, vector<16xi32>
      %add3A_527 = arith.constant 64 : i32
      %add3A_528 = vector.broadcast %add3A_527 : i32 to vector<16xi32>
      %add3A_529 = arith.addi %select_n3A_526, %add3A_528 : vector<16xi32>
      %sub3A_530 = arith.constant 1 : i32
      %sub3A_531 = vector.broadcast %sub3A_530 : i32 to vector<16xi32>
      %sub3A_532 = arith.subi %add3A_529, %sub3A_531 : vector<16xi32>
      %gather3A_533 = tpu.vector_load_idx %arg9[%sub3A_532] : memref<256xf32, #tpu.memory_space<vmem>>[vector<16xi32>], vector<16xf32>,
      %lt3A_534 = arith.cmpf olt, %gather3A_533, %min3A_517 : vector<16xf32>
      %select_n3A_535 = arith.select %lt3A_534, %add3A_529, %select_n3A_526 : vector<16xi1>, vector<16xi32>
      %add3A_536 = arith.constant 32 : i32
      %add3A_537 = vector.broadcast %add3A_536 : i32 to vector<16xi32>
      %add3A_538 = arith.addi %select_n3A_535, %add3A_537 : vector<16xi32>
      %sub3A_539 = arith.constant 1 : i32
      %sub3A_540 = vector.broadcast %sub3A_539 : i32 to vector<16xi32>
      %sub3A_541 = arith.subi %add3A_538, %sub3A_540 : vector<16xi32>
      %gather3A_542 = tpu.vector_load_idx %arg9[%sub3A_541] : memref<256xf32, #tpu.memory_space<vmem>>[vector<16xi32>], vector<16xf32>,
      %lt3A_543 = arith.cmpf olt, %gather3A_542, %min3A_517 : vector<16xf32>
      %select_n3A_544 = arith.select %lt3A_543, %add3A_538, %select_n3A_535 : vector<16xi1>, vector<16xi32>
      %add3A_545 = arith.constant 16 : i32
      %add3A_546 = vector.broadcast %add3A_545 : i32 to vector<16xi32>
      %add3A_547 = arith.addi %select_n3A_544, %add3A_546 : vector<16xi32>
      %sub3A_548 = arith.constant 1 : i32
      %sub3A_549 = vector.broadcast %sub3A_548 : i32 to vector<16xi32>
      %sub3A_550 = arith.subi %add3A_547, %sub3A_549 : vector<16xi32>
      %gather3A_551 = tpu.vector_load_idx %arg9[%sub3A_550] : memref<256xf32, #tpu.memory_space<vmem>>[vector<16xi32>], vector<16xf32>,
      %lt3A_552 = arith.cmpf olt, %gather3A_551, %min3A_517 : vector<16xf32>
      %select_n3A_553 = arith.select %lt3A_552, %add3A_547, %select_n3A_544 : vector<16xi1>, vector<16xi32>
      %add3A_554 = arith.constant 8 : i32
      %add3A_555 = vector.broadcast %add3A_554 : i32 to vector<16xi32>
      %add3A_556 = arith.addi %select_n3A_553, %add3A_555 : vector<16xi32>
      %sub3A_557 = arith.constant 1 : i32
      %sub3A_558 = vector.broadcast %sub3A_557 : i32 to vector<16xi32>
      %sub3A_559 = arith.subi %add3A_556, %sub3A_558 : vector<16xi32>
      %gather3A_560 = tpu.vector_load_idx %arg9[%sub3A_559] : memref<256xf32, #tpu.memory_space<vmem>>[vector<16xi32>], vector<16xf32>,
      %lt3A_561 = arith.cmpf olt, %gather3A_560, %min3A_517 : vector<16xf32>
      %select_n3A_562 = arith.select %lt3A_561, %add3A_556, %select_n3A_553 : vector<16xi1>, vector<16xi32>
      %add3A_563 = arith.constant 4 : i32
      %add3A_564 = vector.broadcast %add3A_563 : i32 to vector<16xi32>
      %add3A_565 = arith.addi %select_n3A_562, %add3A_564 : vector<16xi32>
      %sub3A_566 = arith.constant 1 : i32
      %sub3A_567 = vector.broadcast %sub3A_566 : i32 to vector<16xi32>
      %sub3A_568 = arith.subi %add3A_565, %sub3A_567 : vector<16xi32>
      %gather3A_569 = tpu.vector_load_idx %arg9[%sub3A_568] : memref<256xf32, #tpu.memory_space<vmem>>[vector<16xi32>], vector<16xf32>,
      %lt3A_570 = arith.cmpf olt, %gather3A_569, %min3A_517 : vector<16xf32>
      %select_n3A_571 = arith.select %lt3A_570, %add3A_565, %select_n3A_562 : vector<16xi1>, vector<16xi32>
      %add3A_572 = arith.constant 2 : i32
      %add3A_573 = vector.broadcast %add3A_572 : i32 to vector<16xi32>
      %add3A_574 = arith.addi %select_n3A_571, %add3A_573 : vector<16xi32>
      %sub3A_575 = arith.constant 1 : i32
      %sub3A_576 = vector.broadcast %sub3A_575 : i32 to vector<16xi32>
      %sub3A_577 = arith.subi %add3A_574, %sub3A_576 : vector<16xi32>
      %gather3A_578 = tpu.vector_load_idx %arg9[%sub3A_577] : memref<256xf32, #tpu.memory_space<vmem>>[vector<16xi32>], vector<16xf32>,
      %lt3A_579 = arith.cmpf olt, %gather3A_578, %min3A_517 : vector<16xf32>
      %select_n3A_580 = arith.select %lt3A_579, %add3A_574, %select_n3A_571 : vector<16xi1>, vector<16xi32>
      %add3A_581 = arith.constant 1 : i32
      %add3A_582 = vector.broadcast %add3A_581 : i32 to vector<16xi32>
      %add3A_583 = arith.addi %select_n3A_580, %add3A_582 : vector<16xi32>
      %sub3A_584 = arith.constant 1 : i32
      %sub3A_585 = vector.broadcast %sub3A_584 : i32 to vector<16xi32>
      %sub3A_586 = arith.subi %add3A_583, %sub3A_585 : vector<16xi32>
      %gather3A_587 = tpu.vector_load_idx %arg9[%sub3A_586] : memref<256xf32, #tpu.memory_space<vmem>>[vector<16xi32>], vector<16xf32>,
      %lt3A_588 = arith.cmpf olt, %gather3A_587, %min3A_517 : vector<16xf32>
      %select_n3A_589 = arith.select %lt3A_588, %add3A_583, %select_n3A_580 : vector<16xi1>, vector<16xi32>
      %sub3A_590 = arith.constant 1 : i32
      %sub3A_591 = vector.broadcast %sub3A_590 : i32 to vector<16xi32>
      %sub3A_592 = arith.subi %select_n3A_589, %sub3A_591 : vector<16xi32>
      %max3A_593 = arith.constant 0 : i32
      %max3A_594 = vector.broadcast %max3A_593 : i32 to vector<16xi32>
      %max3A_595 = arith.maxsi %sub3A_592, %max3A_594 : vector<16xi32>
      %gather3A_596 = tpu.vector_load_idx %arg9[%max3A_595] : memref<256xf32, #tpu.memory_space<vmem>>[vector<16xi32>], vector<16xf32>,
      %add3A_597 = arith.constant 1 : i32
      %add3A_598 = vector.broadcast %add3A_597 : i32 to vector<16xi32>
      %add3A_599 = arith.addi %max3A_595, %add3A_598 : vector<16xi32>
      %gather3A_600 = tpu.vector_load_idx %arg9[%add3A_599] : memref<256xf32, #tpu.memory_space<vmem>>[vector<16xi32>], vector<16xf32>,
      %sub3A_601 = arith.subf %min3A_517, %gather3A_596 : vector<16xf32>
      %sub3A_602 = arith.subf %gather3A_600, %gather3A_596 : vector<16xf32>
      %div3A_603 = arith.divf %sub3A_601, %sub3A_602 : vector<16xf32>
      %sub3A_604 = arith.constant 1.000000e+00 : f32
      %sub3A_605 = vector.broadcast %sub3A_604 : f32 to vector<16xf32>
      %sub3A_606 = arith.subf %sub3A_605, %div3A_603 : vector<16xf32>
      tpu.vector_store_idx %arg12[%add3A_504, %max3A_595], %sub3A_606 : memref<128x255xf32, #tpu.memory_space<vmem>>[vector<16xi32>, vector<16xi32>], vector<16xf32>,
      %add3A_607 = arith.constant 1 : i32
      %add3A_608 = vector.broadcast %add3A_607 : i32 to vector<16xi32>
      %add3A_609 = arith.addi %max3A_595, %add3A_608 : vector<16xi32>
      tpu.vector_store_idx %arg12[%add3A_504, %add3A_609], %div3A_603 : memref<128x255xf32, #tpu.memory_space<vmem>>[vector<16xi32>, vector<16xi32>], vector<16xf32>,
      %swap3A_610 = arith.constant 64 : index
      %swap3A_611 = tpu.vector_load %arg14[%swap3A_610] {strides = array<i32>} : memref<128xi32, #tpu.memory_space<vmem>>, vector<16xi32>,
      tpu.vector_store %arg14[%swap3A_610], %max3A_595 {strides = array<i32>} : memref<128xi32, #tpu.memory_space<vmem>>, vector<16xi32>,
      %add3A_612 = arith.constant 80 : i32
      %add3A_613 = vector.broadcast %add3A_612 : i32 to vector<16xi32>
      %add3A_614 = arith.addi %add3A_613, %iota3A : vector<16xi32>
      %get3A_615 = arith.constant 80 : index
      %get3A_616 = tpu.vector_load %arg14[%get3A_615] {strides = array<i32>} : memref<128xi32, #tpu.memory_space<vmem>>, vector<16xi32>,
      tpu.vector_store_idx %arg12[%add3A_614, %get3A_616], %broadcast_in_dim3A_3 : memref<128x255xf32, #tpu.memory_space<vmem>>[vector<16xi32>, vector<16xi32>], vector<16xf32>,
      %add3A_617 = arith.constant 1 : i32
      %add3A_618 = vector.broadcast %add3A_617 : i32 to vector<16xi32>
      %add3A_619 = arith.addi %get3A_616, %add3A_618 : vector<16xi32>
      tpu.vector_store_idx %arg12[%add3A_614, %add3A_619], %broadcast_in_dim3A_3 : memref<128x255xf32, #tpu.memory_space<vmem>>[vector<16xi32>, vector<16xi32>], vector<16xf32>,
      %mul3A_620 = arith.constant 128 : i32
      %mul3A_621 = arith.muli %mul3A_66, %mul3A_620 : i32
      %add3A_622 = arith.constant 80 : i32
      %add3A_623 = arith.addi %mul3A_621, %add3A_622 : i32
      %get3A_624 = arith.index_cast %add3A_623 : i32 to index
      %get3A_625 = tpu.vector_load %arg8[%get3A_624] {strides = array<i32>} : memref<6400xf32, #tpu.memory_space<vmem>>, vector<16xf32>,
      %max3A_626 = arith.maximumf %get3A_625, %get3A_37 : vector<16xf32>
      %min3A_627 = arith.minimumf %max3A_626, %get3A_39 : vector<16xf32>
      %add3A_628 = arith.constant 128 : i32
      %add3A_629 = vector.broadcast %add3A_628 : i32 to vector<16xi32>
      %add3A_630 = arith.addi %broadcast_in_dim3A_5, %add3A_629 : vector<16xi32>
      %sub3A_631 = arith.constant 1 : i32
      %sub3A_632 = vector.broadcast %sub3A_631 : i32 to vector<16xi32>
      %sub3A_633 = arith.subi %add3A_630, %sub3A_632 : vector<16xi32>
      %gather3A_634 = tpu.vector_load_idx %arg9[%sub3A_633] : memref<256xf32, #tpu.memory_space<vmem>>[vector<16xi32>], vector<16xf32>,
      %lt3A_635 = arith.cmpf olt, %gather3A_634, %min3A_627 : vector<16xf32>
      %select_n3A_636 = arith.select %lt3A_635, %add3A_630, %broadcast_in_dim3A_5 : vector<16xi1>, vector<16xi32>
      %add3A_637 = arith.constant 64 : i32
      %add3A_638 = vector.broadcast %add3A_637 : i32 to vector<16xi32>
      %add3A_639 = arith.addi %select_n3A_636, %add3A_638 : vector<16xi32>
      %sub3A_640 = arith.constant 1 : i32
      %sub3A_641 = vector.broadcast %sub3A_640 : i32 to vector<16xi32>
      %sub3A_642 = arith.subi %add3A_639, %sub3A_641 : vector<16xi32>
      %gather3A_643 = tpu.vector_load_idx %arg9[%sub3A_642] : memref<256xf32, #tpu.memory_space<vmem>>[vector<16xi32>], vector<16xf32>,
      %lt3A_644 = arith.cmpf olt, %gather3A_643, %min3A_627 : vector<16xf32>
      %select_n3A_645 = arith.select %lt3A_644, %add3A_639, %select_n3A_636 : vector<16xi1>, vector<16xi32>
      %add3A_646 = arith.constant 32 : i32
      %add3A_647 = vector.broadcast %add3A_646 : i32 to vector<16xi32>
      %add3A_648 = arith.addi %select_n3A_645, %add3A_647 : vector<16xi32>
      %sub3A_649 = arith.constant 1 : i32
      %sub3A_650 = vector.broadcast %sub3A_649 : i32 to vector<16xi32>
      %sub3A_651 = arith.subi %add3A_648, %sub3A_650 : vector<16xi32>
      %gather3A_652 = tpu.vector_load_idx %arg9[%sub3A_651] : memref<256xf32, #tpu.memory_space<vmem>>[vector<16xi32>], vector<16xf32>,
      %lt3A_653 = arith.cmpf olt, %gather3A_652, %min3A_627 : vector<16xf32>
      %select_n3A_654 = arith.select %lt3A_653, %add3A_648, %select_n3A_645 : vector<16xi1>, vector<16xi32>
      %add3A_655 = arith.constant 16 : i32
      %add3A_656 = vector.broadcast %add3A_655 : i32 to vector<16xi32>
      %add3A_657 = arith.addi %select_n3A_654, %add3A_656 : vector<16xi32>
      %sub3A_658 = arith.constant 1 : i32
      %sub3A_659 = vector.broadcast %sub3A_658 : i32 to vector<16xi32>
      %sub3A_660 = arith.subi %add3A_657, %sub3A_659 : vector<16xi32>
      %gather3A_661 = tpu.vector_load_idx %arg9[%sub3A_660] : memref<256xf32, #tpu.memory_space<vmem>>[vector<16xi32>], vector<16xf32>,
      %lt3A_662 = arith.cmpf olt, %gather3A_661, %min3A_627 : vector<16xf32>
      %select_n3A_663 = arith.select %lt3A_662, %add3A_657, %select_n3A_654 : vector<16xi1>, vector<16xi32>
      %add3A_664 = arith.constant 8 : i32
      %add3A_665 = vector.broadcast %add3A_664 : i32 to vector<16xi32>
      %add3A_666 = arith.addi %select_n3A_663, %add3A_665 : vector<16xi32>
      %sub3A_667 = arith.constant 1 : i32
      %sub3A_668 = vector.broadcast %sub3A_667 : i32 to vector<16xi32>
      %sub3A_669 = arith.subi %add3A_666, %sub3A_668 : vector<16xi32>
      %gather3A_670 = tpu.vector_load_idx %arg9[%sub3A_669] : memref<256xf32, #tpu.memory_space<vmem>>[vector<16xi32>], vector<16xf32>,
      %lt3A_671 = arith.cmpf olt, %gather3A_670, %min3A_627 : vector<16xf32>
      %select_n3A_672 = arith.select %lt3A_671, %add3A_666, %select_n3A_663 : vector<16xi1>, vector<16xi32>
      %add3A_673 = arith.constant 4 : i32
      %add3A_674 = vector.broadcast %add3A_673 : i32 to vector<16xi32>
      %add3A_675 = arith.addi %select_n3A_672, %add3A_674 : vector<16xi32>
      %sub3A_676 = arith.constant 1 : i32
      %sub3A_677 = vector.broadcast %sub3A_676 : i32 to vector<16xi32>
      %sub3A_678 = arith.subi %add3A_675, %sub3A_677 : vector<16xi32>
      %gather3A_679 = tpu.vector_load_idx %arg9[%sub3A_678] : memref<256xf32, #tpu.memory_space<vmem>>[vector<16xi32>], vector<16xf32>,
      %lt3A_680 = arith.cmpf olt, %gather3A_679, %min3A_627 : vector<16xf32>
      %select_n3A_681 = arith.select %lt3A_680, %add3A_675, %select_n3A_672 : vector<16xi1>, vector<16xi32>
      %add3A_682 = arith.constant 2 : i32
      %add3A_683 = vector.broadcast %add3A_682 : i32 to vector<16xi32>
      %add3A_684 = arith.addi %select_n3A_681, %add3A_683 : vector<16xi32>
      %sub3A_685 = arith.constant 1 : i32
      %sub3A_686 = vector.broadcast %sub3A_685 : i32 to vector<16xi32>
      %sub3A_687 = arith.subi %add3A_684, %sub3A_686 : vector<16xi32>
      %gather3A_688 = tpu.vector_load_idx %arg9[%sub3A_687] : memref<256xf32, #tpu.memory_space<vmem>>[vector<16xi32>], vector<16xf32>,
      %lt3A_689 = arith.cmpf olt, %gather3A_688, %min3A_627 : vector<16xf32>
      %select_n3A_690 = arith.select %lt3A_689, %add3A_684, %select_n3A_681 : vector<16xi1>, vector<16xi32>
      %add3A_691 = arith.constant 1 : i32
      %add3A_692 = vector.broadcast %add3A_691 : i32 to vector<16xi32>
      %add3A_693 = arith.addi %select_n3A_690, %add3A_692 : vector<16xi32>
      %sub3A_694 = arith.constant 1 : i32
      %sub3A_695 = vector.broadcast %sub3A_694 : i32 to vector<16xi32>
      %sub3A_696 = arith.subi %add3A_693, %sub3A_695 : vector<16xi32>
      %gather3A_697 = tpu.vector_load_idx %arg9[%sub3A_696] : memref<256xf32, #tpu.memory_space<vmem>>[vector<16xi32>], vector<16xf32>,
      %lt3A_698 = arith.cmpf olt, %gather3A_697, %min3A_627 : vector<16xf32>
      %select_n3A_699 = arith.select %lt3A_698, %add3A_693, %select_n3A_690 : vector<16xi1>, vector<16xi32>
      %sub3A_700 = arith.constant 1 : i32
      %sub3A_701 = vector.broadcast %sub3A_700 : i32 to vector<16xi32>
      %sub3A_702 = arith.subi %select_n3A_699, %sub3A_701 : vector<16xi32>
      %max3A_703 = arith.constant 0 : i32
      %max3A_704 = vector.broadcast %max3A_703 : i32 to vector<16xi32>
      %max3A_705 = arith.maxsi %sub3A_702, %max3A_704 : vector<16xi32>
      %gather3A_706 = tpu.vector_load_idx %arg9[%max3A_705] : memref<256xf32, #tpu.memory_space<vmem>>[vector<16xi32>], vector<16xf32>,
      %add3A_707 = arith.constant 1 : i32
      %add3A_708 = vector.broadcast %add3A_707 : i32 to vector<16xi32>
      %add3A_709 = arith.addi %max3A_705, %add3A_708 : vector<16xi32>
      %gather3A_710 = tpu.vector_load_idx %arg9[%add3A_709] : memref<256xf32, #tpu.memory_space<vmem>>[vector<16xi32>], vector<16xf32>,
      %sub3A_711 = arith.subf %min3A_627, %gather3A_706 : vector<16xf32>
      %sub3A_712 = arith.subf %gather3A_710, %gather3A_706 : vector<16xf32>
      %div3A_713 = arith.divf %sub3A_711, %sub3A_712 : vector<16xf32>
      %sub3A_714 = arith.constant 1.000000e+00 : f32
      %sub3A_715 = vector.broadcast %sub3A_714 : f32 to vector<16xf32>
      %sub3A_716 = arith.subf %sub3A_715, %div3A_713 : vector<16xf32>
      tpu.vector_store_idx %arg12[%add3A_614, %max3A_705], %sub3A_716 : memref<128x255xf32, #tpu.memory_space<vmem>>[vector<16xi32>, vector<16xi32>], vector<16xf32>,
      %add3A_717 = arith.constant 1 : i32
      %add3A_718 = vector.broadcast %add3A_717 : i32 to vector<16xi32>
      %add3A_719 = arith.addi %max3A_705, %add3A_718 : vector<16xi32>
      tpu.vector_store_idx %arg12[%add3A_614, %add3A_719], %div3A_713 : memref<128x255xf32, #tpu.memory_space<vmem>>[vector<16xi32>, vector<16xi32>], vector<16xf32>,
      %swap3A_720 = arith.constant 80 : index
      %swap3A_721 = tpu.vector_load %arg14[%swap3A_720] {strides = array<i32>} : memref<128xi32, #tpu.memory_space<vmem>>, vector<16xi32>,
      tpu.vector_store %arg14[%swap3A_720], %max3A_705 {strides = array<i32>} : memref<128xi32, #tpu.memory_space<vmem>>, vector<16xi32>,
      %add3A_722 = arith.constant 96 : i32
      %add3A_723 = vector.broadcast %add3A_722 : i32 to vector<16xi32>
      %add3A_724 = arith.addi %add3A_723, %iota3A : vector<16xi32>
      %get3A_725 = arith.constant 96 : index
      %get3A_726 = tpu.vector_load %arg14[%get3A_725] {strides = array<i32>} : memref<128xi32, #tpu.memory_space<vmem>>, vector<16xi32>,
      tpu.vector_store_idx %arg12[%add3A_724, %get3A_726], %broadcast_in_dim3A_3 : memref<128x255xf32, #tpu.memory_space<vmem>>[vector<16xi32>, vector<16xi32>], vector<16xf32>,
      %add3A_727 = arith.constant 1 : i32
      %add3A_728 = vector.broadcast %add3A_727 : i32 to vector<16xi32>
      %add3A_729 = arith.addi %get3A_726, %add3A_728 : vector<16xi32>
      tpu.vector_store_idx %arg12[%add3A_724, %add3A_729], %broadcast_in_dim3A_3 : memref<128x255xf32, #tpu.memory_space<vmem>>[vector<16xi32>, vector<16xi32>], vector<16xf32>,
      %mul3A_730 = arith.constant 128 : i32
      %mul3A_731 = arith.muli %mul3A_66, %mul3A_730 : i32
      %add3A_732 = arith.constant 96 : i32
      %add3A_733 = arith.addi %mul3A_731, %add3A_732 : i32
      %get3A_734 = arith.index_cast %add3A_733 : i32 to index
      %get3A_735 = tpu.vector_load %arg8[%get3A_734] {strides = array<i32>} : memref<6400xf32, #tpu.memory_space<vmem>>, vector<16xf32>,
      %max3A_736 = arith.maximumf %get3A_735, %get3A_37 : vector<16xf32>
      %min3A_737 = arith.minimumf %max3A_736, %get3A_39 : vector<16xf32>
      %add3A_738 = arith.constant 128 : i32
      %add3A_739 = vector.broadcast %add3A_738 : i32 to vector<16xi32>
      %add3A_740 = arith.addi %broadcast_in_dim3A_5, %add3A_739 : vector<16xi32>
      %sub3A_741 = arith.constant 1 : i32
      %sub3A_742 = vector.broadcast %sub3A_741 : i32 to vector<16xi32>
      %sub3A_743 = arith.subi %add3A_740, %sub3A_742 : vector<16xi32>
      %gather3A_744 = tpu.vector_load_idx %arg9[%sub3A_743] : memref<256xf32, #tpu.memory_space<vmem>>[vector<16xi32>], vector<16xf32>,
      %lt3A_745 = arith.cmpf olt, %gather3A_744, %min3A_737 : vector<16xf32>
      %select_n3A_746 = arith.select %lt3A_745, %add3A_740, %broadcast_in_dim3A_5 : vector<16xi1>, vector<16xi32>
      %add3A_747 = arith.constant 64 : i32
      %add3A_748 = vector.broadcast %add3A_747 : i32 to vector<16xi32>
      %add3A_749 = arith.addi %select_n3A_746, %add3A_748 : vector<16xi32>
      %sub3A_750 = arith.constant 1 : i32
      %sub3A_751 = vector.broadcast %sub3A_750 : i32 to vector<16xi32>
      %sub3A_752 = arith.subi %add3A_749, %sub3A_751 : vector<16xi32>
      %gather3A_753 = tpu.vector_load_idx %arg9[%sub3A_752] : memref<256xf32, #tpu.memory_space<vmem>>[vector<16xi32>], vector<16xf32>,
      %lt3A_754 = arith.cmpf olt, %gather3A_753, %min3A_737 : vector<16xf32>
      %select_n3A_755 = arith.select %lt3A_754, %add3A_749, %select_n3A_746 : vector<16xi1>, vector<16xi32>
      %add3A_756 = arith.constant 32 : i32
      %add3A_757 = vector.broadcast %add3A_756 : i32 to vector<16xi32>
      %add3A_758 = arith.addi %select_n3A_755, %add3A_757 : vector<16xi32>
      %sub3A_759 = arith.constant 1 : i32
      %sub3A_760 = vector.broadcast %sub3A_759 : i32 to vector<16xi32>
      %sub3A_761 = arith.subi %add3A_758, %sub3A_760 : vector<16xi32>
      %gather3A_762 = tpu.vector_load_idx %arg9[%sub3A_761] : memref<256xf32, #tpu.memory_space<vmem>>[vector<16xi32>], vector<16xf32>,
      %lt3A_763 = arith.cmpf olt, %gather3A_762, %min3A_737 : vector<16xf32>
      %select_n3A_764 = arith.select %lt3A_763, %add3A_758, %select_n3A_755 : vector<16xi1>, vector<16xi32>
      %add3A_765 = arith.constant 16 : i32
      %add3A_766 = vector.broadcast %add3A_765 : i32 to vector<16xi32>
      %add3A_767 = arith.addi %select_n3A_764, %add3A_766 : vector<16xi32>
      %sub3A_768 = arith.constant 1 : i32
      %sub3A_769 = vector.broadcast %sub3A_768 : i32 to vector<16xi32>
      %sub3A_770 = arith.subi %add3A_767, %sub3A_769 : vector<16xi32>
      %gather3A_771 = tpu.vector_load_idx %arg9[%sub3A_770] : memref<256xf32, #tpu.memory_space<vmem>>[vector<16xi32>], vector<16xf32>,
      %lt3A_772 = arith.cmpf olt, %gather3A_771, %min3A_737 : vector<16xf32>
      %select_n3A_773 = arith.select %lt3A_772, %add3A_767, %select_n3A_764 : vector<16xi1>, vector<16xi32>
      %add3A_774 = arith.constant 8 : i32
      %add3A_775 = vector.broadcast %add3A_774 : i32 to vector<16xi32>
      %add3A_776 = arith.addi %select_n3A_773, %add3A_775 : vector<16xi32>
      %sub3A_777 = arith.constant 1 : i32
      %sub3A_778 = vector.broadcast %sub3A_777 : i32 to vector<16xi32>
      %sub3A_779 = arith.subi %add3A_776, %sub3A_778 : vector<16xi32>
      %gather3A_780 = tpu.vector_load_idx %arg9[%sub3A_779] : memref<256xf32, #tpu.memory_space<vmem>>[vector<16xi32>], vector<16xf32>,
      %lt3A_781 = arith.cmpf olt, %gather3A_780, %min3A_737 : vector<16xf32>
      %select_n3A_782 = arith.select %lt3A_781, %add3A_776, %select_n3A_773 : vector<16xi1>, vector<16xi32>
      %add3A_783 = arith.constant 4 : i32
      %add3A_784 = vector.broadcast %add3A_783 : i32 to vector<16xi32>
      %add3A_785 = arith.addi %select_n3A_782, %add3A_784 : vector<16xi32>
      %sub3A_786 = arith.constant 1 : i32
      %sub3A_787 = vector.broadcast %sub3A_786 : i32 to vector<16xi32>
      %sub3A_788 = arith.subi %add3A_785, %sub3A_787 : vector<16xi32>
      %gather3A_789 = tpu.vector_load_idx %arg9[%sub3A_788] : memref<256xf32, #tpu.memory_space<vmem>>[vector<16xi32>], vector<16xf32>,
      %lt3A_790 = arith.cmpf olt, %gather3A_789, %min3A_737 : vector<16xf32>
      %select_n3A_791 = arith.select %lt3A_790, %add3A_785, %select_n3A_782 : vector<16xi1>, vector<16xi32>
      %add3A_792 = arith.constant 2 : i32
      %add3A_793 = vector.broadcast %add3A_792 : i32 to vector<16xi32>
      %add3A_794 = arith.addi %select_n3A_791, %add3A_793 : vector<16xi32>
      %sub3A_795 = arith.constant 1 : i32
      %sub3A_796 = vector.broadcast %sub3A_795 : i32 to vector<16xi32>
      %sub3A_797 = arith.subi %add3A_794, %sub3A_796 : vector<16xi32>
      %gather3A_798 = tpu.vector_load_idx %arg9[%sub3A_797] : memref<256xf32, #tpu.memory_space<vmem>>[vector<16xi32>], vector<16xf32>,
      %lt3A_799 = arith.cmpf olt, %gather3A_798, %min3A_737 : vector<16xf32>
      %select_n3A_800 = arith.select %lt3A_799, %add3A_794, %select_n3A_791 : vector<16xi1>, vector<16xi32>
      %add3A_801 = arith.constant 1 : i32
      %add3A_802 = vector.broadcast %add3A_801 : i32 to vector<16xi32>
      %add3A_803 = arith.addi %select_n3A_800, %add3A_802 : vector<16xi32>
      %sub3A_804 = arith.constant 1 : i32
      %sub3A_805 = vector.broadcast %sub3A_804 : i32 to vector<16xi32>
      %sub3A_806 = arith.subi %add3A_803, %sub3A_805 : vector<16xi32>
      %gather3A_807 = tpu.vector_load_idx %arg9[%sub3A_806] : memref<256xf32, #tpu.memory_space<vmem>>[vector<16xi32>], vector<16xf32>,
      %lt3A_808 = arith.cmpf olt, %gather3A_807, %min3A_737 : vector<16xf32>
      %select_n3A_809 = arith.select %lt3A_808, %add3A_803, %select_n3A_800 : vector<16xi1>, vector<16xi32>
      %sub3A_810 = arith.constant 1 : i32
      %sub3A_811 = vector.broadcast %sub3A_810 : i32 to vector<16xi32>
      %sub3A_812 = arith.subi %select_n3A_809, %sub3A_811 : vector<16xi32>
      %max3A_813 = arith.constant 0 : i32
      %max3A_814 = vector.broadcast %max3A_813 : i32 to vector<16xi32>
      %max3A_815 = arith.maxsi %sub3A_812, %max3A_814 : vector<16xi32>
      %gather3A_816 = tpu.vector_load_idx %arg9[%max3A_815] : memref<256xf32, #tpu.memory_space<vmem>>[vector<16xi32>], vector<16xf32>,
      %add3A_817 = arith.constant 1 : i32
      %add3A_818 = vector.broadcast %add3A_817 : i32 to vector<16xi32>
      %add3A_819 = arith.addi %max3A_815, %add3A_818 : vector<16xi32>
      %gather3A_820 = tpu.vector_load_idx %arg9[%add3A_819] : memref<256xf32, #tpu.memory_space<vmem>>[vector<16xi32>], vector<16xf32>,
      %sub3A_821 = arith.subf %min3A_737, %gather3A_816 : vector<16xf32>
      %sub3A_822 = arith.subf %gather3A_820, %gather3A_816 : vector<16xf32>
      %div3A_823 = arith.divf %sub3A_821, %sub3A_822 : vector<16xf32>
      %sub3A_824 = arith.constant 1.000000e+00 : f32
      %sub3A_825 = vector.broadcast %sub3A_824 : f32 to vector<16xf32>
      %sub3A_826 = arith.subf %sub3A_825, %div3A_823 : vector<16xf32>
      tpu.vector_store_idx %arg12[%add3A_724, %max3A_815], %sub3A_826 : memref<128x255xf32, #tpu.memory_space<vmem>>[vector<16xi32>, vector<16xi32>], vector<16xf32>,
      %add3A_827 = arith.constant 1 : i32
      %add3A_828 = vector.broadcast %add3A_827 : i32 to vector<16xi32>
      %add3A_829 = arith.addi %max3A_815, %add3A_828 : vector<16xi32>
      tpu.vector_store_idx %arg12[%add3A_724, %add3A_829], %div3A_823 : memref<128x255xf32, #tpu.memory_space<vmem>>[vector<16xi32>, vector<16xi32>], vector<16xf32>,
      %swap3A_830 = arith.constant 96 : index
      %swap3A_831 = tpu.vector_load %arg14[%swap3A_830] {strides = array<i32>} : memref<128xi32, #tpu.memory_space<vmem>>, vector<16xi32>,
      tpu.vector_store %arg14[%swap3A_830], %max3A_815 {strides = array<i32>} : memref<128xi32, #tpu.memory_space<vmem>>, vector<16xi32>,
      %add3A_832 = arith.constant 112 : i32
      %add3A_833 = vector.broadcast %add3A_832 : i32 to vector<16xi32>
      %add3A_834 = arith.addi %add3A_833, %iota3A : vector<16xi32>
      %get3A_835 = arith.constant 112 : index
      %get3A_836 = tpu.vector_load %arg14[%get3A_835] {strides = array<i32>} : memref<128xi32, #tpu.memory_space<vmem>>, vector<16xi32>,
      tpu.vector_store_idx %arg12[%add3A_834, %get3A_836], %broadcast_in_dim3A_3 : memref<128x255xf32, #tpu.memory_space<vmem>>[vector<16xi32>, vector<16xi32>], vector<16xf32>,
      %add3A_837 = arith.constant 1 : i32
      %add3A_838 = vector.broadcast %add3A_837 : i32 to vector<16xi32>
      %add3A_839 = arith.addi %get3A_836, %add3A_838 : vector<16xi32>
      tpu.vector_store_idx %arg12[%add3A_834, %add3A_839], %broadcast_in_dim3A_3 : memref<128x255xf32, #tpu.memory_space<vmem>>[vector<16xi32>, vector<16xi32>], vector<16xf32>,
      %mul3A_840 = arith.constant 128 : i32
      %mul3A_841 = arith.muli %mul3A_66, %mul3A_840 : i32
      %add3A_842 = arith.constant 112 : i32
      %add3A_843 = arith.addi %mul3A_841, %add3A_842 : i32
      %get3A_844 = arith.index_cast %add3A_843 : i32 to index
      %get3A_845 = tpu.vector_load %arg8[%get3A_844] {strides = array<i32>} : memref<6400xf32, #tpu.memory_space<vmem>>, vector<16xf32>,
      %max3A_846 = arith.maximumf %get3A_845, %get3A_37 : vector<16xf32>
      %min3A_847 = arith.minimumf %max3A_846, %get3A_39 : vector<16xf32>
      %add3A_848 = arith.constant 128 : i32
      %add3A_849 = vector.broadcast %add3A_848 : i32 to vector<16xi32>
      %add3A_850 = arith.addi %broadcast_in_dim3A_5, %add3A_849 : vector<16xi32>
      %sub3A_851 = arith.constant 1 : i32
      %sub3A_852 = vector.broadcast %sub3A_851 : i32 to vector<16xi32>
      %sub3A_853 = arith.subi %add3A_850, %sub3A_852 : vector<16xi32>
      %gather3A_854 = tpu.vector_load_idx %arg9[%sub3A_853] : memref<256xf32, #tpu.memory_space<vmem>>[vector<16xi32>], vector<16xf32>,
      %lt3A_855 = arith.cmpf olt, %gather3A_854, %min3A_847 : vector<16xf32>
      %select_n3A_856 = arith.select %lt3A_855, %add3A_850, %broadcast_in_dim3A_5 : vector<16xi1>, vector<16xi32>
      %add3A_857 = arith.constant 64 : i32
      %add3A_858 = vector.broadcast %add3A_857 : i32 to vector<16xi32>
      %add3A_859 = arith.addi %select_n3A_856, %add3A_858 : vector<16xi32>
      %sub3A_860 = arith.constant 1 : i32
      %sub3A_861 = vector.broadcast %sub3A_860 : i32 to vector<16xi32>
      %sub3A_862 = arith.subi %add3A_859, %sub3A_861 : vector<16xi32>
      %gather3A_863 = tpu.vector_load_idx %arg9[%sub3A_862] : memref<256xf32, #tpu.memory_space<vmem>>[vector<16xi32>], vector<16xf32>,
      %lt3A_864 = arith.cmpf olt, %gather3A_863, %min3A_847 : vector<16xf32>
      %select_n3A_865 = arith.select %lt3A_864, %add3A_859, %select_n3A_856 : vector<16xi1>, vector<16xi32>
      %add3A_866 = arith.constant 32 : i32
      %add3A_867 = vector.broadcast %add3A_866 : i32 to vector<16xi32>
      %add3A_868 = arith.addi %select_n3A_865, %add3A_867 : vector<16xi32>
      %sub3A_869 = arith.constant 1 : i32
      %sub3A_870 = vector.broadcast %sub3A_869 : i32 to vector<16xi32>
      %sub3A_871 = arith.subi %add3A_868, %sub3A_870 : vector<16xi32>
      %gather3A_872 = tpu.vector_load_idx %arg9[%sub3A_871] : memref<256xf32, #tpu.memory_space<vmem>>[vector<16xi32>], vector<16xf32>,
      %lt3A_873 = arith.cmpf olt, %gather3A_872, %min3A_847 : vector<16xf32>
      %select_n3A_874 = arith.select %lt3A_873, %add3A_868, %select_n3A_865 : vector<16xi1>, vector<16xi32>
      %add3A_875 = arith.constant 16 : i32
      %add3A_876 = vector.broadcast %add3A_875 : i32 to vector<16xi32>
      %add3A_877 = arith.addi %select_n3A_874, %add3A_876 : vector<16xi32>
      %sub3A_878 = arith.constant 1 : i32
      %sub3A_879 = vector.broadcast %sub3A_878 : i32 to vector<16xi32>
      %sub3A_880 = arith.subi %add3A_877, %sub3A_879 : vector<16xi32>
      %gather3A_881 = tpu.vector_load_idx %arg9[%sub3A_880] : memref<256xf32, #tpu.memory_space<vmem>>[vector<16xi32>], vector<16xf32>,
      %lt3A_882 = arith.cmpf olt, %gather3A_881, %min3A_847 : vector<16xf32>
      %select_n3A_883 = arith.select %lt3A_882, %add3A_877, %select_n3A_874 : vector<16xi1>, vector<16xi32>
      %add3A_884 = arith.constant 8 : i32
      %add3A_885 = vector.broadcast %add3A_884 : i32 to vector<16xi32>
      %add3A_886 = arith.addi %select_n3A_883, %add3A_885 : vector<16xi32>
      %sub3A_887 = arith.constant 1 : i32
      %sub3A_888 = vector.broadcast %sub3A_887 : i32 to vector<16xi32>
      %sub3A_889 = arith.subi %add3A_886, %sub3A_888 : vector<16xi32>
      %gather3A_890 = tpu.vector_load_idx %arg9[%sub3A_889] : memref<256xf32, #tpu.memory_space<vmem>>[vector<16xi32>], vector<16xf32>,
      %lt3A_891 = arith.cmpf olt, %gather3A_890, %min3A_847 : vector<16xf32>
      %select_n3A_892 = arith.select %lt3A_891, %add3A_886, %select_n3A_883 : vector<16xi1>, vector<16xi32>
      %add3A_893 = arith.constant 4 : i32
      %add3A_894 = vector.broadcast %add3A_893 : i32 to vector<16xi32>
      %add3A_895 = arith.addi %select_n3A_892, %add3A_894 : vector<16xi32>
      %sub3A_896 = arith.constant 1 : i32
      %sub3A_897 = vector.broadcast %sub3A_896 : i32 to vector<16xi32>
      %sub3A_898 = arith.subi %add3A_895, %sub3A_897 : vector<16xi32>
      %gather3A_899 = tpu.vector_load_idx %arg9[%sub3A_898] : memref<256xf32, #tpu.memory_space<vmem>>[vector<16xi32>], vector<16xf32>,
      %lt3A_900 = arith.cmpf olt, %gather3A_899, %min3A_847 : vector<16xf32>
      %select_n3A_901 = arith.select %lt3A_900, %add3A_895, %select_n3A_892 : vector<16xi1>, vector<16xi32>
      %add3A_902 = arith.constant 2 : i32
      %add3A_903 = vector.broadcast %add3A_902 : i32 to vector<16xi32>
      %add3A_904 = arith.addi %select_n3A_901, %add3A_903 : vector<16xi32>
      %sub3A_905 = arith.constant 1 : i32
      %sub3A_906 = vector.broadcast %sub3A_905 : i32 to vector<16xi32>
      %sub3A_907 = arith.subi %add3A_904, %sub3A_906 : vector<16xi32>
      %gather3A_908 = tpu.vector_load_idx %arg9[%sub3A_907] : memref<256xf32, #tpu.memory_space<vmem>>[vector<16xi32>], vector<16xf32>,
      %lt3A_909 = arith.cmpf olt, %gather3A_908, %min3A_847 : vector<16xf32>
      %select_n3A_910 = arith.select %lt3A_909, %add3A_904, %select_n3A_901 : vector<16xi1>, vector<16xi32>
      %add3A_911 = arith.constant 1 : i32
      %add3A_912 = vector.broadcast %add3A_911 : i32 to vector<16xi32>
      %add3A_913 = arith.addi %select_n3A_910, %add3A_912 : vector<16xi32>
      %sub3A_914 = arith.constant 1 : i32
      %sub3A_915 = vector.broadcast %sub3A_914 : i32 to vector<16xi32>
      %sub3A_916 = arith.subi %add3A_913, %sub3A_915 : vector<16xi32>
      %gather3A_917 = tpu.vector_load_idx %arg9[%sub3A_916] : memref<256xf32, #tpu.memory_space<vmem>>[vector<16xi32>], vector<16xf32>,
      %lt3A_918 = arith.cmpf olt, %gather3A_917, %min3A_847 : vector<16xf32>
      %select_n3A_919 = arith.select %lt3A_918, %add3A_913, %select_n3A_910 : vector<16xi1>, vector<16xi32>
      %sub3A_920 = arith.constant 1 : i32
      %sub3A_921 = vector.broadcast %sub3A_920 : i32 to vector<16xi32>
      %sub3A_922 = arith.subi %select_n3A_919, %sub3A_921 : vector<16xi32>
      %max3A_923 = arith.constant 0 : i32
      %max3A_924 = vector.broadcast %max3A_923 : i32 to vector<16xi32>
      %max3A_925 = arith.maxsi %sub3A_922, %max3A_924 : vector<16xi32>
      %gather3A_926 = tpu.vector_load_idx %arg9[%max3A_925] : memref<256xf32, #tpu.memory_space<vmem>>[vector<16xi32>], vector<16xf32>,
      %add3A_927 = arith.constant 1 : i32
      %add3A_928 = vector.broadcast %add3A_927 : i32 to vector<16xi32>
      %add3A_929 = arith.addi %max3A_925, %add3A_928 : vector<16xi32>
      %gather3A_930 = tpu.vector_load_idx %arg9[%add3A_929] : memref<256xf32, #tpu.memory_space<vmem>>[vector<16xi32>], vector<16xf32>,
      %sub3A_931 = arith.subf %min3A_847, %gather3A_926 : vector<16xf32>
      %sub3A_932 = arith.subf %gather3A_930, %gather3A_926 : vector<16xf32>
      %div3A_933 = arith.divf %sub3A_931, %sub3A_932 : vector<16xf32>
      %sub3A_934 = arith.constant 1.000000e+00 : f32
      %sub3A_935 = vector.broadcast %sub3A_934 : f32 to vector<16xf32>
      %sub3A_936 = arith.subf %sub3A_935, %div3A_933 : vector<16xf32>
      tpu.vector_store_idx %arg12[%add3A_834, %max3A_925], %sub3A_936 : memref<128x255xf32, #tpu.memory_space<vmem>>[vector<16xi32>, vector<16xi32>], vector<16xf32>,
      %add3A_937 = arith.constant 1 : i32
      %add3A_938 = vector.broadcast %add3A_937 : i32 to vector<16xi32>
      %add3A_939 = arith.addi %max3A_925, %add3A_938 : vector<16xi32>
      tpu.vector_store_idx %arg12[%add3A_834, %add3A_939], %div3A_933 : memref<128x255xf32, #tpu.memory_space<vmem>>[vector<16xi32>, vector<16xi32>], vector<16xf32>,
      %swap3A_940 = arith.constant 112 : index
      %swap3A_941 = tpu.vector_load %arg14[%swap3A_940] {strides = array<i32>} : memref<128xi32, #tpu.memory_space<vmem>>, vector<16xi32>,
      tpu.vector_store %arg14[%swap3A_940], %max3A_925 {strides = array<i32>} : memref<128xi32, #tpu.memory_space<vmem>>, vector<16xi32>,
      %mul3A_942 = arith.constant 128 : i32
      %mul3A_943 = arith.muli %mul3A_66, %mul3A_942 : i32
      %add3A_944 = arith.addi %mul3A_2, %mul3A_943 : i32
      %jit3A = arith.constant 4096 : i32
      %div3A_945 = arith.divsi %add3A_944, %jit3A : i32
      %sign3A = arith.constant 0 : i32
      %sign3A_946 = arith.cmpi sgt, %add3A_944, %sign3A : i32
      %sign3A_947 = arith.extui %sign3A_946 : i1 to i32
      %sign3A_948 = arith.constant 0 : i32
      %sign3A_949 = arith.cmpi slt, %add3A_944, %sign3A_948 : i32
      %sign3A_950 = arith.extui %sign3A_949 : i1 to i32
      %sign3A_951 = arith.subi %sign3A_947, %sign3A_950 : i32
      %sign3A_952 = arith.constant 0 : i32
      %sign3A_953 = arith.cmpi sgt, %jit3A, %sign3A_952 : i32
      %sign3A_954 = arith.extui %sign3A_953 : i1 to i32
      %sign3A_955 = arith.constant 0 : i32
      %sign3A_956 = arith.cmpi slt, %jit3A, %sign3A_955 : i32
      %sign3A_957 = arith.extui %sign3A_956 : i1 to i32
      %sign3A_958 = arith.subi %sign3A_954, %sign3A_957 : i32
      %ne3A = arith.cmpi ne, %sign3A_951, %sign3A_958 : i32
      %rem3A = arith.remsi %add3A_944, %jit3A : i32
      %ne3A_959 = arith.constant 0 : i32
      %ne3A_960 = arith.cmpi ne, %rem3A, %ne3A_959 : i32
      %and3A = arith.andi %ne3A, %ne3A_960 : i1
      %sub3A_961 = arith.constant 1 : i32
      %sub3A_962 = arith.subi %div3A_945, %sub3A_961 : i32
      %select_n3A_963 = arith.select %and3A, %sub3A_962, %div3A_945 : i32
      %mul3A_964 = arith.constant 4096 : i32
      %mul3A_965 = arith.muli %select_n3A_963, %mul3A_964 : i32
      %sub3A_966 = arith.subi %add3A_944, %mul3A_965 : i32
      %dma_start3A = arith.constant 0 : i32
      %dma_start3A_967 = tpu.memref_slice %arg7[%select_n3A_963, %sub3A_966, %dma_start3A] : memref<50x4096x255xf32, #tpu.memory_space<hbm>> -> memref<1x128x255xf32, #tpu.memory_space<hbm>>
      %dma_start3A_968 = tpu.memref_squeeze %dma_start3A_967 : memref<1x128x255xf32, #tpu.memory_space<hbm>> -> memref<128x255xf32, #tpu.memory_space<hbm>>
      %dma_start3A_969 = arith.constant 0 : i32
      %dma_start3A_970 = tpu.memref_slice %arg7[%select_n3A_963, %sub3A_966, %dma_start3A_969] : memref<50x4096x255xf32, #tpu.memory_space<hbm>> -> memref<1x128x255xf32, #tpu.memory_space<hbm>>
      %dma_start3A_971 = tpu.memref_squeeze %dma_start3A_970 : memref<1x128x255xf32, #tpu.memory_space<hbm>> -> memref<128x255xf32, #tpu.memory_space<hbm>>
      tpu.enqueue_dma source(%arg12 : memref<128x255xf32, #tpu.memory_space<vmem>>) target(%dma_start3A_971 : memref<128x255xf32, #tpu.memory_space<hbm>>) target_semaphore(%arg16 : memref<!tpu.dma_semaphore, #tpu.memory_space<semaphore_mem>>)
      %mul3A_972 = arith.constant 2 : i32
      %mul3A_973 = arith.muli %mul3A_972, %scan3A_63 : i32
      %add3A_974 = arith.constant 1 : i32
      %add3A_975 = arith.addi %mul3A_973, %add3A_974 : i32
      %ge3A_976 = arith.constant 2 : i32
      %ge3A_977 = arith.cmpi sge, %add3A_975, %ge3A_976 : i32
      %convert_element_type3A_978 = arith.extui %ge3A_977 : i1 to i32
      %cond3A_979 = arith.constant 0 : i32
      %cond3A_980 = arith.cmpi ne, %convert_element_type3A_978, %cond3A_979 : i32
      scf.if %cond3A_980 {
        %dma_wait3A_1898 = arith.constant 0 : i32
        %dma_wait3A_1899 = arith.constant 0 : i32
        %dma_wait3A_1900 = arith.constant 0 : i32
        %dma_wait3A_1901 = tpu.memref_slice %arg7[%dma_wait3A_1898, %dma_wait3A_1899, %dma_wait3A_1900] : memref<50x4096x255xf32, #tpu.memory_space<hbm>> -> memref<1x128x255xf32, #tpu.memory_space<hbm>>
        %dma_wait3A_1902 = tpu.memref_squeeze %dma_wait3A_1901 : memref<1x128x255xf32, #tpu.memory_space<hbm>> -> memref<128x255xf32, #tpu.memory_space<hbm>>
        %dma_wait3A_1903 = arith.constant 0 : i32
        %dma_wait3A_1904 = arith.constant 0 : i32
        %dma_wait3A_1905 = tpu.memref_slice %arg7[%dma_wait3A_1898, %dma_wait3A_1903, %dma_wait3A_1904] : memref<50x4096x255xf32, #tpu.memory_space<hbm>> -> memref<1x128x255xf32, #tpu.memory_space<hbm>>
        %dma_wait3A_1906 = tpu.memref_squeeze %dma_wait3A_1905 : memref<1x128x255xf32, #tpu.memory_space<hbm>> -> memref<128x255xf32, #tpu.memory_space<hbm>>
        tpu.wait_dma2 semaphore(%arg17 : memref<!tpu.dma_semaphore, #tpu.memory_space<semaphore_mem>>) src(%arg13 : memref<128x255xf32, #tpu.memory_space<vmem>>) dst(%dma_wait3A_1906 : memref<128x255xf32, #tpu.memory_space<hbm>>)
      } else {
      }
      %add3A_981 = arith.constant 0 : i32
      %add3A_982 = vector.broadcast %add3A_981 : i32 to vector<16xi32>
      %add3A_983 = arith.addi %add3A_982, %iota3A : vector<16xi32>
      %get3A_984 = arith.constant 0 : index
      %get3A_985 = tpu.vector_load %arg15[%get3A_984] {strides = array<i32>} : memref<128xi32, #tpu.memory_space<vmem>>, vector<16xi32>,
      tpu.vector_store_idx %arg13[%add3A_983, %get3A_985], %broadcast_in_dim3A_3 : memref<128x255xf32, #tpu.memory_space<vmem>>[vector<16xi32>, vector<16xi32>], vector<16xf32>,
      %add3A_986 = arith.constant 1 : i32
      %add3A_987 = vector.broadcast %add3A_986 : i32 to vector<16xi32>
      %add3A_988 = arith.addi %get3A_985, %add3A_987 : vector<16xi32>
      tpu.vector_store_idx %arg13[%add3A_983, %add3A_988], %broadcast_in_dim3A_3 : memref<128x255xf32, #tpu.memory_space<vmem>>[vector<16xi32>, vector<16xi32>], vector<16xf32>,
      %mul3A_989 = arith.constant 128 : i32
      %mul3A_990 = arith.muli %add3A_975, %mul3A_989 : i32
      %add3A_991 = arith.constant 0 : i32
      %add3A_992 = arith.addi %mul3A_990, %add3A_991 : i32
      %get3A_993 = arith.index_cast %add3A_992 : i32 to index
      %get3A_994 = tpu.vector_load %arg8[%get3A_993] {strides = array<i32>} : memref<6400xf32, #tpu.memory_space<vmem>>, vector<16xf32>,
      %max3A_995 = arith.maximumf %get3A_994, %get3A_37 : vector<16xf32>
      %min3A_996 = arith.minimumf %max3A_995, %get3A_39 : vector<16xf32>
      %add3A_997 = arith.constant 128 : i32
      %add3A_998 = vector.broadcast %add3A_997 : i32 to vector<16xi32>
      %add3A_999 = arith.addi %broadcast_in_dim3A_5, %add3A_998 : vector<16xi32>
      %sub3A_1000 = arith.constant 1 : i32
      %sub3A_1001 = vector.broadcast %sub3A_1000 : i32 to vector<16xi32>
      %sub3A_1002 = arith.subi %add3A_999, %sub3A_1001 : vector<16xi32>
      %gather3A_1003 = tpu.vector_load_idx %arg9[%sub3A_1002] : memref<256xf32, #tpu.memory_space<vmem>>[vector<16xi32>], vector<16xf32>,
      %lt3A_1004 = arith.cmpf olt, %gather3A_1003, %min3A_996 : vector<16xf32>
      %select_n3A_1005 = arith.select %lt3A_1004, %add3A_999, %broadcast_in_dim3A_5 : vector<16xi1>, vector<16xi32>
      %add3A_1006 = arith.constant 64 : i32
      %add3A_1007 = vector.broadcast %add3A_1006 : i32 to vector<16xi32>
      %add3A_1008 = arith.addi %select_n3A_1005, %add3A_1007 : vector<16xi32>
      %sub3A_1009 = arith.constant 1 : i32
      %sub3A_1010 = vector.broadcast %sub3A_1009 : i32 to vector<16xi32>
      %sub3A_1011 = arith.subi %add3A_1008, %sub3A_1010 : vector<16xi32>
      %gather3A_1012 = tpu.vector_load_idx %arg9[%sub3A_1011] : memref<256xf32, #tpu.memory_space<vmem>>[vector<16xi32>], vector<16xf32>,
      %lt3A_1013 = arith.cmpf olt, %gather3A_1012, %min3A_996 : vector<16xf32>
      %select_n3A_1014 = arith.select %lt3A_1013, %add3A_1008, %select_n3A_1005 : vector<16xi1>, vector<16xi32>
      %add3A_1015 = arith.constant 32 : i32
      %add3A_1016 = vector.broadcast %add3A_1015 : i32 to vector<16xi32>
      %add3A_1017 = arith.addi %select_n3A_1014, %add3A_1016 : vector<16xi32>
      %sub3A_1018 = arith.constant 1 : i32
      %sub3A_1019 = vector.broadcast %sub3A_1018 : i32 to vector<16xi32>
      %sub3A_1020 = arith.subi %add3A_1017, %sub3A_1019 : vector<16xi32>
      %gather3A_1021 = tpu.vector_load_idx %arg9[%sub3A_1020] : memref<256xf32, #tpu.memory_space<vmem>>[vector<16xi32>], vector<16xf32>,
      %lt3A_1022 = arith.cmpf olt, %gather3A_1021, %min3A_996 : vector<16xf32>
      %select_n3A_1023 = arith.select %lt3A_1022, %add3A_1017, %select_n3A_1014 : vector<16xi1>, vector<16xi32>
      %add3A_1024 = arith.constant 16 : i32
      %add3A_1025 = vector.broadcast %add3A_1024 : i32 to vector<16xi32>
      %add3A_1026 = arith.addi %select_n3A_1023, %add3A_1025 : vector<16xi32>
      %sub3A_1027 = arith.constant 1 : i32
      %sub3A_1028 = vector.broadcast %sub3A_1027 : i32 to vector<16xi32>
      %sub3A_1029 = arith.subi %add3A_1026, %sub3A_1028 : vector<16xi32>
      %gather3A_1030 = tpu.vector_load_idx %arg9[%sub3A_1029] : memref<256xf32, #tpu.memory_space<vmem>>[vector<16xi32>], vector<16xf32>,
      %lt3A_1031 = arith.cmpf olt, %gather3A_1030, %min3A_996 : vector<16xf32>
      %select_n3A_1032 = arith.select %lt3A_1031, %add3A_1026, %select_n3A_1023 : vector<16xi1>, vector<16xi32>
      %add3A_1033 = arith.constant 8 : i32
      %add3A_1034 = vector.broadcast %add3A_1033 : i32 to vector<16xi32>
      %add3A_1035 = arith.addi %select_n3A_1032, %add3A_1034 : vector<16xi32>
      %sub3A_1036 = arith.constant 1 : i32
      %sub3A_1037 = vector.broadcast %sub3A_1036 : i32 to vector<16xi32>
      %sub3A_1038 = arith.subi %add3A_1035, %sub3A_1037 : vector<16xi32>
      %gather3A_1039 = tpu.vector_load_idx %arg9[%sub3A_1038] : memref<256xf32, #tpu.memory_space<vmem>>[vector<16xi32>], vector<16xf32>,
      %lt3A_1040 = arith.cmpf olt, %gather3A_1039, %min3A_996 : vector<16xf32>
      %select_n3A_1041 = arith.select %lt3A_1040, %add3A_1035, %select_n3A_1032 : vector<16xi1>, vector<16xi32>
      %add3A_1042 = arith.constant 4 : i32
      %add3A_1043 = vector.broadcast %add3A_1042 : i32 to vector<16xi32>
      %add3A_1044 = arith.addi %select_n3A_1041, %add3A_1043 : vector<16xi32>
      %sub3A_1045 = arith.constant 1 : i32
      %sub3A_1046 = vector.broadcast %sub3A_1045 : i32 to vector<16xi32>
      %sub3A_1047 = arith.subi %add3A_1044, %sub3A_1046 : vector<16xi32>
      %gather3A_1048 = tpu.vector_load_idx %arg9[%sub3A_1047] : memref<256xf32, #tpu.memory_space<vmem>>[vector<16xi32>], vector<16xf32>,
      %lt3A_1049 = arith.cmpf olt, %gather3A_1048, %min3A_996 : vector<16xf32>
      %select_n3A_1050 = arith.select %lt3A_1049, %add3A_1044, %select_n3A_1041 : vector<16xi1>, vector<16xi32>
      %add3A_1051 = arith.constant 2 : i32
      %add3A_1052 = vector.broadcast %add3A_1051 : i32 to vector<16xi32>
      %add3A_1053 = arith.addi %select_n3A_1050, %add3A_1052 : vector<16xi32>
      %sub3A_1054 = arith.constant 1 : i32
      %sub3A_1055 = vector.broadcast %sub3A_1054 : i32 to vector<16xi32>
      %sub3A_1056 = arith.subi %add3A_1053, %sub3A_1055 : vector<16xi32>
      %gather3A_1057 = tpu.vector_load_idx %arg9[%sub3A_1056] : memref<256xf32, #tpu.memory_space<vmem>>[vector<16xi32>], vector<16xf32>,
      %lt3A_1058 = arith.cmpf olt, %gather3A_1057, %min3A_996 : vector<16xf32>
      %select_n3A_1059 = arith.select %lt3A_1058, %add3A_1053, %select_n3A_1050 : vector<16xi1>, vector<16xi32>
      %add3A_1060 = arith.constant 1 : i32
      %add3A_1061 = vector.broadcast %add3A_1060 : i32 to vector<16xi32>
      %add3A_1062 = arith.addi %select_n3A_1059, %add3A_1061 : vector<16xi32>
      %sub3A_1063 = arith.constant 1 : i32
      %sub3A_1064 = vector.broadcast %sub3A_1063 : i32 to vector<16xi32>
      %sub3A_1065 = arith.subi %add3A_1062, %sub3A_1064 : vector<16xi32>
      %gather3A_1066 = tpu.vector_load_idx %arg9[%sub3A_1065] : memref<256xf32, #tpu.memory_space<vmem>>[vector<16xi32>], vector<16xf32>,
      %lt3A_1067 = arith.cmpf olt, %gather3A_1066, %min3A_996 : vector<16xf32>
      %select_n3A_1068 = arith.select %lt3A_1067, %add3A_1062, %select_n3A_1059 : vector<16xi1>, vector<16xi32>
      %sub3A_1069 = arith.constant 1 : i32
      %sub3A_1070 = vector.broadcast %sub3A_1069 : i32 to vector<16xi32>
      %sub3A_1071 = arith.subi %select_n3A_1068, %sub3A_1070 : vector<16xi32>
      %max3A_1072 = arith.constant 0 : i32
      %max3A_1073 = vector.broadcast %max3A_1072 : i32 to vector<16xi32>
      %max3A_1074 = arith.maxsi %sub3A_1071, %max3A_1073 : vector<16xi32>
      %gather3A_1075 = tpu.vector_load_idx %arg9[%max3A_1074] : memref<256xf32, #tpu.memory_space<vmem>>[vector<16xi32>], vector<16xf32>,
      %add3A_1076 = arith.constant 1 : i32
      %add3A_1077 = vector.broadcast %add3A_1076 : i32 to vector<16xi32>
      %add3A_1078 = arith.addi %max3A_1074, %add3A_1077 : vector<16xi32>
      %gather3A_1079 = tpu.vector_load_idx %arg9[%add3A_1078] : memref<256xf32, #tpu.memory_space<vmem>>[vector<16xi32>], vector<16xf32>,
      %sub3A_1080 = arith.subf %min3A_996, %gather3A_1075 : vector<16xf32>
      %sub3A_1081 = arith.subf %gather3A_1079, %gather3A_1075 : vector<16xf32>
      %div3A_1082 = arith.divf %sub3A_1080, %sub3A_1081 : vector<16xf32>
      %sub3A_1083 = arith.constant 1.000000e+00 : f32
      %sub3A_1084 = vector.broadcast %sub3A_1083 : f32 to vector<16xf32>
      %sub3A_1085 = arith.subf %sub3A_1084, %div3A_1082 : vector<16xf32>
      tpu.vector_store_idx %arg13[%add3A_983, %max3A_1074], %sub3A_1085 : memref<128x255xf32, #tpu.memory_space<vmem>>[vector<16xi32>, vector<16xi32>], vector<16xf32>,
      %add3A_1086 = arith.constant 1 : i32
      %add3A_1087 = vector.broadcast %add3A_1086 : i32 to vector<16xi32>
      %add3A_1088 = arith.addi %max3A_1074, %add3A_1087 : vector<16xi32>
      tpu.vector_store_idx %arg13[%add3A_983, %add3A_1088], %div3A_1082 : memref<128x255xf32, #tpu.memory_space<vmem>>[vector<16xi32>, vector<16xi32>], vector<16xf32>,
      %swap3A_1089 = arith.constant 0 : index
      %swap3A_1090 = tpu.vector_load %arg15[%swap3A_1089] {strides = array<i32>} : memref<128xi32, #tpu.memory_space<vmem>>, vector<16xi32>,
      tpu.vector_store %arg15[%swap3A_1089], %max3A_1074 {strides = array<i32>} : memref<128xi32, #tpu.memory_space<vmem>>, vector<16xi32>,
      %add3A_1091 = arith.constant 16 : i32
      %add3A_1092 = vector.broadcast %add3A_1091 : i32 to vector<16xi32>
      %add3A_1093 = arith.addi %add3A_1092, %iota3A : vector<16xi32>
      %get3A_1094 = arith.constant 16 : index
      %get3A_1095 = tpu.vector_load %arg15[%get3A_1094] {strides = array<i32>} : memref<128xi32, #tpu.memory_space<vmem>>, vector<16xi32>,
      tpu.vector_store_idx %arg13[%add3A_1093, %get3A_1095], %broadcast_in_dim3A_3 : memref<128x255xf32, #tpu.memory_space<vmem>>[vector<16xi32>, vector<16xi32>], vector<16xf32>,
      %add3A_1096 = arith.constant 1 : i32
      %add3A_1097 = vector.broadcast %add3A_1096 : i32 to vector<16xi32>
      %add3A_1098 = arith.addi %get3A_1095, %add3A_1097 : vector<16xi32>
      tpu.vector_store_idx %arg13[%add3A_1093, %add3A_1098], %broadcast_in_dim3A_3 : memref<128x255xf32, #tpu.memory_space<vmem>>[vector<16xi32>, vector<16xi32>], vector<16xf32>,
      %mul3A_1099 = arith.constant 128 : i32
      %mul3A_1100 = arith.muli %add3A_975, %mul3A_1099 : i32
      %add3A_1101 = arith.constant 16 : i32
      %add3A_1102 = arith.addi %mul3A_1100, %add3A_1101 : i32
      %get3A_1103 = arith.index_cast %add3A_1102 : i32 to index
      %get3A_1104 = tpu.vector_load %arg8[%get3A_1103] {strides = array<i32>} : memref<6400xf32, #tpu.memory_space<vmem>>, vector<16xf32>,
      %max3A_1105 = arith.maximumf %get3A_1104, %get3A_37 : vector<16xf32>
      %min3A_1106 = arith.minimumf %max3A_1105, %get3A_39 : vector<16xf32>
      %add3A_1107 = arith.constant 128 : i32
      %add3A_1108 = vector.broadcast %add3A_1107 : i32 to vector<16xi32>
      %add3A_1109 = arith.addi %broadcast_in_dim3A_5, %add3A_1108 : vector<16xi32>
      %sub3A_1110 = arith.constant 1 : i32
      %sub3A_1111 = vector.broadcast %sub3A_1110 : i32 to vector<16xi32>
      %sub3A_1112 = arith.subi %add3A_1109, %sub3A_1111 : vector<16xi32>
      %gather3A_1113 = tpu.vector_load_idx %arg9[%sub3A_1112] : memref<256xf32, #tpu.memory_space<vmem>>[vector<16xi32>], vector<16xf32>,
      %lt3A_1114 = arith.cmpf olt, %gather3A_1113, %min3A_1106 : vector<16xf32>
      %select_n3A_1115 = arith.select %lt3A_1114, %add3A_1109, %broadcast_in_dim3A_5 : vector<16xi1>, vector<16xi32>
      %add3A_1116 = arith.constant 64 : i32
      %add3A_1117 = vector.broadcast %add3A_1116 : i32 to vector<16xi32>
      %add3A_1118 = arith.addi %select_n3A_1115, %add3A_1117 : vector<16xi32>
      %sub3A_1119 = arith.constant 1 : i32
      %sub3A_1120 = vector.broadcast %sub3A_1119 : i32 to vector<16xi32>
      %sub3A_1121 = arith.subi %add3A_1118, %sub3A_1120 : vector<16xi32>
      %gather3A_1122 = tpu.vector_load_idx %arg9[%sub3A_1121] : memref<256xf32, #tpu.memory_space<vmem>>[vector<16xi32>], vector<16xf32>,
      %lt3A_1123 = arith.cmpf olt, %gather3A_1122, %min3A_1106 : vector<16xf32>
      %select_n3A_1124 = arith.select %lt3A_1123, %add3A_1118, %select_n3A_1115 : vector<16xi1>, vector<16xi32>
      %add3A_1125 = arith.constant 32 : i32
      %add3A_1126 = vector.broadcast %add3A_1125 : i32 to vector<16xi32>
      %add3A_1127 = arith.addi %select_n3A_1124, %add3A_1126 : vector<16xi32>
      %sub3A_1128 = arith.constant 1 : i32
      %sub3A_1129 = vector.broadcast %sub3A_1128 : i32 to vector<16xi32>
      %sub3A_1130 = arith.subi %add3A_1127, %sub3A_1129 : vector<16xi32>
      %gather3A_1131 = tpu.vector_load_idx %arg9[%sub3A_1130] : memref<256xf32, #tpu.memory_space<vmem>>[vector<16xi32>], vector<16xf32>,
      %lt3A_1132 = arith.cmpf olt, %gather3A_1131, %min3A_1106 : vector<16xf32>
      %select_n3A_1133 = arith.select %lt3A_1132, %add3A_1127, %select_n3A_1124 : vector<16xi1>, vector<16xi32>
      %add3A_1134 = arith.constant 16 : i32
      %add3A_1135 = vector.broadcast %add3A_1134 : i32 to vector<16xi32>
      %add3A_1136 = arith.addi %select_n3A_1133, %add3A_1135 : vector<16xi32>
      %sub3A_1137 = arith.constant 1 : i32
      %sub3A_1138 = vector.broadcast %sub3A_1137 : i32 to vector<16xi32>
      %sub3A_1139 = arith.subi %add3A_1136, %sub3A_1138 : vector<16xi32>
      %gather3A_1140 = tpu.vector_load_idx %arg9[%sub3A_1139] : memref<256xf32, #tpu.memory_space<vmem>>[vector<16xi32>], vector<16xf32>,
      %lt3A_1141 = arith.cmpf olt, %gather3A_1140, %min3A_1106 : vector<16xf32>
      %select_n3A_1142 = arith.select %lt3A_1141, %add3A_1136, %select_n3A_1133 : vector<16xi1>, vector<16xi32>
      %add3A_1143 = arith.constant 8 : i32
      %add3A_1144 = vector.broadcast %add3A_1143 : i32 to vector<16xi32>
      %add3A_1145 = arith.addi %select_n3A_1142, %add3A_1144 : vector<16xi32>
      %sub3A_1146 = arith.constant 1 : i32
      %sub3A_1147 = vector.broadcast %sub3A_1146 : i32 to vector<16xi32>
      %sub3A_1148 = arith.subi %add3A_1145, %sub3A_1147 : vector<16xi32>
      %gather3A_1149 = tpu.vector_load_idx %arg9[%sub3A_1148] : memref<256xf32, #tpu.memory_space<vmem>>[vector<16xi32>], vector<16xf32>,
      %lt3A_1150 = arith.cmpf olt, %gather3A_1149, %min3A_1106 : vector<16xf32>
      %select_n3A_1151 = arith.select %lt3A_1150, %add3A_1145, %select_n3A_1142 : vector<16xi1>, vector<16xi32>
      %add3A_1152 = arith.constant 4 : i32
      %add3A_1153 = vector.broadcast %add3A_1152 : i32 to vector<16xi32>
      %add3A_1154 = arith.addi %select_n3A_1151, %add3A_1153 : vector<16xi32>
      %sub3A_1155 = arith.constant 1 : i32
      %sub3A_1156 = vector.broadcast %sub3A_1155 : i32 to vector<16xi32>
      %sub3A_1157 = arith.subi %add3A_1154, %sub3A_1156 : vector<16xi32>
      %gather3A_1158 = tpu.vector_load_idx %arg9[%sub3A_1157] : memref<256xf32, #tpu.memory_space<vmem>>[vector<16xi32>], vector<16xf32>,
      %lt3A_1159 = arith.cmpf olt, %gather3A_1158, %min3A_1106 : vector<16xf32>
      %select_n3A_1160 = arith.select %lt3A_1159, %add3A_1154, %select_n3A_1151 : vector<16xi1>, vector<16xi32>
      %add3A_1161 = arith.constant 2 : i32
      %add3A_1162 = vector.broadcast %add3A_1161 : i32 to vector<16xi32>
      %add3A_1163 = arith.addi %select_n3A_1160, %add3A_1162 : vector<16xi32>
      %sub3A_1164 = arith.constant 1 : i32
      %sub3A_1165 = vector.broadcast %sub3A_1164 : i32 to vector<16xi32>
      %sub3A_1166 = arith.subi %add3A_1163, %sub3A_1165 : vector<16xi32>
      %gather3A_1167 = tpu.vector_load_idx %arg9[%sub3A_1166] : memref<256xf32, #tpu.memory_space<vmem>>[vector<16xi32>], vector<16xf32>,
      %lt3A_1168 = arith.cmpf olt, %gather3A_1167, %min3A_1106 : vector<16xf32>
      %select_n3A_1169 = arith.select %lt3A_1168, %add3A_1163, %select_n3A_1160 : vector<16xi1>, vector<16xi32>
      %add3A_1170 = arith.constant 1 : i32
      %add3A_1171 = vector.broadcast %add3A_1170 : i32 to vector<16xi32>
      %add3A_1172 = arith.addi %select_n3A_1169, %add3A_1171 : vector<16xi32>
      %sub3A_1173 = arith.constant 1 : i32
      %sub3A_1174 = vector.broadcast %sub3A_1173 : i32 to vector<16xi32>
      %sub3A_1175 = arith.subi %add3A_1172, %sub3A_1174 : vector<16xi32>
      %gather3A_1176 = tpu.vector_load_idx %arg9[%sub3A_1175] : memref<256xf32, #tpu.memory_space<vmem>>[vector<16xi32>], vector<16xf32>,
      %lt3A_1177 = arith.cmpf olt, %gather3A_1176, %min3A_1106 : vector<16xf32>
      %select_n3A_1178 = arith.select %lt3A_1177, %add3A_1172, %select_n3A_1169 : vector<16xi1>, vector<16xi32>
      %sub3A_1179 = arith.constant 1 : i32
      %sub3A_1180 = vector.broadcast %sub3A_1179 : i32 to vector<16xi32>
      %sub3A_1181 = arith.subi %select_n3A_1178, %sub3A_1180 : vector<16xi32>
      %max3A_1182 = arith.constant 0 : i32
      %max3A_1183 = vector.broadcast %max3A_1182 : i32 to vector<16xi32>
      %max3A_1184 = arith.maxsi %sub3A_1181, %max3A_1183 : vector<16xi32>
      %gather3A_1185 = tpu.vector_load_idx %arg9[%max3A_1184] : memref<256xf32, #tpu.memory_space<vmem>>[vector<16xi32>], vector<16xf32>,
      %add3A_1186 = arith.constant 1 : i32
      %add3A_1187 = vector.broadcast %add3A_1186 : i32 to vector<16xi32>
      %add3A_1188 = arith.addi %max3A_1184, %add3A_1187 : vector<16xi32>
      %gather3A_1189 = tpu.vector_load_idx %arg9[%add3A_1188] : memref<256xf32, #tpu.memory_space<vmem>>[vector<16xi32>], vector<16xf32>,
      %sub3A_1190 = arith.subf %min3A_1106, %gather3A_1185 : vector<16xf32>
      %sub3A_1191 = arith.subf %gather3A_1189, %gather3A_1185 : vector<16xf32>
      %div3A_1192 = arith.divf %sub3A_1190, %sub3A_1191 : vector<16xf32>
      %sub3A_1193 = arith.constant 1.000000e+00 : f32
      %sub3A_1194 = vector.broadcast %sub3A_1193 : f32 to vector<16xf32>
      %sub3A_1195 = arith.subf %sub3A_1194, %div3A_1192 : vector<16xf32>
      tpu.vector_store_idx %arg13[%add3A_1093, %max3A_1184], %sub3A_1195 : memref<128x255xf32, #tpu.memory_space<vmem>>[vector<16xi32>, vector<16xi32>], vector<16xf32>,
      %add3A_1196 = arith.constant 1 : i32
      %add3A_1197 = vector.broadcast %add3A_1196 : i32 to vector<16xi32>
      %add3A_1198 = arith.addi %max3A_1184, %add3A_1197 : vector<16xi32>
      tpu.vector_store_idx %arg13[%add3A_1093, %add3A_1198], %div3A_1192 : memref<128x255xf32, #tpu.memory_space<vmem>>[vector<16xi32>, vector<16xi32>], vector<16xf32>,
      %swap3A_1199 = arith.constant 16 : index
      %swap3A_1200 = tpu.vector_load %arg15[%swap3A_1199] {strides = array<i32>} : memref<128xi32, #tpu.memory_space<vmem>>, vector<16xi32>,
      tpu.vector_store %arg15[%swap3A_1199], %max3A_1184 {strides = array<i32>} : memref<128xi32, #tpu.memory_space<vmem>>, vector<16xi32>,
      %add3A_1201 = arith.constant 32 : i32
      %add3A_1202 = vector.broadcast %add3A_1201 : i32 to vector<16xi32>
      %add3A_1203 = arith.addi %add3A_1202, %iota3A : vector<16xi32>
      %get3A_1204 = arith.constant 32 : index
      %get3A_1205 = tpu.vector_load %arg15[%get3A_1204] {strides = array<i32>} : memref<128xi32, #tpu.memory_space<vmem>>, vector<16xi32>,
      tpu.vector_store_idx %arg13[%add3A_1203, %get3A_1205], %broadcast_in_dim3A_3 : memref<128x255xf32, #tpu.memory_space<vmem>>[vector<16xi32>, vector<16xi32>], vector<16xf32>,
      %add3A_1206 = arith.constant 1 : i32
      %add3A_1207 = vector.broadcast %add3A_1206 : i32 to vector<16xi32>
      %add3A_1208 = arith.addi %get3A_1205, %add3A_1207 : vector<16xi32>
      tpu.vector_store_idx %arg13[%add3A_1203, %add3A_1208], %broadcast_in_dim3A_3 : memref<128x255xf32, #tpu.memory_space<vmem>>[vector<16xi32>, vector<16xi32>], vector<16xf32>,
      %mul3A_1209 = arith.constant 128 : i32
      %mul3A_1210 = arith.muli %add3A_975, %mul3A_1209 : i32
      %add3A_1211 = arith.constant 32 : i32
      %add3A_1212 = arith.addi %mul3A_1210, %add3A_1211 : i32
      %get3A_1213 = arith.index_cast %add3A_1212 : i32 to index
      %get3A_1214 = tpu.vector_load %arg8[%get3A_1213] {strides = array<i32>} : memref<6400xf32, #tpu.memory_space<vmem>>, vector<16xf32>,
      %max3A_1215 = arith.maximumf %get3A_1214, %get3A_37 : vector<16xf32>
      %min3A_1216 = arith.minimumf %max3A_1215, %get3A_39 : vector<16xf32>
      %add3A_1217 = arith.constant 128 : i32
      %add3A_1218 = vector.broadcast %add3A_1217 : i32 to vector<16xi32>
      %add3A_1219 = arith.addi %broadcast_in_dim3A_5, %add3A_1218 : vector<16xi32>
      %sub3A_1220 = arith.constant 1 : i32
      %sub3A_1221 = vector.broadcast %sub3A_1220 : i32 to vector<16xi32>
      %sub3A_1222 = arith.subi %add3A_1219, %sub3A_1221 : vector<16xi32>
      %gather3A_1223 = tpu.vector_load_idx %arg9[%sub3A_1222] : memref<256xf32, #tpu.memory_space<vmem>>[vector<16xi32>], vector<16xf32>,
      %lt3A_1224 = arith.cmpf olt, %gather3A_1223, %min3A_1216 : vector<16xf32>
      %select_n3A_1225 = arith.select %lt3A_1224, %add3A_1219, %broadcast_in_dim3A_5 : vector<16xi1>, vector<16xi32>
      %add3A_1226 = arith.constant 64 : i32
      %add3A_1227 = vector.broadcast %add3A_1226 : i32 to vector<16xi32>
      %add3A_1228 = arith.addi %select_n3A_1225, %add3A_1227 : vector<16xi32>
      %sub3A_1229 = arith.constant 1 : i32
      %sub3A_1230 = vector.broadcast %sub3A_1229 : i32 to vector<16xi32>
      %sub3A_1231 = arith.subi %add3A_1228, %sub3A_1230 : vector<16xi32>
      %gather3A_1232 = tpu.vector_load_idx %arg9[%sub3A_1231] : memref<256xf32, #tpu.memory_space<vmem>>[vector<16xi32>], vector<16xf32>,
      %lt3A_1233 = arith.cmpf olt, %gather3A_1232, %min3A_1216 : vector<16xf32>
      %select_n3A_1234 = arith.select %lt3A_1233, %add3A_1228, %select_n3A_1225 : vector<16xi1>, vector<16xi32>
      %add3A_1235 = arith.constant 32 : i32
      %add3A_1236 = vector.broadcast %add3A_1235 : i32 to vector<16xi32>
      %add3A_1237 = arith.addi %select_n3A_1234, %add3A_1236 : vector<16xi32>
      %sub3A_1238 = arith.constant 1 : i32
      %sub3A_1239 = vector.broadcast %sub3A_1238 : i32 to vector<16xi32>
      %sub3A_1240 = arith.subi %add3A_1237, %sub3A_1239 : vector<16xi32>
      %gather3A_1241 = tpu.vector_load_idx %arg9[%sub3A_1240] : memref<256xf32, #tpu.memory_space<vmem>>[vector<16xi32>], vector<16xf32>,
      %lt3A_1242 = arith.cmpf olt, %gather3A_1241, %min3A_1216 : vector<16xf32>
      %select_n3A_1243 = arith.select %lt3A_1242, %add3A_1237, %select_n3A_1234 : vector<16xi1>, vector<16xi32>
      %add3A_1244 = arith.constant 16 : i32
      %add3A_1245 = vector.broadcast %add3A_1244 : i32 to vector<16xi32>
      %add3A_1246 = arith.addi %select_n3A_1243, %add3A_1245 : vector<16xi32>
      %sub3A_1247 = arith.constant 1 : i32
      %sub3A_1248 = vector.broadcast %sub3A_1247 : i32 to vector<16xi32>
      %sub3A_1249 = arith.subi %add3A_1246, %sub3A_1248 : vector<16xi32>
      %gather3A_1250 = tpu.vector_load_idx %arg9[%sub3A_1249] : memref<256xf32, #tpu.memory_space<vmem>>[vector<16xi32>], vector<16xf32>,
      %lt3A_1251 = arith.cmpf olt, %gather3A_1250, %min3A_1216 : vector<16xf32>
      %select_n3A_1252 = arith.select %lt3A_1251, %add3A_1246, %select_n3A_1243 : vector<16xi1>, vector<16xi32>
      %add3A_1253 = arith.constant 8 : i32
      %add3A_1254 = vector.broadcast %add3A_1253 : i32 to vector<16xi32>
      %add3A_1255 = arith.addi %select_n3A_1252, %add3A_1254 : vector<16xi32>
      %sub3A_1256 = arith.constant 1 : i32
      %sub3A_1257 = vector.broadcast %sub3A_1256 : i32 to vector<16xi32>
      %sub3A_1258 = arith.subi %add3A_1255, %sub3A_1257 : vector<16xi32>
      %gather3A_1259 = tpu.vector_load_idx %arg9[%sub3A_1258] : memref<256xf32, #tpu.memory_space<vmem>>[vector<16xi32>], vector<16xf32>,
      %lt3A_1260 = arith.cmpf olt, %gather3A_1259, %min3A_1216 : vector<16xf32>
      %select_n3A_1261 = arith.select %lt3A_1260, %add3A_1255, %select_n3A_1252 : vector<16xi1>, vector<16xi32>
      %add3A_1262 = arith.constant 4 : i32
      %add3A_1263 = vector.broadcast %add3A_1262 : i32 to vector<16xi32>
      %add3A_1264 = arith.addi %select_n3A_1261, %add3A_1263 : vector<16xi32>
      %sub3A_1265 = arith.constant 1 : i32
      %sub3A_1266 = vector.broadcast %sub3A_1265 : i32 to vector<16xi32>
      %sub3A_1267 = arith.subi %add3A_1264, %sub3A_1266 : vector<16xi32>
      %gather3A_1268 = tpu.vector_load_idx %arg9[%sub3A_1267] : memref<256xf32, #tpu.memory_space<vmem>>[vector<16xi32>], vector<16xf32>,
      %lt3A_1269 = arith.cmpf olt, %gather3A_1268, %min3A_1216 : vector<16xf32>
      %select_n3A_1270 = arith.select %lt3A_1269, %add3A_1264, %select_n3A_1261 : vector<16xi1>, vector<16xi32>
      %add3A_1271 = arith.constant 2 : i32
      %add3A_1272 = vector.broadcast %add3A_1271 : i32 to vector<16xi32>
      %add3A_1273 = arith.addi %select_n3A_1270, %add3A_1272 : vector<16xi32>
      %sub3A_1274 = arith.constant 1 : i32
      %sub3A_1275 = vector.broadcast %sub3A_1274 : i32 to vector<16xi32>
      %sub3A_1276 = arith.subi %add3A_1273, %sub3A_1275 : vector<16xi32>
      %gather3A_1277 = tpu.vector_load_idx %arg9[%sub3A_1276] : memref<256xf32, #tpu.memory_space<vmem>>[vector<16xi32>], vector<16xf32>,
      %lt3A_1278 = arith.cmpf olt, %gather3A_1277, %min3A_1216 : vector<16xf32>
      %select_n3A_1279 = arith.select %lt3A_1278, %add3A_1273, %select_n3A_1270 : vector<16xi1>, vector<16xi32>
      %add3A_1280 = arith.constant 1 : i32
      %add3A_1281 = vector.broadcast %add3A_1280 : i32 to vector<16xi32>
      %add3A_1282 = arith.addi %select_n3A_1279, %add3A_1281 : vector<16xi32>
      %sub3A_1283 = arith.constant 1 : i32
      %sub3A_1284 = vector.broadcast %sub3A_1283 : i32 to vector<16xi32>
      %sub3A_1285 = arith.subi %add3A_1282, %sub3A_1284 : vector<16xi32>
      %gather3A_1286 = tpu.vector_load_idx %arg9[%sub3A_1285] : memref<256xf32, #tpu.memory_space<vmem>>[vector<16xi32>], vector<16xf32>,
      %lt3A_1287 = arith.cmpf olt, %gather3A_1286, %min3A_1216 : vector<16xf32>
      %select_n3A_1288 = arith.select %lt3A_1287, %add3A_1282, %select_n3A_1279 : vector<16xi1>, vector<16xi32>
      %sub3A_1289 = arith.constant 1 : i32
      %sub3A_1290 = vector.broadcast %sub3A_1289 : i32 to vector<16xi32>
      %sub3A_1291 = arith.subi %select_n3A_1288, %sub3A_1290 : vector<16xi32>
      %max3A_1292 = arith.constant 0 : i32
      %max3A_1293 = vector.broadcast %max3A_1292 : i32 to vector<16xi32>
      %max3A_1294 = arith.maxsi %sub3A_1291, %max3A_1293 : vector<16xi32>
      %gather3A_1295 = tpu.vector_load_idx %arg9[%max3A_1294] : memref<256xf32, #tpu.memory_space<vmem>>[vector<16xi32>], vector<16xf32>,
      %add3A_1296 = arith.constant 1 : i32
      %add3A_1297 = vector.broadcast %add3A_1296 : i32 to vector<16xi32>
      %add3A_1298 = arith.addi %max3A_1294, %add3A_1297 : vector<16xi32>
      %gather3A_1299 = tpu.vector_load_idx %arg9[%add3A_1298] : memref<256xf32, #tpu.memory_space<vmem>>[vector<16xi32>], vector<16xf32>,
      %sub3A_1300 = arith.subf %min3A_1216, %gather3A_1295 : vector<16xf32>
      %sub3A_1301 = arith.subf %gather3A_1299, %gather3A_1295 : vector<16xf32>
      %div3A_1302 = arith.divf %sub3A_1300, %sub3A_1301 : vector<16xf32>
      %sub3A_1303 = arith.constant 1.000000e+00 : f32
      %sub3A_1304 = vector.broadcast %sub3A_1303 : f32 to vector<16xf32>
      %sub3A_1305 = arith.subf %sub3A_1304, %div3A_1302 : vector<16xf32>
      tpu.vector_store_idx %arg13[%add3A_1203, %max3A_1294], %sub3A_1305 : memref<128x255xf32, #tpu.memory_space<vmem>>[vector<16xi32>, vector<16xi32>], vector<16xf32>,
      %add3A_1306 = arith.constant 1 : i32
      %add3A_1307 = vector.broadcast %add3A_1306 : i32 to vector<16xi32>
      %add3A_1308 = arith.addi %max3A_1294, %add3A_1307 : vector<16xi32>
      tpu.vector_store_idx %arg13[%add3A_1203, %add3A_1308], %div3A_1302 : memref<128x255xf32, #tpu.memory_space<vmem>>[vector<16xi32>, vector<16xi32>], vector<16xf32>,
      %swap3A_1309 = arith.constant 32 : index
      %swap3A_1310 = tpu.vector_load %arg15[%swap3A_1309] {strides = array<i32>} : memref<128xi32, #tpu.memory_space<vmem>>, vector<16xi32>,
      tpu.vector_store %arg15[%swap3A_1309], %max3A_1294 {strides = array<i32>} : memref<128xi32, #tpu.memory_space<vmem>>, vector<16xi32>,
      %add3A_1311 = arith.constant 48 : i32
      %add3A_1312 = vector.broadcast %add3A_1311 : i32 to vector<16xi32>
      %add3A_1313 = arith.addi %add3A_1312, %iota3A : vector<16xi32>
      %get3A_1314 = arith.constant 48 : index
      %get3A_1315 = tpu.vector_load %arg15[%get3A_1314] {strides = array<i32>} : memref<128xi32, #tpu.memory_space<vmem>>, vector<16xi32>,
      tpu.vector_store_idx %arg13[%add3A_1313, %get3A_1315], %broadcast_in_dim3A_3 : memref<128x255xf32, #tpu.memory_space<vmem>>[vector<16xi32>, vector<16xi32>], vector<16xf32>,
      %add3A_1316 = arith.constant 1 : i32
      %add3A_1317 = vector.broadcast %add3A_1316 : i32 to vector<16xi32>
      %add3A_1318 = arith.addi %get3A_1315, %add3A_1317 : vector<16xi32>
      tpu.vector_store_idx %arg13[%add3A_1313, %add3A_1318], %broadcast_in_dim3A_3 : memref<128x255xf32, #tpu.memory_space<vmem>>[vector<16xi32>, vector<16xi32>], vector<16xf32>,
      %mul3A_1319 = arith.constant 128 : i32
      %mul3A_1320 = arith.muli %add3A_975, %mul3A_1319 : i32
      %add3A_1321 = arith.constant 48 : i32
      %add3A_1322 = arith.addi %mul3A_1320, %add3A_1321 : i32
      %get3A_1323 = arith.index_cast %add3A_1322 : i32 to index
      %get3A_1324 = tpu.vector_load %arg8[%get3A_1323] {strides = array<i32>} : memref<6400xf32, #tpu.memory_space<vmem>>, vector<16xf32>,
      %max3A_1325 = arith.maximumf %get3A_1324, %get3A_37 : vector<16xf32>
      %min3A_1326 = arith.minimumf %max3A_1325, %get3A_39 : vector<16xf32>
      %add3A_1327 = arith.constant 128 : i32
      %add3A_1328 = vector.broadcast %add3A_1327 : i32 to vector<16xi32>
      %add3A_1329 = arith.addi %broadcast_in_dim3A_5, %add3A_1328 : vector<16xi32>
      %sub3A_1330 = arith.constant 1 : i32
      %sub3A_1331 = vector.broadcast %sub3A_1330 : i32 to vector<16xi32>
      %sub3A_1332 = arith.subi %add3A_1329, %sub3A_1331 : vector<16xi32>
      %gather3A_1333 = tpu.vector_load_idx %arg9[%sub3A_1332] : memref<256xf32, #tpu.memory_space<vmem>>[vector<16xi32>], vector<16xf32>,
      %lt3A_1334 = arith.cmpf olt, %gather3A_1333, %min3A_1326 : vector<16xf32>
      %select_n3A_1335 = arith.select %lt3A_1334, %add3A_1329, %broadcast_in_dim3A_5 : vector<16xi1>, vector<16xi32>
      %add3A_1336 = arith.constant 64 : i32
      %add3A_1337 = vector.broadcast %add3A_1336 : i32 to vector<16xi32>
      %add3A_1338 = arith.addi %select_n3A_1335, %add3A_1337 : vector<16xi32>
      %sub3A_1339 = arith.constant 1 : i32
      %sub3A_1340 = vector.broadcast %sub3A_1339 : i32 to vector<16xi32>
      %sub3A_1341 = arith.subi %add3A_1338, %sub3A_1340 : vector<16xi32>
      %gather3A_1342 = tpu.vector_load_idx %arg9[%sub3A_1341] : memref<256xf32, #tpu.memory_space<vmem>>[vector<16xi32>], vector<16xf32>,
      %lt3A_1343 = arith.cmpf olt, %gather3A_1342, %min3A_1326 : vector<16xf32>
      %select_n3A_1344 = arith.select %lt3A_1343, %add3A_1338, %select_n3A_1335 : vector<16xi1>, vector<16xi32>
      %add3A_1345 = arith.constant 32 : i32
      %add3A_1346 = vector.broadcast %add3A_1345 : i32 to vector<16xi32>
      %add3A_1347 = arith.addi %select_n3A_1344, %add3A_1346 : vector<16xi32>
      %sub3A_1348 = arith.constant 1 : i32
      %sub3A_1349 = vector.broadcast %sub3A_1348 : i32 to vector<16xi32>
      %sub3A_1350 = arith.subi %add3A_1347, %sub3A_1349 : vector<16xi32>
      %gather3A_1351 = tpu.vector_load_idx %arg9[%sub3A_1350] : memref<256xf32, #tpu.memory_space<vmem>>[vector<16xi32>], vector<16xf32>,
      %lt3A_1352 = arith.cmpf olt, %gather3A_1351, %min3A_1326 : vector<16xf32>
      %select_n3A_1353 = arith.select %lt3A_1352, %add3A_1347, %select_n3A_1344 : vector<16xi1>, vector<16xi32>
      %add3A_1354 = arith.constant 16 : i32
      %add3A_1355 = vector.broadcast %add3A_1354 : i32 to vector<16xi32>
      %add3A_1356 = arith.addi %select_n3A_1353, %add3A_1355 : vector<16xi32>
      %sub3A_1357 = arith.constant 1 : i32
      %sub3A_1358 = vector.broadcast %sub3A_1357 : i32 to vector<16xi32>
      %sub3A_1359 = arith.subi %add3A_1356, %sub3A_1358 : vector<16xi32>
      %gather3A_1360 = tpu.vector_load_idx %arg9[%sub3A_1359] : memref<256xf32, #tpu.memory_space<vmem>>[vector<16xi32>], vector<16xf32>,
      %lt3A_1361 = arith.cmpf olt, %gather3A_1360, %min3A_1326 : vector<16xf32>
      %select_n3A_1362 = arith.select %lt3A_1361, %add3A_1356, %select_n3A_1353 : vector<16xi1>, vector<16xi32>
      %add3A_1363 = arith.constant 8 : i32
      %add3A_1364 = vector.broadcast %add3A_1363 : i32 to vector<16xi32>
      %add3A_1365 = arith.addi %select_n3A_1362, %add3A_1364 : vector<16xi32>
      %sub3A_1366 = arith.constant 1 : i32
      %sub3A_1367 = vector.broadcast %sub3A_1366 : i32 to vector<16xi32>
      %sub3A_1368 = arith.subi %add3A_1365, %sub3A_1367 : vector<16xi32>
      %gather3A_1369 = tpu.vector_load_idx %arg9[%sub3A_1368] : memref<256xf32, #tpu.memory_space<vmem>>[vector<16xi32>], vector<16xf32>,
      %lt3A_1370 = arith.cmpf olt, %gather3A_1369, %min3A_1326 : vector<16xf32>
      %select_n3A_1371 = arith.select %lt3A_1370, %add3A_1365, %select_n3A_1362 : vector<16xi1>, vector<16xi32>
      %add3A_1372 = arith.constant 4 : i32
      %add3A_1373 = vector.broadcast %add3A_1372 : i32 to vector<16xi32>
      %add3A_1374 = arith.addi %select_n3A_1371, %add3A_1373 : vector<16xi32>
      %sub3A_1375 = arith.constant 1 : i32
      %sub3A_1376 = vector.broadcast %sub3A_1375 : i32 to vector<16xi32>
      %sub3A_1377 = arith.subi %add3A_1374, %sub3A_1376 : vector<16xi32>
      %gather3A_1378 = tpu.vector_load_idx %arg9[%sub3A_1377] : memref<256xf32, #tpu.memory_space<vmem>>[vector<16xi32>], vector<16xf32>,
      %lt3A_1379 = arith.cmpf olt, %gather3A_1378, %min3A_1326 : vector<16xf32>
      %select_n3A_1380 = arith.select %lt3A_1379, %add3A_1374, %select_n3A_1371 : vector<16xi1>, vector<16xi32>
      %add3A_1381 = arith.constant 2 : i32
      %add3A_1382 = vector.broadcast %add3A_1381 : i32 to vector<16xi32>
      %add3A_1383 = arith.addi %select_n3A_1380, %add3A_1382 : vector<16xi32>
      %sub3A_1384 = arith.constant 1 : i32
      %sub3A_1385 = vector.broadcast %sub3A_1384 : i32 to vector<16xi32>
      %sub3A_1386 = arith.subi %add3A_1383, %sub3A_1385 : vector<16xi32>
      %gather3A_1387 = tpu.vector_load_idx %arg9[%sub3A_1386] : memref<256xf32, #tpu.memory_space<vmem>>[vector<16xi32>], vector<16xf32>,
      %lt3A_1388 = arith.cmpf olt, %gather3A_1387, %min3A_1326 : vector<16xf32>
      %select_n3A_1389 = arith.select %lt3A_1388, %add3A_1383, %select_n3A_1380 : vector<16xi1>, vector<16xi32>
      %add3A_1390 = arith.constant 1 : i32
      %add3A_1391 = vector.broadcast %add3A_1390 : i32 to vector<16xi32>
      %add3A_1392 = arith.addi %select_n3A_1389, %add3A_1391 : vector<16xi32>
      %sub3A_1393 = arith.constant 1 : i32
      %sub3A_1394 = vector.broadcast %sub3A_1393 : i32 to vector<16xi32>
      %sub3A_1395 = arith.subi %add3A_1392, %sub3A_1394 : vector<16xi32>
      %gather3A_1396 = tpu.vector_load_idx %arg9[%sub3A_1395] : memref<256xf32, #tpu.memory_space<vmem>>[vector<16xi32>], vector<16xf32>,
      %lt3A_1397 = arith.cmpf olt, %gather3A_1396, %min3A_1326 : vector<16xf32>
      %select_n3A_1398 = arith.select %lt3A_1397, %add3A_1392, %select_n3A_1389 : vector<16xi1>, vector<16xi32>
      %sub3A_1399 = arith.constant 1 : i32
      %sub3A_1400 = vector.broadcast %sub3A_1399 : i32 to vector<16xi32>
      %sub3A_1401 = arith.subi %select_n3A_1398, %sub3A_1400 : vector<16xi32>
      %max3A_1402 = arith.constant 0 : i32
      %max3A_1403 = vector.broadcast %max3A_1402 : i32 to vector<16xi32>
      %max3A_1404 = arith.maxsi %sub3A_1401, %max3A_1403 : vector<16xi32>
      %gather3A_1405 = tpu.vector_load_idx %arg9[%max3A_1404] : memref<256xf32, #tpu.memory_space<vmem>>[vector<16xi32>], vector<16xf32>,
      %add3A_1406 = arith.constant 1 : i32
      %add3A_1407 = vector.broadcast %add3A_1406 : i32 to vector<16xi32>
      %add3A_1408 = arith.addi %max3A_1404, %add3A_1407 : vector<16xi32>
      %gather3A_1409 = tpu.vector_load_idx %arg9[%add3A_1408] : memref<256xf32, #tpu.memory_space<vmem>>[vector<16xi32>], vector<16xf32>,
      %sub3A_1410 = arith.subf %min3A_1326, %gather3A_1405 : vector<16xf32>
      %sub3A_1411 = arith.subf %gather3A_1409, %gather3A_1405 : vector<16xf32>
      %div3A_1412 = arith.divf %sub3A_1410, %sub3A_1411 : vector<16xf32>
      %sub3A_1413 = arith.constant 1.000000e+00 : f32
      %sub3A_1414 = vector.broadcast %sub3A_1413 : f32 to vector<16xf32>
      %sub3A_1415 = arith.subf %sub3A_1414, %div3A_1412 : vector<16xf32>
      tpu.vector_store_idx %arg13[%add3A_1313, %max3A_1404], %sub3A_1415 : memref<128x255xf32, #tpu.memory_space<vmem>>[vector<16xi32>, vector<16xi32>], vector<16xf32>,
      %add3A_1416 = arith.constant 1 : i32
      %add3A_1417 = vector.broadcast %add3A_1416 : i32 to vector<16xi32>
      %add3A_1418 = arith.addi %max3A_1404, %add3A_1417 : vector<16xi32>
      tpu.vector_store_idx %arg13[%add3A_1313, %add3A_1418], %div3A_1412 : memref<128x255xf32, #tpu.memory_space<vmem>>[vector<16xi32>, vector<16xi32>], vector<16xf32>,
      %swap3A_1419 = arith.constant 48 : index
      %swap3A_1420 = tpu.vector_load %arg15[%swap3A_1419] {strides = array<i32>} : memref<128xi32, #tpu.memory_space<vmem>>, vector<16xi32>,
      tpu.vector_store %arg15[%swap3A_1419], %max3A_1404 {strides = array<i32>} : memref<128xi32, #tpu.memory_space<vmem>>, vector<16xi32>,
      %add3A_1421 = arith.constant 64 : i32
      %add3A_1422 = vector.broadcast %add3A_1421 : i32 to vector<16xi32>
      %add3A_1423 = arith.addi %add3A_1422, %iota3A : vector<16xi32>
      %get3A_1424 = arith.constant 64 : index
      %get3A_1425 = tpu.vector_load %arg15[%get3A_1424] {strides = array<i32>} : memref<128xi32, #tpu.memory_space<vmem>>, vector<16xi32>,
      tpu.vector_store_idx %arg13[%add3A_1423, %get3A_1425], %broadcast_in_dim3A_3 : memref<128x255xf32, #tpu.memory_space<vmem>>[vector<16xi32>, vector<16xi32>], vector<16xf32>,
      %add3A_1426 = arith.constant 1 : i32
      %add3A_1427 = vector.broadcast %add3A_1426 : i32 to vector<16xi32>
      %add3A_1428 = arith.addi %get3A_1425, %add3A_1427 : vector<16xi32>
      tpu.vector_store_idx %arg13[%add3A_1423, %add3A_1428], %broadcast_in_dim3A_3 : memref<128x255xf32, #tpu.memory_space<vmem>>[vector<16xi32>, vector<16xi32>], vector<16xf32>,
      %mul3A_1429 = arith.constant 128 : i32
      %mul3A_1430 = arith.muli %add3A_975, %mul3A_1429 : i32
      %add3A_1431 = arith.constant 64 : i32
      %add3A_1432 = arith.addi %mul3A_1430, %add3A_1431 : i32
      %get3A_1433 = arith.index_cast %add3A_1432 : i32 to index
      %get3A_1434 = tpu.vector_load %arg8[%get3A_1433] {strides = array<i32>} : memref<6400xf32, #tpu.memory_space<vmem>>, vector<16xf32>,
      %max3A_1435 = arith.maximumf %get3A_1434, %get3A_37 : vector<16xf32>
      %min3A_1436 = arith.minimumf %max3A_1435, %get3A_39 : vector<16xf32>
      %add3A_1437 = arith.constant 128 : i32
      %add3A_1438 = vector.broadcast %add3A_1437 : i32 to vector<16xi32>
      %add3A_1439 = arith.addi %broadcast_in_dim3A_5, %add3A_1438 : vector<16xi32>
      %sub3A_1440 = arith.constant 1 : i32
      %sub3A_1441 = vector.broadcast %sub3A_1440 : i32 to vector<16xi32>
      %sub3A_1442 = arith.subi %add3A_1439, %sub3A_1441 : vector<16xi32>
      %gather3A_1443 = tpu.vector_load_idx %arg9[%sub3A_1442] : memref<256xf32, #tpu.memory_space<vmem>>[vector<16xi32>], vector<16xf32>,
      %lt3A_1444 = arith.cmpf olt, %gather3A_1443, %min3A_1436 : vector<16xf32>
      %select_n3A_1445 = arith.select %lt3A_1444, %add3A_1439, %broadcast_in_dim3A_5 : vector<16xi1>, vector<16xi32>
      %add3A_1446 = arith.constant 64 : i32
      %add3A_1447 = vector.broadcast %add3A_1446 : i32 to vector<16xi32>
      %add3A_1448 = arith.addi %select_n3A_1445, %add3A_1447 : vector<16xi32>
      %sub3A_1449 = arith.constant 1 : i32
      %sub3A_1450 = vector.broadcast %sub3A_1449 : i32 to vector<16xi32>
      %sub3A_1451 = arith.subi %add3A_1448, %sub3A_1450 : vector<16xi32>
      %gather3A_1452 = tpu.vector_load_idx %arg9[%sub3A_1451] : memref<256xf32, #tpu.memory_space<vmem>>[vector<16xi32>], vector<16xf32>,
      %lt3A_1453 = arith.cmpf olt, %gather3A_1452, %min3A_1436 : vector<16xf32>
      %select_n3A_1454 = arith.select %lt3A_1453, %add3A_1448, %select_n3A_1445 : vector<16xi1>, vector<16xi32>
      %add3A_1455 = arith.constant 32 : i32
      %add3A_1456 = vector.broadcast %add3A_1455 : i32 to vector<16xi32>
      %add3A_1457 = arith.addi %select_n3A_1454, %add3A_1456 : vector<16xi32>
      %sub3A_1458 = arith.constant 1 : i32
      %sub3A_1459 = vector.broadcast %sub3A_1458 : i32 to vector<16xi32>
      %sub3A_1460 = arith.subi %add3A_1457, %sub3A_1459 : vector<16xi32>
      %gather3A_1461 = tpu.vector_load_idx %arg9[%sub3A_1460] : memref<256xf32, #tpu.memory_space<vmem>>[vector<16xi32>], vector<16xf32>,
      %lt3A_1462 = arith.cmpf olt, %gather3A_1461, %min3A_1436 : vector<16xf32>
      %select_n3A_1463 = arith.select %lt3A_1462, %add3A_1457, %select_n3A_1454 : vector<16xi1>, vector<16xi32>
      %add3A_1464 = arith.constant 16 : i32
      %add3A_1465 = vector.broadcast %add3A_1464 : i32 to vector<16xi32>
      %add3A_1466 = arith.addi %select_n3A_1463, %add3A_1465 : vector<16xi32>
      %sub3A_1467 = arith.constant 1 : i32
      %sub3A_1468 = vector.broadcast %sub3A_1467 : i32 to vector<16xi32>
      %sub3A_1469 = arith.subi %add3A_1466, %sub3A_1468 : vector<16xi32>
      %gather3A_1470 = tpu.vector_load_idx %arg9[%sub3A_1469] : memref<256xf32, #tpu.memory_space<vmem>>[vector<16xi32>], vector<16xf32>,
      %lt3A_1471 = arith.cmpf olt, %gather3A_1470, %min3A_1436 : vector<16xf32>
      %select_n3A_1472 = arith.select %lt3A_1471, %add3A_1466, %select_n3A_1463 : vector<16xi1>, vector<16xi32>
      %add3A_1473 = arith.constant 8 : i32
      %add3A_1474 = vector.broadcast %add3A_1473 : i32 to vector<16xi32>
      %add3A_1475 = arith.addi %select_n3A_1472, %add3A_1474 : vector<16xi32>
      %sub3A_1476 = arith.constant 1 : i32
      %sub3A_1477 = vector.broadcast %sub3A_1476 : i32 to vector<16xi32>
      %sub3A_1478 = arith.subi %add3A_1475, %sub3A_1477 : vector<16xi32>
      %gather3A_1479 = tpu.vector_load_idx %arg9[%sub3A_1478] : memref<256xf32, #tpu.memory_space<vmem>>[vector<16xi32>], vector<16xf32>,
      %lt3A_1480 = arith.cmpf olt, %gather3A_1479, %min3A_1436 : vector<16xf32>
      %select_n3A_1481 = arith.select %lt3A_1480, %add3A_1475, %select_n3A_1472 : vector<16xi1>, vector<16xi32>
      %add3A_1482 = arith.constant 4 : i32
      %add3A_1483 = vector.broadcast %add3A_1482 : i32 to vector<16xi32>
      %add3A_1484 = arith.addi %select_n3A_1481, %add3A_1483 : vector<16xi32>
      %sub3A_1485 = arith.constant 1 : i32
      %sub3A_1486 = vector.broadcast %sub3A_1485 : i32 to vector<16xi32>
      %sub3A_1487 = arith.subi %add3A_1484, %sub3A_1486 : vector<16xi32>
      %gather3A_1488 = tpu.vector_load_idx %arg9[%sub3A_1487] : memref<256xf32, #tpu.memory_space<vmem>>[vector<16xi32>], vector<16xf32>,
      %lt3A_1489 = arith.cmpf olt, %gather3A_1488, %min3A_1436 : vector<16xf32>
      %select_n3A_1490 = arith.select %lt3A_1489, %add3A_1484, %select_n3A_1481 : vector<16xi1>, vector<16xi32>
      %add3A_1491 = arith.constant 2 : i32
      %add3A_1492 = vector.broadcast %add3A_1491 : i32 to vector<16xi32>
      %add3A_1493 = arith.addi %select_n3A_1490, %add3A_1492 : vector<16xi32>
      %sub3A_1494 = arith.constant 1 : i32
      %sub3A_1495 = vector.broadcast %sub3A_1494 : i32 to vector<16xi32>
      %sub3A_1496 = arith.subi %add3A_1493, %sub3A_1495 : vector<16xi32>
      %gather3A_1497 = tpu.vector_load_idx %arg9[%sub3A_1496] : memref<256xf32, #tpu.memory_space<vmem>>[vector<16xi32>], vector<16xf32>,
      %lt3A_1498 = arith.cmpf olt, %gather3A_1497, %min3A_1436 : vector<16xf32>
      %select_n3A_1499 = arith.select %lt3A_1498, %add3A_1493, %select_n3A_1490 : vector<16xi1>, vector<16xi32>
      %add3A_1500 = arith.constant 1 : i32
      %add3A_1501 = vector.broadcast %add3A_1500 : i32 to vector<16xi32>
      %add3A_1502 = arith.addi %select_n3A_1499, %add3A_1501 : vector<16xi32>
      %sub3A_1503 = arith.constant 1 : i32
      %sub3A_1504 = vector.broadcast %sub3A_1503 : i32 to vector<16xi32>
      %sub3A_1505 = arith.subi %add3A_1502, %sub3A_1504 : vector<16xi32>
      %gather3A_1506 = tpu.vector_load_idx %arg9[%sub3A_1505] : memref<256xf32, #tpu.memory_space<vmem>>[vector<16xi32>], vector<16xf32>,
      %lt3A_1507 = arith.cmpf olt, %gather3A_1506, %min3A_1436 : vector<16xf32>
      %select_n3A_1508 = arith.select %lt3A_1507, %add3A_1502, %select_n3A_1499 : vector<16xi1>, vector<16xi32>
      %sub3A_1509 = arith.constant 1 : i32
      %sub3A_1510 = vector.broadcast %sub3A_1509 : i32 to vector<16xi32>
      %sub3A_1511 = arith.subi %select_n3A_1508, %sub3A_1510 : vector<16xi32>
      %max3A_1512 = arith.constant 0 : i32
      %max3A_1513 = vector.broadcast %max3A_1512 : i32 to vector<16xi32>
      %max3A_1514 = arith.maxsi %sub3A_1511, %max3A_1513 : vector<16xi32>
      %gather3A_1515 = tpu.vector_load_idx %arg9[%max3A_1514] : memref<256xf32, #tpu.memory_space<vmem>>[vector<16xi32>], vector<16xf32>,
      %add3A_1516 = arith.constant 1 : i32
      %add3A_1517 = vector.broadcast %add3A_1516 : i32 to vector<16xi32>
      %add3A_1518 = arith.addi %max3A_1514, %add3A_1517 : vector<16xi32>
      %gather3A_1519 = tpu.vector_load_idx %arg9[%add3A_1518] : memref<256xf32, #tpu.memory_space<vmem>>[vector<16xi32>], vector<16xf32>,
      %sub3A_1520 = arith.subf %min3A_1436, %gather3A_1515 : vector<16xf32>
      %sub3A_1521 = arith.subf %gather3A_1519, %gather3A_1515 : vector<16xf32>
      %div3A_1522 = arith.divf %sub3A_1520, %sub3A_1521 : vector<16xf32>
      %sub3A_1523 = arith.constant 1.000000e+00 : f32
      %sub3A_1524 = vector.broadcast %sub3A_1523 : f32 to vector<16xf32>
      %sub3A_1525 = arith.subf %sub3A_1524, %div3A_1522 : vector<16xf32>
      tpu.vector_store_idx %arg13[%add3A_1423, %max3A_1514], %sub3A_1525 : memref<128x255xf32, #tpu.memory_space<vmem>>[vector<16xi32>, vector<16xi32>], vector<16xf32>,
      %add3A_1526 = arith.constant 1 : i32
      %add3A_1527 = vector.broadcast %add3A_1526 : i32 to vector<16xi32>
      %add3A_1528 = arith.addi %max3A_1514, %add3A_1527 : vector<16xi32>
      tpu.vector_store_idx %arg13[%add3A_1423, %add3A_1528], %div3A_1522 : memref<128x255xf32, #tpu.memory_space<vmem>>[vector<16xi32>, vector<16xi32>], vector<16xf32>,
      %swap3A_1529 = arith.constant 64 : index
      %swap3A_1530 = tpu.vector_load %arg15[%swap3A_1529] {strides = array<i32>} : memref<128xi32, #tpu.memory_space<vmem>>, vector<16xi32>,
      tpu.vector_store %arg15[%swap3A_1529], %max3A_1514 {strides = array<i32>} : memref<128xi32, #tpu.memory_space<vmem>>, vector<16xi32>,
      %add3A_1531 = arith.constant 80 : i32
      %add3A_1532 = vector.broadcast %add3A_1531 : i32 to vector<16xi32>
      %add3A_1533 = arith.addi %add3A_1532, %iota3A : vector<16xi32>
      %get3A_1534 = arith.constant 80 : index
      %get3A_1535 = tpu.vector_load %arg15[%get3A_1534] {strides = array<i32>} : memref<128xi32, #tpu.memory_space<vmem>>, vector<16xi32>,
      tpu.vector_store_idx %arg13[%add3A_1533, %get3A_1535], %broadcast_in_dim3A_3 : memref<128x255xf32, #tpu.memory_space<vmem>>[vector<16xi32>, vector<16xi32>], vector<16xf32>,
      %add3A_1536 = arith.constant 1 : i32
      %add3A_1537 = vector.broadcast %add3A_1536 : i32 to vector<16xi32>
      %add3A_1538 = arith.addi %get3A_1535, %add3A_1537 : vector<16xi32>
      tpu.vector_store_idx %arg13[%add3A_1533, %add3A_1538], %broadcast_in_dim3A_3 : memref<128x255xf32, #tpu.memory_space<vmem>>[vector<16xi32>, vector<16xi32>], vector<16xf32>,
      %mul3A_1539 = arith.constant 128 : i32
      %mul3A_1540 = arith.muli %add3A_975, %mul3A_1539 : i32
      %add3A_1541 = arith.constant 80 : i32
      %add3A_1542 = arith.addi %mul3A_1540, %add3A_1541 : i32
      %get3A_1543 = arith.index_cast %add3A_1542 : i32 to index
      %get3A_1544 = tpu.vector_load %arg8[%get3A_1543] {strides = array<i32>} : memref<6400xf32, #tpu.memory_space<vmem>>, vector<16xf32>,
      %max3A_1545 = arith.maximumf %get3A_1544, %get3A_37 : vector<16xf32>
      %min3A_1546 = arith.minimumf %max3A_1545, %get3A_39 : vector<16xf32>
      %add3A_1547 = arith.constant 128 : i32
      %add3A_1548 = vector.broadcast %add3A_1547 : i32 to vector<16xi32>
      %add3A_1549 = arith.addi %broadcast_in_dim3A_5, %add3A_1548 : vector<16xi32>
      %sub3A_1550 = arith.constant 1 : i32
      %sub3A_1551 = vector.broadcast %sub3A_1550 : i32 to vector<16xi32>
      %sub3A_1552 = arith.subi %add3A_1549, %sub3A_1551 : vector<16xi32>
      %gather3A_1553 = tpu.vector_load_idx %arg9[%sub3A_1552] : memref<256xf32, #tpu.memory_space<vmem>>[vector<16xi32>], vector<16xf32>,
      %lt3A_1554 = arith.cmpf olt, %gather3A_1553, %min3A_1546 : vector<16xf32>
      %select_n3A_1555 = arith.select %lt3A_1554, %add3A_1549, %broadcast_in_dim3A_5 : vector<16xi1>, vector<16xi32>
      %add3A_1556 = arith.constant 64 : i32
      %add3A_1557 = vector.broadcast %add3A_1556 : i32 to vector<16xi32>
      %add3A_1558 = arith.addi %select_n3A_1555, %add3A_1557 : vector<16xi32>
      %sub3A_1559 = arith.constant 1 : i32
      %sub3A_1560 = vector.broadcast %sub3A_1559 : i32 to vector<16xi32>
      %sub3A_1561 = arith.subi %add3A_1558, %sub3A_1560 : vector<16xi32>
      %gather3A_1562 = tpu.vector_load_idx %arg9[%sub3A_1561] : memref<256xf32, #tpu.memory_space<vmem>>[vector<16xi32>], vector<16xf32>,
      %lt3A_1563 = arith.cmpf olt, %gather3A_1562, %min3A_1546 : vector<16xf32>
      %select_n3A_1564 = arith.select %lt3A_1563, %add3A_1558, %select_n3A_1555 : vector<16xi1>, vector<16xi32>
      %add3A_1565 = arith.constant 32 : i32
      %add3A_1566 = vector.broadcast %add3A_1565 : i32 to vector<16xi32>
      %add3A_1567 = arith.addi %select_n3A_1564, %add3A_1566 : vector<16xi32>
      %sub3A_1568 = arith.constant 1 : i32
      %sub3A_1569 = vector.broadcast %sub3A_1568 : i32 to vector<16xi32>
      %sub3A_1570 = arith.subi %add3A_1567, %sub3A_1569 : vector<16xi32>
      %gather3A_1571 = tpu.vector_load_idx %arg9[%sub3A_1570] : memref<256xf32, #tpu.memory_space<vmem>>[vector<16xi32>], vector<16xf32>,
      %lt3A_1572 = arith.cmpf olt, %gather3A_1571, %min3A_1546 : vector<16xf32>
      %select_n3A_1573 = arith.select %lt3A_1572, %add3A_1567, %select_n3A_1564 : vector<16xi1>, vector<16xi32>
      %add3A_1574 = arith.constant 16 : i32
      %add3A_1575 = vector.broadcast %add3A_1574 : i32 to vector<16xi32>
      %add3A_1576 = arith.addi %select_n3A_1573, %add3A_1575 : vector<16xi32>
      %sub3A_1577 = arith.constant 1 : i32
      %sub3A_1578 = vector.broadcast %sub3A_1577 : i32 to vector<16xi32>
      %sub3A_1579 = arith.subi %add3A_1576, %sub3A_1578 : vector<16xi32>
      %gather3A_1580 = tpu.vector_load_idx %arg9[%sub3A_1579] : memref<256xf32, #tpu.memory_space<vmem>>[vector<16xi32>], vector<16xf32>,
      %lt3A_1581 = arith.cmpf olt, %gather3A_1580, %min3A_1546 : vector<16xf32>
      %select_n3A_1582 = arith.select %lt3A_1581, %add3A_1576, %select_n3A_1573 : vector<16xi1>, vector<16xi32>
      %add3A_1583 = arith.constant 8 : i32
      %add3A_1584 = vector.broadcast %add3A_1583 : i32 to vector<16xi32>
      %add3A_1585 = arith.addi %select_n3A_1582, %add3A_1584 : vector<16xi32>
      %sub3A_1586 = arith.constant 1 : i32
      %sub3A_1587 = vector.broadcast %sub3A_1586 : i32 to vector<16xi32>
      %sub3A_1588 = arith.subi %add3A_1585, %sub3A_1587 : vector<16xi32>
      %gather3A_1589 = tpu.vector_load_idx %arg9[%sub3A_1588] : memref<256xf32, #tpu.memory_space<vmem>>[vector<16xi32>], vector<16xf32>,
      %lt3A_1590 = arith.cmpf olt, %gather3A_1589, %min3A_1546 : vector<16xf32>
      %select_n3A_1591 = arith.select %lt3A_1590, %add3A_1585, %select_n3A_1582 : vector<16xi1>, vector<16xi32>
      %add3A_1592 = arith.constant 4 : i32
      %add3A_1593 = vector.broadcast %add3A_1592 : i32 to vector<16xi32>
      %add3A_1594 = arith.addi %select_n3A_1591, %add3A_1593 : vector<16xi32>
      %sub3A_1595 = arith.constant 1 : i32
      %sub3A_1596 = vector.broadcast %sub3A_1595 : i32 to vector<16xi32>
      %sub3A_1597 = arith.subi %add3A_1594, %sub3A_1596 : vector<16xi32>
      %gather3A_1598 = tpu.vector_load_idx %arg9[%sub3A_1597] : memref<256xf32, #tpu.memory_space<vmem>>[vector<16xi32>], vector<16xf32>,
      %lt3A_1599 = arith.cmpf olt, %gather3A_1598, %min3A_1546 : vector<16xf32>
      %select_n3A_1600 = arith.select %lt3A_1599, %add3A_1594, %select_n3A_1591 : vector<16xi1>, vector<16xi32>
      %add3A_1601 = arith.constant 2 : i32
      %add3A_1602 = vector.broadcast %add3A_1601 : i32 to vector<16xi32>
      %add3A_1603 = arith.addi %select_n3A_1600, %add3A_1602 : vector<16xi32>
      %sub3A_1604 = arith.constant 1 : i32
      %sub3A_1605 = vector.broadcast %sub3A_1604 : i32 to vector<16xi32>
      %sub3A_1606 = arith.subi %add3A_1603, %sub3A_1605 : vector<16xi32>
      %gather3A_1607 = tpu.vector_load_idx %arg9[%sub3A_1606] : memref<256xf32, #tpu.memory_space<vmem>>[vector<16xi32>], vector<16xf32>,
      %lt3A_1608 = arith.cmpf olt, %gather3A_1607, %min3A_1546 : vector<16xf32>
      %select_n3A_1609 = arith.select %lt3A_1608, %add3A_1603, %select_n3A_1600 : vector<16xi1>, vector<16xi32>
      %add3A_1610 = arith.constant 1 : i32
      %add3A_1611 = vector.broadcast %add3A_1610 : i32 to vector<16xi32>
      %add3A_1612 = arith.addi %select_n3A_1609, %add3A_1611 : vector<16xi32>
      %sub3A_1613 = arith.constant 1 : i32
      %sub3A_1614 = vector.broadcast %sub3A_1613 : i32 to vector<16xi32>
      %sub3A_1615 = arith.subi %add3A_1612, %sub3A_1614 : vector<16xi32>
      %gather3A_1616 = tpu.vector_load_idx %arg9[%sub3A_1615] : memref<256xf32, #tpu.memory_space<vmem>>[vector<16xi32>], vector<16xf32>,
      %lt3A_1617 = arith.cmpf olt, %gather3A_1616, %min3A_1546 : vector<16xf32>
      %select_n3A_1618 = arith.select %lt3A_1617, %add3A_1612, %select_n3A_1609 : vector<16xi1>, vector<16xi32>
      %sub3A_1619 = arith.constant 1 : i32
      %sub3A_1620 = vector.broadcast %sub3A_1619 : i32 to vector<16xi32>
      %sub3A_1621 = arith.subi %select_n3A_1618, %sub3A_1620 : vector<16xi32>
      %max3A_1622 = arith.constant 0 : i32
      %max3A_1623 = vector.broadcast %max3A_1622 : i32 to vector<16xi32>
      %max3A_1624 = arith.maxsi %sub3A_1621, %max3A_1623 : vector<16xi32>
      %gather3A_1625 = tpu.vector_load_idx %arg9[%max3A_1624] : memref<256xf32, #tpu.memory_space<vmem>>[vector<16xi32>], vector<16xf32>,
      %add3A_1626 = arith.constant 1 : i32
      %add3A_1627 = vector.broadcast %add3A_1626 : i32 to vector<16xi32>
      %add3A_1628 = arith.addi %max3A_1624, %add3A_1627 : vector<16xi32>
      %gather3A_1629 = tpu.vector_load_idx %arg9[%add3A_1628] : memref<256xf32, #tpu.memory_space<vmem>>[vector<16xi32>], vector<16xf32>,
      %sub3A_1630 = arith.subf %min3A_1546, %gather3A_1625 : vector<16xf32>
      %sub3A_1631 = arith.subf %gather3A_1629, %gather3A_1625 : vector<16xf32>
      %div3A_1632 = arith.divf %sub3A_1630, %sub3A_1631 : vector<16xf32>
      %sub3A_1633 = arith.constant 1.000000e+00 : f32
      %sub3A_1634 = vector.broadcast %sub3A_1633 : f32 to vector<16xf32>
      %sub3A_1635 = arith.subf %sub3A_1634, %div3A_1632 : vector<16xf32>
      tpu.vector_store_idx %arg13[%add3A_1533, %max3A_1624], %sub3A_1635 : memref<128x255xf32, #tpu.memory_space<vmem>>[vector<16xi32>, vector<16xi32>], vector<16xf32>,
      %add3A_1636 = arith.constant 1 : i32
      %add3A_1637 = vector.broadcast %add3A_1636 : i32 to vector<16xi32>
      %add3A_1638 = arith.addi %max3A_1624, %add3A_1637 : vector<16xi32>
      tpu.vector_store_idx %arg13[%add3A_1533, %add3A_1638], %div3A_1632 : memref<128x255xf32, #tpu.memory_space<vmem>>[vector<16xi32>, vector<16xi32>], vector<16xf32>,
      %swap3A_1639 = arith.constant 80 : index
      %swap3A_1640 = tpu.vector_load %arg15[%swap3A_1639] {strides = array<i32>} : memref<128xi32, #tpu.memory_space<vmem>>, vector<16xi32>,
      tpu.vector_store %arg15[%swap3A_1639], %max3A_1624 {strides = array<i32>} : memref<128xi32, #tpu.memory_space<vmem>>, vector<16xi32>,
      %add3A_1641 = arith.constant 96 : i32
      %add3A_1642 = vector.broadcast %add3A_1641 : i32 to vector<16xi32>
      %add3A_1643 = arith.addi %add3A_1642, %iota3A : vector<16xi32>
      %get3A_1644 = arith.constant 96 : index
      %get3A_1645 = tpu.vector_load %arg15[%get3A_1644] {strides = array<i32>} : memref<128xi32, #tpu.memory_space<vmem>>, vector<16xi32>,
      tpu.vector_store_idx %arg13[%add3A_1643, %get3A_1645], %broadcast_in_dim3A_3 : memref<128x255xf32, #tpu.memory_space<vmem>>[vector<16xi32>, vector<16xi32>], vector<16xf32>,
      %add3A_1646 = arith.constant 1 : i32
      %add3A_1647 = vector.broadcast %add3A_1646 : i32 to vector<16xi32>
      %add3A_1648 = arith.addi %get3A_1645, %add3A_1647 : vector<16xi32>
      tpu.vector_store_idx %arg13[%add3A_1643, %add3A_1648], %broadcast_in_dim3A_3 : memref<128x255xf32, #tpu.memory_space<vmem>>[vector<16xi32>, vector<16xi32>], vector<16xf32>,
      %mul3A_1649 = arith.constant 128 : i32
      %mul3A_1650 = arith.muli %add3A_975, %mul3A_1649 : i32
      %add3A_1651 = arith.constant 96 : i32
      %add3A_1652 = arith.addi %mul3A_1650, %add3A_1651 : i32
      %get3A_1653 = arith.index_cast %add3A_1652 : i32 to index
      %get3A_1654 = tpu.vector_load %arg8[%get3A_1653] {strides = array<i32>} : memref<6400xf32, #tpu.memory_space<vmem>>, vector<16xf32>,
      %max3A_1655 = arith.maximumf %get3A_1654, %get3A_37 : vector<16xf32>
      %min3A_1656 = arith.minimumf %max3A_1655, %get3A_39 : vector<16xf32>
      %add3A_1657 = arith.constant 128 : i32
      %add3A_1658 = vector.broadcast %add3A_1657 : i32 to vector<16xi32>
      %add3A_1659 = arith.addi %broadcast_in_dim3A_5, %add3A_1658 : vector<16xi32>
      %sub3A_1660 = arith.constant 1 : i32
      %sub3A_1661 = vector.broadcast %sub3A_1660 : i32 to vector<16xi32>
      %sub3A_1662 = arith.subi %add3A_1659, %sub3A_1661 : vector<16xi32>
      %gather3A_1663 = tpu.vector_load_idx %arg9[%sub3A_1662] : memref<256xf32, #tpu.memory_space<vmem>>[vector<16xi32>], vector<16xf32>,
      %lt3A_1664 = arith.cmpf olt, %gather3A_1663, %min3A_1656 : vector<16xf32>
      %select_n3A_1665 = arith.select %lt3A_1664, %add3A_1659, %broadcast_in_dim3A_5 : vector<16xi1>, vector<16xi32>
      %add3A_1666 = arith.constant 64 : i32
      %add3A_1667 = vector.broadcast %add3A_1666 : i32 to vector<16xi32>
      %add3A_1668 = arith.addi %select_n3A_1665, %add3A_1667 : vector<16xi32>
      %sub3A_1669 = arith.constant 1 : i32
      %sub3A_1670 = vector.broadcast %sub3A_1669 : i32 to vector<16xi32>
      %sub3A_1671 = arith.subi %add3A_1668, %sub3A_1670 : vector<16xi32>
      %gather3A_1672 = tpu.vector_load_idx %arg9[%sub3A_1671] : memref<256xf32, #tpu.memory_space<vmem>>[vector<16xi32>], vector<16xf32>,
      %lt3A_1673 = arith.cmpf olt, %gather3A_1672, %min3A_1656 : vector<16xf32>
      %select_n3A_1674 = arith.select %lt3A_1673, %add3A_1668, %select_n3A_1665 : vector<16xi1>, vector<16xi32>
      %add3A_1675 = arith.constant 32 : i32
      %add3A_1676 = vector.broadcast %add3A_1675 : i32 to vector<16xi32>
      %add3A_1677 = arith.addi %select_n3A_1674, %add3A_1676 : vector<16xi32>
      %sub3A_1678 = arith.constant 1 : i32
      %sub3A_1679 = vector.broadcast %sub3A_1678 : i32 to vector<16xi32>
      %sub3A_1680 = arith.subi %add3A_1677, %sub3A_1679 : vector<16xi32>
      %gather3A_1681 = tpu.vector_load_idx %arg9[%sub3A_1680] : memref<256xf32, #tpu.memory_space<vmem>>[vector<16xi32>], vector<16xf32>,
      %lt3A_1682 = arith.cmpf olt, %gather3A_1681, %min3A_1656 : vector<16xf32>
      %select_n3A_1683 = arith.select %lt3A_1682, %add3A_1677, %select_n3A_1674 : vector<16xi1>, vector<16xi32>
      %add3A_1684 = arith.constant 16 : i32
      %add3A_1685 = vector.broadcast %add3A_1684 : i32 to vector<16xi32>
      %add3A_1686 = arith.addi %select_n3A_1683, %add3A_1685 : vector<16xi32>
      %sub3A_1687 = arith.constant 1 : i32
      %sub3A_1688 = vector.broadcast %sub3A_1687 : i32 to vector<16xi32>
      %sub3A_1689 = arith.subi %add3A_1686, %sub3A_1688 : vector<16xi32>
      %gather3A_1690 = tpu.vector_load_idx %arg9[%sub3A_1689] : memref<256xf32, #tpu.memory_space<vmem>>[vector<16xi32>], vector<16xf32>,
      %lt3A_1691 = arith.cmpf olt, %gather3A_1690, %min3A_1656 : vector<16xf32>
      %select_n3A_1692 = arith.select %lt3A_1691, %add3A_1686, %select_n3A_1683 : vector<16xi1>, vector<16xi32>
      %add3A_1693 = arith.constant 8 : i32
      %add3A_1694 = vector.broadcast %add3A_1693 : i32 to vector<16xi32>
      %add3A_1695 = arith.addi %select_n3A_1692, %add3A_1694 : vector<16xi32>
      %sub3A_1696 = arith.constant 1 : i32
      %sub3A_1697 = vector.broadcast %sub3A_1696 : i32 to vector<16xi32>
      %sub3A_1698 = arith.subi %add3A_1695, %sub3A_1697 : vector<16xi32>
      %gather3A_1699 = tpu.vector_load_idx %arg9[%sub3A_1698] : memref<256xf32, #tpu.memory_space<vmem>>[vector<16xi32>], vector<16xf32>,
      %lt3A_1700 = arith.cmpf olt, %gather3A_1699, %min3A_1656 : vector<16xf32>
      %select_n3A_1701 = arith.select %lt3A_1700, %add3A_1695, %select_n3A_1692 : vector<16xi1>, vector<16xi32>
      %add3A_1702 = arith.constant 4 : i32
      %add3A_1703 = vector.broadcast %add3A_1702 : i32 to vector<16xi32>
      %add3A_1704 = arith.addi %select_n3A_1701, %add3A_1703 : vector<16xi32>
      %sub3A_1705 = arith.constant 1 : i32
      %sub3A_1706 = vector.broadcast %sub3A_1705 : i32 to vector<16xi32>
      %sub3A_1707 = arith.subi %add3A_1704, %sub3A_1706 : vector<16xi32>
      %gather3A_1708 = tpu.vector_load_idx %arg9[%sub3A_1707] : memref<256xf32, #tpu.memory_space<vmem>>[vector<16xi32>], vector<16xf32>,
      %lt3A_1709 = arith.cmpf olt, %gather3A_1708, %min3A_1656 : vector<16xf32>
      %select_n3A_1710 = arith.select %lt3A_1709, %add3A_1704, %select_n3A_1701 : vector<16xi1>, vector<16xi32>
      %add3A_1711 = arith.constant 2 : i32
      %add3A_1712 = vector.broadcast %add3A_1711 : i32 to vector<16xi32>
      %add3A_1713 = arith.addi %select_n3A_1710, %add3A_1712 : vector<16xi32>
      %sub3A_1714 = arith.constant 1 : i32
      %sub3A_1715 = vector.broadcast %sub3A_1714 : i32 to vector<16xi32>
      %sub3A_1716 = arith.subi %add3A_1713, %sub3A_1715 : vector<16xi32>
      %gather3A_1717 = tpu.vector_load_idx %arg9[%sub3A_1716] : memref<256xf32, #tpu.memory_space<vmem>>[vector<16xi32>], vector<16xf32>,
      %lt3A_1718 = arith.cmpf olt, %gather3A_1717, %min3A_1656 : vector<16xf32>
      %select_n3A_1719 = arith.select %lt3A_1718, %add3A_1713, %select_n3A_1710 : vector<16xi1>, vector<16xi32>
      %add3A_1720 = arith.constant 1 : i32
      %add3A_1721 = vector.broadcast %add3A_1720 : i32 to vector<16xi32>
      %add3A_1722 = arith.addi %select_n3A_1719, %add3A_1721 : vector<16xi32>
      %sub3A_1723 = arith.constant 1 : i32
      %sub3A_1724 = vector.broadcast %sub3A_1723 : i32 to vector<16xi32>
      %sub3A_1725 = arith.subi %add3A_1722, %sub3A_1724 : vector<16xi32>
      %gather3A_1726 = tpu.vector_load_idx %arg9[%sub3A_1725] : memref<256xf32, #tpu.memory_space<vmem>>[vector<16xi32>], vector<16xf32>,
      %lt3A_1727 = arith.cmpf olt, %gather3A_1726, %min3A_1656 : vector<16xf32>
      %select_n3A_1728 = arith.select %lt3A_1727, %add3A_1722, %select_n3A_1719 : vector<16xi1>, vector<16xi32>
      %sub3A_1729 = arith.constant 1 : i32
      %sub3A_1730 = vector.broadcast %sub3A_1729 : i32 to vector<16xi32>
      %sub3A_1731 = arith.subi %select_n3A_1728, %sub3A_1730 : vector<16xi32>
      %max3A_1732 = arith.constant 0 : i32
      %max3A_1733 = vector.broadcast %max3A_1732 : i32 to vector<16xi32>
      %max3A_1734 = arith.maxsi %sub3A_1731, %max3A_1733 : vector<16xi32>
      %gather3A_1735 = tpu.vector_load_idx %arg9[%max3A_1734] : memref<256xf32, #tpu.memory_space<vmem>>[vector<16xi32>], vector<16xf32>,
      %add3A_1736 = arith.constant 1 : i32
      %add3A_1737 = vector.broadcast %add3A_1736 : i32 to vector<16xi32>
      %add3A_1738 = arith.addi %max3A_1734, %add3A_1737 : vector<16xi32>
      %gather3A_1739 = tpu.vector_load_idx %arg9[%add3A_1738] : memref<256xf32, #tpu.memory_space<vmem>>[vector<16xi32>], vector<16xf32>,
      %sub3A_1740 = arith.subf %min3A_1656, %gather3A_1735 : vector<16xf32>
      %sub3A_1741 = arith.subf %gather3A_1739, %gather3A_1735 : vector<16xf32>
      %div3A_1742 = arith.divf %sub3A_1740, %sub3A_1741 : vector<16xf32>
      %sub3A_1743 = arith.constant 1.000000e+00 : f32
      %sub3A_1744 = vector.broadcast %sub3A_1743 : f32 to vector<16xf32>
      %sub3A_1745 = arith.subf %sub3A_1744, %div3A_1742 : vector<16xf32>
      tpu.vector_store_idx %arg13[%add3A_1643, %max3A_1734], %sub3A_1745 : memref<128x255xf32, #tpu.memory_space<vmem>>[vector<16xi32>, vector<16xi32>], vector<16xf32>,
      %add3A_1746 = arith.constant 1 : i32
      %add3A_1747 = vector.broadcast %add3A_1746 : i32 to vector<16xi32>
      %add3A_1748 = arith.addi %max3A_1734, %add3A_1747 : vector<16xi32>
      tpu.vector_store_idx %arg13[%add3A_1643, %add3A_1748], %div3A_1742 : memref<128x255xf32, #tpu.memory_space<vmem>>[vector<16xi32>, vector<16xi32>], vector<16xf32>,
      %swap3A_1749 = arith.constant 96 : index
      %swap3A_1750 = tpu.vector_load %arg15[%swap3A_1749] {strides = array<i32>} : memref<128xi32, #tpu.memory_space<vmem>>, vector<16xi32>,
      tpu.vector_store %arg15[%swap3A_1749], %max3A_1734 {strides = array<i32>} : memref<128xi32, #tpu.memory_space<vmem>>, vector<16xi32>,
      %add3A_1751 = arith.constant 112 : i32
      %add3A_1752 = vector.broadcast %add3A_1751 : i32 to vector<16xi32>
      %add3A_1753 = arith.addi %add3A_1752, %iota3A : vector<16xi32>
      %get3A_1754 = arith.constant 112 : index
      %get3A_1755 = tpu.vector_load %arg15[%get3A_1754] {strides = array<i32>} : memref<128xi32, #tpu.memory_space<vmem>>, vector<16xi32>,
      tpu.vector_store_idx %arg13[%add3A_1753, %get3A_1755], %broadcast_in_dim3A_3 : memref<128x255xf32, #tpu.memory_space<vmem>>[vector<16xi32>, vector<16xi32>], vector<16xf32>,
      %add3A_1756 = arith.constant 1 : i32
      %add3A_1757 = vector.broadcast %add3A_1756 : i32 to vector<16xi32>
      %add3A_1758 = arith.addi %get3A_1755, %add3A_1757 : vector<16xi32>
      tpu.vector_store_idx %arg13[%add3A_1753, %add3A_1758], %broadcast_in_dim3A_3 : memref<128x255xf32, #tpu.memory_space<vmem>>[vector<16xi32>, vector<16xi32>], vector<16xf32>,
      %mul3A_1759 = arith.constant 128 : i32
      %mul3A_1760 = arith.muli %add3A_975, %mul3A_1759 : i32
      %add3A_1761 = arith.constant 112 : i32
      %add3A_1762 = arith.addi %mul3A_1760, %add3A_1761 : i32
      %get3A_1763 = arith.index_cast %add3A_1762 : i32 to index
      %get3A_1764 = tpu.vector_load %arg8[%get3A_1763] {strides = array<i32>} : memref<6400xf32, #tpu.memory_space<vmem>>, vector<16xf32>,
      %max3A_1765 = arith.maximumf %get3A_1764, %get3A_37 : vector<16xf32>
      %min3A_1766 = arith.minimumf %max3A_1765, %get3A_39 : vector<16xf32>
      %add3A_1767 = arith.constant 128 : i32
      %add3A_1768 = vector.broadcast %add3A_1767 : i32 to vector<16xi32>
      %add3A_1769 = arith.addi %broadcast_in_dim3A_5, %add3A_1768 : vector<16xi32>
      %sub3A_1770 = arith.constant 1 : i32
      %sub3A_1771 = vector.broadcast %sub3A_1770 : i32 to vector<16xi32>
      %sub3A_1772 = arith.subi %add3A_1769, %sub3A_1771 : vector<16xi32>
      %gather3A_1773 = tpu.vector_load_idx %arg9[%sub3A_1772] : memref<256xf32, #tpu.memory_space<vmem>>[vector<16xi32>], vector<16xf32>,
      %lt3A_1774 = arith.cmpf olt, %gather3A_1773, %min3A_1766 : vector<16xf32>
      %select_n3A_1775 = arith.select %lt3A_1774, %add3A_1769, %broadcast_in_dim3A_5 : vector<16xi1>, vector<16xi32>
      %add3A_1776 = arith.constant 64 : i32
      %add3A_1777 = vector.broadcast %add3A_1776 : i32 to vector<16xi32>
      %add3A_1778 = arith.addi %select_n3A_1775, %add3A_1777 : vector<16xi32>
      %sub3A_1779 = arith.constant 1 : i32
      %sub3A_1780 = vector.broadcast %sub3A_1779 : i32 to vector<16xi32>
      %sub3A_1781 = arith.subi %add3A_1778, %sub3A_1780 : vector<16xi32>
      %gather3A_1782 = tpu.vector_load_idx %arg9[%sub3A_1781] : memref<256xf32, #tpu.memory_space<vmem>>[vector<16xi32>], vector<16xf32>,
      %lt3A_1783 = arith.cmpf olt, %gather3A_1782, %min3A_1766 : vector<16xf32>
      %select_n3A_1784 = arith.select %lt3A_1783, %add3A_1778, %select_n3A_1775 : vector<16xi1>, vector<16xi32>
      %add3A_1785 = arith.constant 32 : i32
      %add3A_1786 = vector.broadcast %add3A_1785 : i32 to vector<16xi32>
      %add3A_1787 = arith.addi %select_n3A_1784, %add3A_1786 : vector<16xi32>
      %sub3A_1788 = arith.constant 1 : i32
      %sub3A_1789 = vector.broadcast %sub3A_1788 : i32 to vector<16xi32>
      %sub3A_1790 = arith.subi %add3A_1787, %sub3A_1789 : vector<16xi32>
      %gather3A_1791 = tpu.vector_load_idx %arg9[%sub3A_1790] : memref<256xf32, #tpu.memory_space<vmem>>[vector<16xi32>], vector<16xf32>,
      %lt3A_1792 = arith.cmpf olt, %gather3A_1791, %min3A_1766 : vector<16xf32>
      %select_n3A_1793 = arith.select %lt3A_1792, %add3A_1787, %select_n3A_1784 : vector<16xi1>, vector<16xi32>
      %add3A_1794 = arith.constant 16 : i32
      %add3A_1795 = vector.broadcast %add3A_1794 : i32 to vector<16xi32>
      %add3A_1796 = arith.addi %select_n3A_1793, %add3A_1795 : vector<16xi32>
      %sub3A_1797 = arith.constant 1 : i32
      %sub3A_1798 = vector.broadcast %sub3A_1797 : i32 to vector<16xi32>
      %sub3A_1799 = arith.subi %add3A_1796, %sub3A_1798 : vector<16xi32>
      %gather3A_1800 = tpu.vector_load_idx %arg9[%sub3A_1799] : memref<256xf32, #tpu.memory_space<vmem>>[vector<16xi32>], vector<16xf32>,
      %lt3A_1801 = arith.cmpf olt, %gather3A_1800, %min3A_1766 : vector<16xf32>
      %select_n3A_1802 = arith.select %lt3A_1801, %add3A_1796, %select_n3A_1793 : vector<16xi1>, vector<16xi32>
      %add3A_1803 = arith.constant 8 : i32
      %add3A_1804 = vector.broadcast %add3A_1803 : i32 to vector<16xi32>
      %add3A_1805 = arith.addi %select_n3A_1802, %add3A_1804 : vector<16xi32>
      %sub3A_1806 = arith.constant 1 : i32
      %sub3A_1807 = vector.broadcast %sub3A_1806 : i32 to vector<16xi32>
      %sub3A_1808 = arith.subi %add3A_1805, %sub3A_1807 : vector<16xi32>
      %gather3A_1809 = tpu.vector_load_idx %arg9[%sub3A_1808] : memref<256xf32, #tpu.memory_space<vmem>>[vector<16xi32>], vector<16xf32>,
      %lt3A_1810 = arith.cmpf olt, %gather3A_1809, %min3A_1766 : vector<16xf32>
      %select_n3A_1811 = arith.select %lt3A_1810, %add3A_1805, %select_n3A_1802 : vector<16xi1>, vector<16xi32>
      %add3A_1812 = arith.constant 4 : i32
      %add3A_1813 = vector.broadcast %add3A_1812 : i32 to vector<16xi32>
      %add3A_1814 = arith.addi %select_n3A_1811, %add3A_1813 : vector<16xi32>
      %sub3A_1815 = arith.constant 1 : i32
      %sub3A_1816 = vector.broadcast %sub3A_1815 : i32 to vector<16xi32>
      %sub3A_1817 = arith.subi %add3A_1814, %sub3A_1816 : vector<16xi32>
      %gather3A_1818 = tpu.vector_load_idx %arg9[%sub3A_1817] : memref<256xf32, #tpu.memory_space<vmem>>[vector<16xi32>], vector<16xf32>,
      %lt3A_1819 = arith.cmpf olt, %gather3A_1818, %min3A_1766 : vector<16xf32>
      %select_n3A_1820 = arith.select %lt3A_1819, %add3A_1814, %select_n3A_1811 : vector<16xi1>, vector<16xi32>
      %add3A_1821 = arith.constant 2 : i32
      %add3A_1822 = vector.broadcast %add3A_1821 : i32 to vector<16xi32>
      %add3A_1823 = arith.addi %select_n3A_1820, %add3A_1822 : vector<16xi32>
      %sub3A_1824 = arith.constant 1 : i32
      %sub3A_1825 = vector.broadcast %sub3A_1824 : i32 to vector<16xi32>
      %sub3A_1826 = arith.subi %add3A_1823, %sub3A_1825 : vector<16xi32>
      %gather3A_1827 = tpu.vector_load_idx %arg9[%sub3A_1826] : memref<256xf32, #tpu.memory_space<vmem>>[vector<16xi32>], vector<16xf32>,
      %lt3A_1828 = arith.cmpf olt, %gather3A_1827, %min3A_1766 : vector<16xf32>
      %select_n3A_1829 = arith.select %lt3A_1828, %add3A_1823, %select_n3A_1820 : vector<16xi1>, vector<16xi32>
      %add3A_1830 = arith.constant 1 : i32
      %add3A_1831 = vector.broadcast %add3A_1830 : i32 to vector<16xi32>
      %add3A_1832 = arith.addi %select_n3A_1829, %add3A_1831 : vector<16xi32>
      %sub3A_1833 = arith.constant 1 : i32
      %sub3A_1834 = vector.broadcast %sub3A_1833 : i32 to vector<16xi32>
      %sub3A_1835 = arith.subi %add3A_1832, %sub3A_1834 : vector<16xi32>
      %gather3A_1836 = tpu.vector_load_idx %arg9[%sub3A_1835] : memref<256xf32, #tpu.memory_space<vmem>>[vector<16xi32>], vector<16xf32>,
      %lt3A_1837 = arith.cmpf olt, %gather3A_1836, %min3A_1766 : vector<16xf32>
      %select_n3A_1838 = arith.select %lt3A_1837, %add3A_1832, %select_n3A_1829 : vector<16xi1>, vector<16xi32>
      %sub3A_1839 = arith.constant 1 : i32
      %sub3A_1840 = vector.broadcast %sub3A_1839 : i32 to vector<16xi32>
      %sub3A_1841 = arith.subi %select_n3A_1838, %sub3A_1840 : vector<16xi32>
      %max3A_1842 = arith.constant 0 : i32
      %max3A_1843 = vector.broadcast %max3A_1842 : i32 to vector<16xi32>
      %max3A_1844 = arith.maxsi %sub3A_1841, %max3A_1843 : vector<16xi32>
      %gather3A_1845 = tpu.vector_load_idx %arg9[%max3A_1844] : memref<256xf32, #tpu.memory_space<vmem>>[vector<16xi32>], vector<16xf32>,
      %add3A_1846 = arith.constant 1 : i32
      %add3A_1847 = vector.broadcast %add3A_1846 : i32 to vector<16xi32>
      %add3A_1848 = arith.addi %max3A_1844, %add3A_1847 : vector<16xi32>
      %gather3A_1849 = tpu.vector_load_idx %arg9[%add3A_1848] : memref<256xf32, #tpu.memory_space<vmem>>[vector<16xi32>], vector<16xf32>,
      %sub3A_1850 = arith.subf %min3A_1766, %gather3A_1845 : vector<16xf32>
      %sub3A_1851 = arith.subf %gather3A_1849, %gather3A_1845 : vector<16xf32>
      %div3A_1852 = arith.divf %sub3A_1850, %sub3A_1851 : vector<16xf32>
      %sub3A_1853 = arith.constant 1.000000e+00 : f32
      %sub3A_1854 = vector.broadcast %sub3A_1853 : f32 to vector<16xf32>
      %sub3A_1855 = arith.subf %sub3A_1854, %div3A_1852 : vector<16xf32>
      tpu.vector_store_idx %arg13[%add3A_1753, %max3A_1844], %sub3A_1855 : memref<128x255xf32, #tpu.memory_space<vmem>>[vector<16xi32>, vector<16xi32>], vector<16xf32>,
      %add3A_1856 = arith.constant 1 : i32
      %add3A_1857 = vector.broadcast %add3A_1856 : i32 to vector<16xi32>
      %add3A_1858 = arith.addi %max3A_1844, %add3A_1857 : vector<16xi32>
      tpu.vector_store_idx %arg13[%add3A_1753, %add3A_1858], %div3A_1852 : memref<128x255xf32, #tpu.memory_space<vmem>>[vector<16xi32>, vector<16xi32>], vector<16xf32>,
      %swap3A_1859 = arith.constant 112 : index
      %swap3A_1860 = tpu.vector_load %arg15[%swap3A_1859] {strides = array<i32>} : memref<128xi32, #tpu.memory_space<vmem>>, vector<16xi32>,
      tpu.vector_store %arg15[%swap3A_1859], %max3A_1844 {strides = array<i32>} : memref<128xi32, #tpu.memory_space<vmem>>, vector<16xi32>,
      %mul3A_1861 = arith.constant 128 : i32
      %mul3A_1862 = arith.muli %add3A_975, %mul3A_1861 : i32
      %add3A_1863 = arith.addi %mul3A_2, %mul3A_1862 : i32
      %jit3A_1864 = arith.constant 4096 : i32
      %div3A_1865 = arith.divsi %add3A_1863, %jit3A_1864 : i32
      %sign3A_1866 = arith.constant 0 : i32
      %sign3A_1867 = arith.cmpi sgt, %add3A_1863, %sign3A_1866 : i32
      %sign3A_1868 = arith.extui %sign3A_1867 : i1 to i32
      %sign3A_1869 = arith.constant 0 : i32
      %sign3A_1870 = arith.cmpi slt, %add3A_1863, %sign3A_1869 : i32
      %sign3A_1871 = arith.extui %sign3A_1870 : i1 to i32
      %sign3A_1872 = arith.subi %sign3A_1868, %sign3A_1871 : i32
      %sign3A_1873 = arith.constant 0 : i32
      %sign3A_1874 = arith.cmpi sgt, %jit3A_1864, %sign3A_1873 : i32
      %sign3A_1875 = arith.extui %sign3A_1874 : i1 to i32
      %sign3A_1876 = arith.constant 0 : i32
      %sign3A_1877 = arith.cmpi slt, %jit3A_1864, %sign3A_1876 : i32
      %sign3A_1878 = arith.extui %sign3A_1877 : i1 to i32
      %sign3A_1879 = arith.subi %sign3A_1875, %sign3A_1878 : i32
      %ne3A_1880 = arith.cmpi ne, %sign3A_1872, %sign3A_1879 : i32
      %rem3A_1881 = arith.remsi %add3A_1863, %jit3A_1864 : i32
      %ne3A_1882 = arith.constant 0 : i32
      %ne3A_1883 = arith.cmpi ne, %rem3A_1881, %ne3A_1882 : i32
      %and3A_1884 = arith.andi %ne3A_1880, %ne3A_1883 : i1
      %sub3A_1885 = arith.constant 1 : i32
      %sub3A_1886 = arith.subi %div3A_1865, %sub3A_1885 : i32
      %select_n3A_1887 = arith.select %and3A_1884, %sub3A_1886, %div3A_1865 : i32
      %mul3A_1888 = arith.constant 4096 : i32
      %mul3A_1889 = arith.muli %select_n3A_1887, %mul3A_1888 : i32
      %sub3A_1890 = arith.subi %add3A_1863, %mul3A_1889 : i32
      %dma_start3A_1891 = arith.constant 0 : i32
      %dma_start3A_1892 = tpu.memref_slice %arg7[%select_n3A_1887, %sub3A_1890, %dma_start3A_1891] : memref<50x4096x255xf32, #tpu.memory_space<hbm>> -> memref<1x128x255xf32, #tpu.memory_space<hbm>>
      %dma_start3A_1893 = tpu.memref_squeeze %dma_start3A_1892 : memref<1x128x255xf32, #tpu.memory_space<hbm>> -> memref<128x255xf32, #tpu.memory_space<hbm>>
      %dma_start3A_1894 = arith.constant 0 : i32
      %dma_start3A_1895 = tpu.memref_slice %arg7[%select_n3A_1887, %sub3A_1890, %dma_start3A_1894] : memref<50x4096x255xf32, #tpu.memory_space<hbm>> -> memref<1x128x255xf32, #tpu.memory_space<hbm>>
      %dma_start3A_1896 = tpu.memref_squeeze %dma_start3A_1895 : memref<1x128x255xf32, #tpu.memory_space<hbm>> -> memref<128x255xf32, #tpu.memory_space<hbm>>
      tpu.enqueue_dma source(%arg13 : memref<128x255xf32, #tpu.memory_space<vmem>>) target(%dma_start3A_1896 : memref<128x255xf32, #tpu.memory_space<hbm>>) target_semaphore(%arg17 : memref<!tpu.dma_semaphore, #tpu.memory_space<semaphore_mem>>)
      %scan3A_1897 = arith.constant 0 : i32
      scf.yield %scan3A_1897 : i32
    }
    %scan3A_45 = arith.constant 25 : i32
    %dma_wait3A = arith.constant 0 : i32
    %dma_wait3A_46 = arith.constant 0 : i32
    %dma_wait3A_47 = arith.constant 0 : i32
    %dma_wait3A_48 = tpu.memref_slice %arg7[%dma_wait3A, %dma_wait3A_46, %dma_wait3A_47] : memref<50x4096x255xf32, #tpu.memory_space<hbm>> -> memref<1x128x255xf32, #tpu.memory_space<hbm>>
    %dma_wait3A_49 = tpu.memref_squeeze %dma_wait3A_48 : memref<1x128x255xf32, #tpu.memory_space<hbm>> -> memref<128x255xf32, #tpu.memory_space<hbm>>
    %dma_wait3A_50 = arith.constant 0 : i32
    %dma_wait3A_51 = arith.constant 0 : i32
    %dma_wait3A_52 = tpu.memref_slice %arg7[%dma_wait3A, %dma_wait3A_50, %dma_wait3A_51] : memref<50x4096x255xf32, #tpu.memory_space<hbm>> -> memref<1x128x255xf32, #tpu.memory_space<hbm>>
    %dma_wait3A_53 = tpu.memref_squeeze %dma_wait3A_52 : memref<1x128x255xf32, #tpu.memory_space<hbm>> -> memref<128x255xf32, #tpu.memory_space<hbm>>
    tpu.wait_dma2 semaphore(%arg16 : memref<!tpu.dma_semaphore, #tpu.memory_space<semaphore_mem>>) src(%arg12 : memref<128x255xf32, #tpu.memory_space<vmem>>) dst(%dma_wait3A_53 : memref<128x255xf32, #tpu.memory_space<hbm>>)
    %dma_wait3A_54 = arith.constant 0 : i32
    %dma_wait3A_55 = arith.constant 0 : i32
    %dma_wait3A_56 = arith.constant 0 : i32
    %dma_wait3A_57 = tpu.memref_slice %arg7[%dma_wait3A_54, %dma_wait3A_55, %dma_wait3A_56] : memref<50x4096x255xf32, #tpu.memory_space<hbm>> -> memref<1x128x255xf32, #tpu.memory_space<hbm>>
    %dma_wait3A_58 = tpu.memref_squeeze %dma_wait3A_57 : memref<1x128x255xf32, #tpu.memory_space<hbm>> -> memref<128x255xf32, #tpu.memory_space<hbm>>
    %dma_wait3A_59 = arith.constant 0 : i32
    %dma_wait3A_60 = arith.constant 0 : i32
    %dma_wait3A_61 = tpu.memref_slice %arg7[%dma_wait3A_54, %dma_wait3A_59, %dma_wait3A_60] : memref<50x4096x255xf32, #tpu.memory_space<hbm>> -> memref<1x128x255xf32, #tpu.memory_space<hbm>>
    %dma_wait3A_62 = tpu.memref_squeeze %dma_wait3A_61 : memref<1x128x255xf32, #tpu.memory_space<hbm>> -> memref<128x255xf32, #tpu.memory_space<hbm>>
    tpu.wait_dma2 semaphore(%arg17 : memref<!tpu.dma_semaphore, #tpu.memory_space<semaphore_mem>>) src(%arg13 : memref<128x255xf32, #tpu.memory_space<vmem>>) dst(%dma_wait3A_62 : memref<128x255xf32, #tpu.memory_space<hbm>>)
    return
  }
}

</mosaic_0001>

<sc_bundles>
// kernel: kernel.3.cloned.1.call-start
scs
__scs_entry_jumppad:
0x0: {  	(pc) =	sbr.rel $0x88, $3  }
0x1: {  	(tag) =	ssettag $0x0;
	lr =	simm.s32 $0x1  }
0x2: {  	[smem:$0x3F9F] =	sst lr;
	_ =	strace $0xD0000000  }
0x3: {  	_ = 	snop  }
0x4: {  	_ = 	snop  }
0x5: {  	_ = 	snop  }
0x6: {  	_ = 	snop  }
0x7: {  	_ = 	snop  }
__scs_overlays_trampoline_lowered:
0x8: {  	[smem:$0x3FAE] =	sst s0  }
0x9: {  	[smem:$0x3FAF] =	sst s1  }
0xa: {  	[smem:$0x3FB0] =	sst s2  }
0xb: {  	[smem:$0x3FB1] =	sst s3  }
0xc: {  	[smem:$0x3FB2] =	sst s4  }
0xd: {  	[smem:$0x3FB3] =	sst s5  }
0xe: {  	[smem:$0x3FB4] =	sst s6  }
0xf: {  	[smem:$0x3FB5] =	sst s7  }
0x10: {  	[smem:$0x3FB6] =	sst s8  }
0x11: {  	[smem:$0x3FB7] =	sst s9;
	s0 =	simm.s32 @!p0 $0x0  }
0x12: {  	s1 =	sld [smem:$0x3F9D];
	s0 =	simm.s32 @p0 $0x1  }
0x13: {  	[smem:$0x3FB8] =	sst s0;
	s0 =	simm.s32 @!p1 $0x0  }
0x14: {  	s2 =	sld [smem:$0x3F9C];
	s0 =	simm.s32 @p1 $0x1  }
0x15: {  	[smem:$0x3FB9] =	sst s0;
	s0 =	simm.s32 @!p2 $0x0  }
0x16: {  	s3 =	sld [smem:$0x3FDB];
	s0 =	simm.s32 @p2 $0x1  }
0x17: {  	s4 =	simm.s32 $0x1BF5;
	[smem:$0x3FBB] =	sst s0  }
0x18: {  	s0 =	sld [smem:$0x3F9E];
	_ =	swait.ge [sflag:s4], $0x0  }
0x19: {  	s7 =	sld [smem:$0x3F9F]  }
0x1a: {  	s8 =	sadd.s32 $0xFFFFE003, lr  }
0x1b: {  	s9 =	sadd.s32 $0xFFFFFEF7, lr;
	s5 =	simm.s32 $0xFFFFFFFF;
	p2 =	slt.u32 s8, $0xFFFFF086  }
0x1c: {  	p1 =	slt.u32 s9, $0xF7A;
	s5 =	simm.s32 @!p2 $0x0  }
0x1d: {  	s5 =	simm.s32 @p1 $0x1;
	p0 =	seq.s32 s7, s2  }
0x1e: {  	s7 =	smul.u32 @!p0 $0xF7A, s2;
	p2 =	seq.s32 @!p0 s5, $0x0  }
0x1f: {  	s9 =	smul.u32 $0xF7A, s1;
	s8 =	simm.s32 @!p0 $0x1BF5;
	p2 =	por !p2, p0  }
0x20: {  	[sflag:s8] =	ssyncset.s32 @!p0 $0xFFFFF086;
	s6 =	sadd.s32 @!p0 s3, s7;
	s7 =	simm.s32 @!p0 $0x108  }
0x21: {  	s3 =	sadd.s32 s3, s9;
	s6 =	sadd.s32 @!p0 $0x88, s6;
	s7 =	simm.s32 @p2 $0x1082  }
0x22: {  	[simem:s7], [sflag:s8] =	dma.local @!p0 [hbm:s6], $0xF7A  }
0x23: {  	s9 =	sor.u32 $0xD0000000, s2;
	s6 =	simm.s32 $0x108;
	_ =	swait.ge @!p0 [sflag:s8], $0x0  }
0x24: {  	s3 =	sadd.s32 $0x88, s3;
	s6 =	simm.s32 @!p1 $0x1082;
	[sflag:s4] =	ssyncset.s32 $0xFFFFF086  }
0x25: {  	[simem:s6], [sflag:s4] =	dma.local [hbm:s3], $0xF7A  }
0x26: {  	[smem:$0x3F9F] =	sst s1;
	(tag) =	ssettag s2;
	_ =	strace s9  }
0x27: {  	s1 =	sld [smem:$0x3FAF]  }
0x28: {  	s2 =	sld [smem:$0x3FB0]  }
0x29: {  	s4 =	sld [smem:$0x3FB2]  }
0x2a: {  	p0 =	seq.s32 s5, $0x0;
	s5 =	sld [smem:$0x3FB3]  }
0x2b: {  	s6 =	sld [smem:$0x3FB4]  }
0x2c: {  	s7 =	sld [smem:$0x3FB5]  }
0x2d: {  	s3 =	simm.s32 $0x108;
	s8 =	sld [smem:$0x3FB6]  }
0x2e: {  	s3 =	simm.s32 @!p0 $0x1082;
	s9 =	sld [smem:$0x3FB7]  }
0x2f: {  	lr =	sadd.s32 s0, s3;
	s0 =	sld [smem:$0x3FAE]  }
0x30: {  	s3 =	sld [smem:$0x3FB1]  }
0x31: {  	[smem:$0x3FBA] =	sst s10  }
0x32: {  	s10 =	sld [smem:$0x3FB8];
	_ =	sdelay $0x3  }
0x33: {  	p0 =	seq.s32 s10, $0x1;
	s10 =	sld [smem:$0x3FBA];
	_ =	sdelay $0x3  }
0x34: {  	[smem:$0x3FBA] =	sst s10  }
0x35: {  	s10 =	sld [smem:$0x3FB9];
	_ =	sdelay $0x3  }
0x36: {  	p1 =	seq.s32 s10, $0x1;
	s10 =	sld [smem:$0x3FBA];
	_ =	sdelay $0x3  }
0x37: {  	[smem:$0x3FBA] =	sst s10  }
0x38: {  	s10 =	sld [smem:$0x3FBB]  }
0x39: {  	_ = 	snop;
	(pc) =	sbr.ind lr, $3  }
0x3a: {  	_ = 	snop  }
0x3b: {  	_ = 	snop  }
0x3c: {  	p2 =	seq.s32 s10, $0x1;
	s10 =	sld [smem:$0x3FBA]  }
0x3d: {  	_ =	shalt  }
0x3e: {  	_ =	shalt  }
0x3f: {  	_ =	shalt  }
0x40: {  	_ =	shalt  }
0x41: {  	_ =	shalt  }
0x42: {  	_ =	shalt  }
0x43: {  	_ =	shalt  }
0x44: {  	_ =	shalt  }
0x45: {  	_ =	shalt  }
0x46: {  	_ =	shalt  }
0x47: {  	_ =	shalt  }
0x48: {  	_ =	shalt  }
0x49: {  	_ =	shalt  }
0x4a: {  	_ =	shalt  }
0x4b: {  	_ =	shalt  }
0x4c: {  	_ =	shalt  }
0x4d: {  	_ =	shalt  }
0x4e: {  	_ =	shalt  }
0x4f: {  	_ =	shalt  }
0x50: {  	_ =	shalt  }
0x51: {  	_ =	shalt  }
0x52: {  	_ =	shalt  }
0x53: {  	_ =	shalt  }
0x54: {  	_ =	shalt  }
0x55: {  	_ =	shalt  }
0x56: {  	_ =	shalt  }
0x57: {  	_ =	shalt  }
0x58: {  	_ =	shalt  }
0x59: {  	_ =	shalt  }
0x5a: {  	_ =	shalt  }
0x5b: {  	_ =	shalt  }
0x5c: {  	_ =	shalt  }
0x5d: {  	_ =	shalt  }
0x5e: {  	_ =	shalt  }
0x5f: {  	_ =	shalt  }
0x60: {  	_ =	shalt  }
0x61: {  	_ =	shalt  }
0x62: {  	_ =	shalt  }
0x63: {  	_ =	shalt  }
0x64: {  	_ =	shalt  }
0x65: {  	_ =	shalt  }
0x66: {  	_ =	shalt  }
0x67: {  	_ =	shalt  }
0x68: {  	_ =	shalt  }
0x69: {  	_ =	shalt  }
0x6a: {  	_ =	shalt  }
0x6b: {  	_ =	shalt  }
0x6c: {  	_ =	shalt  }
0x6d: {  	_ =	shalt  }
0x6e: {  	_ =	shalt  }
0x6f: {  	_ =	shalt  }
0x70: {  	_ =	shalt  }
0x71: {  	_ =	shalt  }
0x72: {  	_ =	shalt  }
0x73: {  	_ =	shalt  }
0x74: {  	_ =	shalt  }
0x75: {  	_ =	shalt  }
0x76: {  	_ =	shalt  }
0x77: {  	_ =	shalt  }
0x78: {  	_ =	shalt  }
0x79: {  	_ =	shalt  }
0x7a: {  	_ =	shalt  }
0x7b: {  	_ =	shalt  }
0x7c: {  	_ =	shalt  }
0x7d: {  	_ =	shalt  }
0x7e: {  	_ =	shalt  }
0x7f: {  	_ =	shalt  }
0x80: {  	_ =	shalt  }
0x81: {  	_ =	shalt  }
0x82: {  	_ =	shalt  }
0x83: {  	_ =	shalt  }
0x84: {  	_ =	shalt  }
0x85: {  	_ =	shalt  }
0x86: {  	_ =	shalt  }
0x87: {  	_ =	shalt  }
.Lfunc_end0:
.L_simem_size_0:
called_computation_lowered:
.L_overlay_start_0:
0x88: {  	s2 =	sld [smem:$0x3FD9]  }
0x89: {  	s3 =	sld [smem:$0x3FFE];
	_ =	sdelay $0x1  }
0x8a: {  	s1 =	srdreg.scid  }
0x8b: {  	s0 =	sand.u32 $0x1, s1  }
0x8c: {  	s17 =	sshll.u32 s0, $0xA;
	s2 =	sadd.s32 s3, s2  }
0x8d: {  	s2 =	sadd.s32 s2, s17  }
0x8e: {  	[smem:$0x3FC6] =	sst s2  }
0x8f: {  	_ = 	snop  }
0x90: {  	s2 =	sld [smem:$0x3FD0];
	(tm) =	ssettm $0x1  }
0x91: {  	s18 =	sld [smem:$0x3FFB];
	_ =	sdelay $0x3  }
0x92: {  	_ =	strace s18  }
0x93: {  	s3 =	sld [smem:$0x3FFC];
	_ =	sdelay $0x3  }
0x94: {  	_ =	strace s3  }
0x95: {  	s3 =	sld [smem:$0x3FFD];
	_ =	sdelay $0x3  }
0x96: {  	_ =	strace s3  }
0x97: {  	_ =	strace $0x8FFFFFFF  }
0x98: {  	s19 =	sld [smem:$0x3FDB];
	_ =	sdelay $0x1  }
0x99: {  	s4 =	simm.s32 $_scs_section_size  }
0x9a: {  	s5 =	simm.s32 $_size__tile_overlayer_lowered;
	s6 =	simm.s32 $_tile_overlayer_lowered  }
0x9b: {  	s22 =	simm.s32 $0x1BFF;
	s21 =	sshll.u32 s6, $0x1;
	s3 =	sadd.s32 s4, s19  }
0x9c: {  	s7 =	simm.s32 $0x0;
	s20 =	sshll.u32 s5, $0x1;
	s5 =	sadd.s32 s21, s3  }
0x9d: {  	[timem:s7], [sflag:s22] =	dma.local [hbm:s5], s20  }
0x9e: {  	_ =	swait.ge [sflag:s22], s20  }
0x9f: {  	s4 =	ssub.s32 $0x0, s20;
	[sflag:s22] =	ssyncset.done $0x0  }
0xa0: {  	[sflag:s22] =	ssyncadd.s32 s4;
	_ =	sdelay $0x1  }
0xa1: {  	s23 =	simm.s32 $0x1B8B  }
0xa2: {  	_ =	swait.ge [sflag:s23], $0x1  }
0xa3: {  	[sflag:s23] =	ssyncset.done $0x0  }
0xa4: {  	s25 =	simm.s32 $0x1B8E;
	s24 =	sld [smem:$0x3FFE];
	[sflag:s23] =	ssyncadd.s32 $0xFFFFFFFF  }
0xa5: {  	s26 =	simm.s32 $execute0_lowered;
	[smem:$0x3FD2] =	sst s25  }
0xa6: {  	s5 =	sshll.u32 s26, $0x1;
	_ =	strace $0x80000046;
	[dreg:$0x1] =	wrdreg $0xFFFFFFFF  }
0xa7: {  	s28 =	simm.s32 $_size_execute0_lowered;
	s3 =	sadd.s32 s3, s5;
	[dreg:$0x0] =	wrdreg $0x0  }
0xa8: {  	s5 =	sshll.u32 s28, $0x1;
	[dreg:$0x2] =	wrdreg s3  }
0xa9: {  	[dreg:$0x3] =	wrdreg s5  }
0xaa: {  	[dreg:$0x4] =	wrdreg $0xC0  }
0xab: {  	_ =	task [dreg:s7], $0x5FFFF  }
0xac: {  	[dreg:$0x1] =	wrdreg $0xFFFFFFFF  }
0xad: {  	[dreg:$0x0] =	wrdreg $0x60  }
0xae: {  	[dreg:$0x2] =	wrdreg s24  }
0xaf: {  	[dreg:$0x3] =	wrdreg s2  }
0xb0: {  	[dreg:$0x4] =	wrdreg $0x9  }
0xb1: {  	_ =	task.clear_ibuf [dreg:s7], $0x5FFFF;
	_ =	strace $0x90000046  }
0xb2: {  	s29 =	simm.s32 $0x9;
	_ =	strace $0x80000048  }
0xb3: {  	_ =	swait.ge [sflag:s29], $0x1  }
0xb4: {  	[sflag:s29] =	ssyncadd.s32 $0xFFFFFFFF  }
0xb5: {  	_ =	strace $0x90000048  }
0xb6: {  	_ =	sfence  }
0xb7: {  	s30 =	sld [smem:$0x0];
	_ =	sdelay $0x2  }
0xb8: {  	s31 =	sshll.u32 s1, $0xD;
	s1 =	sshrl.u32 s1, $0x2  }
0xb9: {  	s3 =	sand.u32 $0x4000, s31;
	s1 =	sadd.s32 s1, s30  }
0xba: {  	s0 =	sor.u32 s3, s0;
	s1 =	sshll.u32 s1, $0x11  }
0xbb: {  	s0 =	sor.u32 s1, s0  }
0xbc: {  	s0 =	sadd.s32 $0x8F2B, s0  }
0xbd: {  	[sflag:s0] =	ssyncadd.remote.s32 $0x1  }
0xbe: {  	_ =	sfence.sel $0xFFFF  }
0xbf: {  	[dreg:$0x0] =	wrdreg $0xFFFFFFFF;
	(pc) =	sbr.abs _section_cstart, $3  }
0xc0: {  	[dreg:$0x1] =	wrdreg $0xFFFFFFFF  }
0xc1: {  	_ =	task.clear_ibuf [dreg:s7], $0x2FFFF;
	_ =	strace $0x9FFFFFFF  }
0xc2: {  	(tm) =	ssettm $0x7FFFFFFF  }
0xc3: {  	_ =	shalt  }
tec
execute0_lowered:
.L_overlay_start_1:
0x0: {  	(tag) =	ssettag $0x1  }
0x1: {  	v0 =	vimm.s32 $0x0;
	v1 =	vimm.s32 $0x7F  }
0x2: {  	v2 =	vimm.s32 $0xB80;
	vm14 =	vcmask $0x300;
	v3 =	vimm.s32 $0x1B80  }
0x3: {  	vm13 =	vcmask $0x704;
	vm12 =	vcmask $0xB08;
	vm11 =	vcmask $0xF0C  }
0x4: {  	vm10 =	vcmask $0x1310;
	vm9 =	vcmask $0x1714;
	vm8 =	vcmask $0x1B18  }
0x5: {  	vm7 =	vcmask $0x1F1C;
	vm6 =	vcmask $0x2320;
	vm5 =	vcmask $0x2724  }
0x6: {  	vm4 =	vcmask $0x2B28;
	vm3 =	vcmask $0x2F2C;
	vm2 =	vcmask $0x3330  }
0x7: {  	vm0 =	vcmask $0x3734;
	vm1 =	vcmask $0x3B38;
	v5 =	vimm.s32 $0x2B80  }
0x8: {  	v6 =	vimm.s32 $0x3B80;
	v7 =	vimm.s32 $0x4B80;
	v8 =	vimm.s32 $0x5B80  }
0x9: {  	v9 =	vimm.s32 $0x6B80;
	v10 =	vimm.s32 $0x7B80;
	v2 =	vsel vm14, $0x0, v2  }
0xa: {  	v3 =	vsel vm14, $0x1000, v3;
	v5 =	vsel vm14, $0x2000, v5;
	v6 =	vsel vm14, $0x3000, v6  }
0xb: {  	v7 =	vsel vm14, $0x4000, v7;
	v8 =	vsel vm14, $0x5000, v8;
	v9 =	vsel vm14, $0x6000, v9  }
0xc: {  	v10 =	vsel vm14, $0x7000, v10;
	v2 =	vsel vm13, $0x80, v2;
	v3 =	vsel vm13, $0x1080, v3  }
0xd: {  	v5 =	vsel vm13, $0x2080, v5;
	v6 =	vsel vm13, $0x3080, v6;
	v7 =	vsel vm13, $0x4080, v7  }
0xe: {  	v8 =	vsel vm13, $0x5080, v8;
	v9 =	vsel vm13, $0x6080, v9;
	v10 =	vsel vm13, $0x7080, v10  }
0xf: {  	v2 =	vsel vm12, $0x100, v2;
	v3 =	vsel vm12, $0x1100, v3;
	v5 =	vsel vm12, $0x2100, v5  }
0x10: {  	v6 =	vsel vm12, $0x3100, v6;
	v7 =	vsel vm12, $0x4100, v7;
	v8 =	vsel vm12, $0x5100, v8  }
0x11: {  	v9 =	vsel vm12, $0x6100, v9;
	v10 =	vsel vm12, $0x7100, v10;
	v2 =	vsel vm11, $0x180, v2  }
0x12: {  	v3 =	vsel vm11, $0x1180, v3;
	v5 =	vsel vm11, $0x2180, v5;
	v6 =	vsel vm11, $0x3180, v6  }
0x13: {  	v7 =	vsel vm11, $0x4180, v7;
	v8 =	vsel vm11, $0x5180, v8;
	v9 =	vsel vm11, $0x6180, v9  }
0x14: {  	v10 =	vsel vm11, $0x7180, v10;
	v2 =	vsel vm10, $0x200, v2;
	v3 =	vsel vm10, $0x1200, v3  }
0x15: {  	v5 =	vsel vm10, $0x2200, v5;
	v6 =	vsel vm10, $0x3200, v6;
	v7 =	vsel vm10, $0x4200, v7  }
0x16: {  	v8 =	vsel vm10, $0x5200, v8;
	v9 =	vsel vm10, $0x6200, v9;
	v10 =	vsel vm10, $0x7200, v10  }
0x17: {  	v2 =	vsel vm9, $0x280, v2;
	v3 =	vsel vm9, $0x1280, v3;
	v5 =	vsel vm9, $0x2280, v5  }
0x18: {  	v6 =	vsel vm9, $0x3280, v6;
	v7 =	vsel vm9, $0x4280, v7;
	v8 =	vsel vm9, $0x5280, v8  }
0x19: {  	v9 =	vsel vm9, $0x6280, v9;
	v10 =	vsel vm9, $0x7280, v10;
	v2 =	vsel vm8, $0x300, v2  }
0x1a: {  	v3 =	vsel vm8, $0x1300, v3;
	v5 =	vsel vm8, $0x2300, v5;
	v6 =	vsel vm8, $0x3300, v6  }
0x1b: {  	v7 =	vsel vm8, $0x4300, v7;
	v8 =	vsel vm8, $0x5300, v8;
	v9 =	vsel vm8, $0x6300, v9  }
0x1c: {  	v10 =	vsel vm8, $0x7300, v10;
	v2 =	vsel vm7, $0x380, v2;
	v3 =	vsel vm7, $0x1380, v3  }
0x1d: {  	v5 =	vsel vm7, $0x2380, v5;
	v6 =	vsel vm7, $0x3380, v6;
	v7 =	vsel vm7, $0x4380, v7  }
0x1e: {  	v8 =	vsel vm7, $0x5380, v8;
	v9 =	vsel vm7, $0x6380, v9;
	v10 =	vsel vm7, $0x7380, v10  }
0x1f: {  	v2 =	vsel vm6, $0x800, v2;
	v3 =	vsel vm6, $0x1800, v3;
	v5 =	vsel vm6, $0x2800, v5  }
0x20: {  	v6 =	vsel vm6, $0x3800, v6;
	v7 =	vsel vm6, $0x4800, v7;
	v8 =	vsel vm6, $0x5800, v8  }
0x21: {  	v9 =	vsel vm6, $0x6800, v9;
	v10 =	vsel vm6, $0x7800, v10;
	v2 =	vsel vm5, $0x880, v2  }
0x22: {  	v3 =	vsel vm5, $0x1880, v3;
	v5 =	vsel vm5, $0x2880, v5;
	v6 =	vsel vm5, $0x3880, v6  }
0x23: {  	v7 =	vsel vm5, $0x4880, v7;
	v8 =	vsel vm5, $0x5880, v8;
	v9 =	vsel vm5, $0x6880, v9  }
0x24: {  	v10 =	vsel vm5, $0x7880, v10;
	v2 =	vsel vm4, $0x900, v2;
	v3 =	vsel vm4, $0x1900, v3  }
0x25: {  	s1 =	srdreg.scid;
	v5 =	vsel vm4, $0x2900, v5;
	v6 =	vsel vm4, $0x3900, v6;
	v7 =	vsel vm4, $0x4900, v7  }
0x26: {  	s0 =	stileid.u32;
	s7 =	rddreg [dreg:$0x0];
	v8 =	vsel vm4, $0x5900, v8;
	v9 =	vsel vm4, $0x6900, v9;
	v10 =	vsel vm4, $0x7900, v10  }
0x27: {  	s8 =	rddreg [dreg:$0x1];
	s2 =	simm.s32 $0x0;
	s14 =	simm.s32 $0x1B00;
	v2 =	vsel vm3, $0x980, v2;
	v3 =	vsel vm3, $0x1980, v3;
	v5 =	vsel vm3, $0x2980, v5  }
0x28: {  	s15 =	simm.s32 $0x9B00;
	s16 =	simm.s32 $0x1;
	s17 =	simm.s32 $0x2;
	v6 =	vsel vm3, $0x3980, v6;
	v7 =	vsel vm3, $0x4980, v7;
	v8 =	vsel vm3, $0x5980, v8  }
0x29: {  	s18 =	simm.s32 $0x0;
	s6 =	sand.u32 $0x1, s1;
	s31 =	sshll.u32 s0, $0x1;
	v9 =	vsel vm3, $0x6980, v9;
	v10 =	vsel vm3, $0x7980, v10;
	v2 =	vsel vm2, $0xA00, v2  }
0x2a: {  	[smem:$0x7FF] =	sst s2;
	s4 =	sadd.s32 $0x6E00, s7;
	s11 =	smul.u32 $0x64000, s0;
	v3 =	vsel vm2, $0x1A00, v3;
	v5 =	vsel vm2, $0x2A00, v5;
	v6 =	vsel vm2, $0x3A00, v6  }
0x2b: {  	s5 =	sadd.s32 $0x7000, s7;
	s1 =	sor.u32 s6, s31;
	s13 =	smul.u32 $0x32000, s6;
	v7 =	vsel vm2, $0x4A00, v7;
	v8 =	vsel vm2, $0x5A00, v8;
	v9 =	vsel vm2, $0x6A00, v9  }
0x2c: {  	s10 =	ssub.s32 $0x2, s6;
	s6 =	sadd.s32 $0x7200, s7;
	s3 =	smul.u32 $0x1900, s1;
	v10 =	vsel vm2, $0x7A00, v10;
	v2 =	vsel vm0, $0xA80, v2;
	v4 =	vsel vm0, $0x1A80, v3  }
0x2d: {  	s1 =	rddreg [dreg:$0x2];
	_ =	strace $0x80000047;
	s12 =	sshrl.u32 s10, $0x1;
	v3 =	vimm.f32 $0.0e+00;
	v5 =	vsel vm0, $0x2A80, v5;
	v6 =	vsel vm0, $0x3A80, v6  }
0x2e: {  	s11 =	sadd.s32 s11, s8;
	s10 =	ssub.s32 s10, s12;
	s3 =	sshrl.u32 s3, $0x3;
	v7 =	vsel vm0, $0x4A80, v7;
	v8 =	vsel vm0, $0x5A80, v8;
	v9 =	vsel vm0, $0x6A80, v9  }
0x2f: {  	s12 =	simm.s32 $0x1A00;
	s8 =	smax.u32 s10, $0x1;
	s9 =	sadd.s32 s3, s7;
	v10 =	vsel vm0, $0x7A80, v10;
	v2 =	vsel vm1, $0xB00, v2;
	v4 =	vsel vm1, $0x1B00, v4  }
0x30: {  	s10 =	simm.s32 $0x3;
	s3 =	sadd.s32 $0x800, s7;
	s7 =	sadd.s32 $0xA00, s9;
	v5 =	vsel vm1, $0x2B00, v5;
	v6 =	vsel vm1, $0x3B00, v6;
	v7 =	vsel vm1, $0x4B00, v7  }
0x31: {  	s9 =	sadd.s32 s13, s11;
	s11 =	simm.s32 $0x1900;
	s13 =	simm.s32 $0x1A80;
	v8 =	vsel vm1, $0x5B00, v8;
	v9 =	vsel vm1, $0x6B00, v9;
	v10 =	vsel vm1, $0x7B00, v10  }
.LBB2_1:
0x32: {  	[tilespmem:s2], [sflag:$0x3] =	stream.linear.gather [hbm4b:s7+s2], $0x1900, $0x38;
	[tilespmem:$0x11C00] =	vst v63  }
0x33: {  	_ =	swait.ge [sflag:s10], $0x1900  }
0x34: {  	[sflag:s10] =	ssyncset.done $0x0  }
0x35: {  	[sflag:s10] =	ssyncadd.s32 $0xFFFFE700  }
0x36: {  	[tilespmem:s11], [sflag:$0x3] =	stream.linear.gather [hbm4b:s3+s2], $0x100, $0x38;
	[tilespmem:$0x11C00] =	vst v63  }
0x37: {  	_ =	swait.ge [sflag:s10], $0x100  }
0x38: {  	[sflag:s10] =	ssyncset.done $0x0  }
0x39: {  	[sflag:s10] =	ssyncadd.s32 $0xFFFFFF00  }
0x3a: {  	[tilespmem:s12], [sflag:$0x3] =	stream.linear.gather [hbm4b:s4+s2], $0x80, $0x38;
	[tilespmem:$0x11C00] =	vst v63  }
0x3b: {  	_ =	swait.ge [sflag:s10], $0x80  }
0x3c: {  	[sflag:s10] =	ssyncset.done $0x0  }
0x3d: {  	[sflag:s10] =	ssyncadd.s32 $0xFFFFFF80  }
0x3e: {  	[tilespmem:s13], [sflag:$0x3] =	stream.linear.gather [hbm4b:s5+s2], $0x80, $0x38;
	[tilespmem:$0x11C00] =	vst v63  }
0x3f: {  	_ =	swait.ge [sflag:s10], $0x80  }
0x40: {  	[sflag:s10] =	ssyncset.done $0x0  }
0x41: {  	[sflag:s10] =	ssyncadd.s32 $0xFFFFFF80  }
0x42: {  	[tilespmem:s14], [sflag:$0x3] =	stream.linear.gather [hbm4b:s6+s2], $0x8000, $0x38;
	[tilespmem:$0x11C00] =	vst v63  }
0x43: {  	_ =	swait.ge [sflag:s10], $0x8000  }
0x44: {  	[sflag:s10] =	ssyncset.done $0x0  }
0x45: {  	[sflag:s10] =	ssyncadd.s32 $0xFFFF8000  }
0x46: {  	[tilespmem:s15], [sflag:$0x3] =	stream.linear.gather [hbm4b:s6+s2], $0x8000, $0x38;
	[tilespmem:$0x11C00] =	vst v63  }
0x47: {  	_ =	swait.ge [sflag:s10], $0x8000  }
0x48: {  	[sflag:s10] =	ssyncset.done $0x0  }
0x49: {  	[sflag:s10] =	ssyncadd.s32 $0xFFFF8000  }
0x4a: {  	[tilespmem:$0x11B00] =	vst v0  }
0x4b: {  	[tilespmem:$0x11B80] =	vst v0  }
0x4c: {  	[tilespmem:$0x11B10] =	vst v0  }
0x4d: {  	[tilespmem:$0x11B90] =	vst v0  }
0x4e: {  	[tilespmem:$0x11B20] =	vst v0  }
0x4f: {  	[tilespmem:$0x11BA0] =	vst v0  }
0x50: {  	[tilespmem:$0x11B30] =	vst v0  }
0x51: {  	[tilespmem:$0x11BB0] =	vst v0  }
0x52: {  	[tilespmem:$0x11B40] =	vst v0  }
0x53: {  	[tilespmem:$0x11BC0] =	vst v0  }
0x54: {  	[tilespmem:$0x11B50] =	vst v0  }
0x55: {  	[tilespmem:$0x11BD0] =	vst v0  }
0x56: {  	[tilespmem:$0x11B60] =	vst v0  }
0x57: {  	[tilespmem:$0x11BE0] =	vst v0  }
0x58: {  	[tilespmem:$0x11B70] =	vst v0;
	v11 =	vld [tilespmem:$0x1A00]  }
0x59: {  	s19 =	simm.s32 $0x80;
	s20 =	simm.s32 $0x0;
	[tilespmem:$0x11BF0] =	vst v0;
	v12 =	vld [tilespmem:$0x1A80]  }
.LBB2_2:
0x5a: {  	p0 =	seq.s32 s20, $0x0  }
0x5b: {  	s21 =	simm.s32 @!p0 $0x1  }
0x5c: {  	_ =	swait.ge @!p0 [sflag:s21], $0x8000  }
0x5d: {  	[sflag:s21] =	ssyncset.done @!p0 $0x0  }
0x5e: {  	[sflag:s21] =	ssyncadd.s32 @!p0 $0xFFFF8000  }
0x5f: {  	v13 =	vld [tilespmem:$0x11B00];
	_ =	sdelay $0x4  }
0x60: {  	v14 =	vshll.u32 v13, $0x3;
	v15 =	vadd.s32 $0x1, v13  }
0x61: {  	v13 =	vand.u32 $0x7F, v13;
	v14 =	vand.u32 $0xFFFFFC00, v14;
	v16 =	vshll.u32 v15, $0x3  }
0x62: {  	v13 =	vor.u32 v13, v14;
	v14 =	vand.u32 $0x7F, v15;
	v15 =	vand.u32 $0xFFFFFC00, v16  }
0x63: {  	v13 =	vadd.s32 v2, v13;
	v14 =	vor.u32 v14, v15  }
0x64: {  	v14 =	vadd.s32 v2, v14;
	_ =	sdelay $0x3  }
0x65: {  	[tilespmem:v13+s14+$0x0] =	vst.idx.msk $0xffff, v3  }
0x66: {  	[tilespmem:v14+s14+$0x0] =	vst.idx.msk $0xffff, v3  }
0x67: {  	v13 =	vld [tilespmem:s19+$0xFFFFFF80];
	_ =	sdelay $0x1  }
0x68: {  	v14 =	vld.idx.msk [tilespmem:v1+s11+$0x0], $0xffff;
	_ =	sdelay $0x2  }
0x69: {  	v13 =	vmax.f32 v13, v11  }
0x6a: {  	v13 =	vmin.f32 v13, v12  }
0x6b: {  	vm0 =	vlt.f32 v14, v13  }
0x6c: {  	v14 =	vsel vm0, $0x80, v0  }
0x6d: {  	v15 =	vor.u32 $0x3F, v14;
	_ =	sdelay $0x4  }
0x6e: {  	v15 =	vld.idx.msk [tilespmem:v15+s11+$0x0], $0xffff;
	_ =	sdelay $0x4  }
0x6f: {  	v55 =	vor.u32 $0x40, v14;
	vm9 =	vlt.f32 v15, v13  }
0x70: {  	v15 =	vsel vm9, v55, v14  }
0x71: {  	v16 =	vand.u32 $0x40, v15  }
0x72: {  	v14 =	vor.u32 v16, v14  }
0x73: {  	v14 =	vor.u32 $0x1F, v14;
	_ =	sdelay $0x4  }
0x74: {  	v14 =	vld.idx.msk [tilespmem:v14+s11+$0x0], $0xffff;
	_ =	sdelay $0x4  }
0x75: {  	v56 =	vor.u32 $0x20, v15;
	vm10 =	vlt.f32 v14, v13  }
0x76: {  	v14 =	vsel vm10, v56, v15  }
0x77: {  	v15 =	vor.u32 $0xF, v14;
	_ =	sdelay $0x4  }
0x78: {  	v15 =	vld.idx.msk [tilespmem:v15+s11+$0x0], $0xffff;
	_ =	sdelay $0x4  }
0x79: {  	v16 =	vor.u32 $0x10, v14;
	vm11 =	vlt.f32 v15, v13  }
0x7a: {  	v14 =	vsel vm11, v16, v14  }
0x7b: {  	v15 =	vadd.s32 $0x7, v14;
	_ =	sdelay $0x4  }
0x7c: {  	v15 =	vld.idx.msk [tilespmem:v15+s11+$0x0], $0xffff;
	_ =	sdelay $0x4  }
0x7d: {  	v16 =	vadd.s32 $0x8, v14;
	vm12 =	vlt.f32 v15, v13  }
0x7e: {  	v14 =	vsel vm12, v16, v14  }
0x7f: {  	v15 =	vadd.s32 $0x3, v14;
	_ =	sdelay $0x4  }
0x80: {  	v15 =	vld.idx.msk [tilespmem:v15+s11+$0x0], $0xffff;
	_ =	sdelay $0x4  }
0x81: {  	v16 =	vadd.s32 $0x4, v14;
	vm13 =	vlt.f32 v15, v13  }
0x82: {  	v14 =	vsel vm13, v16, v14  }
0x83: {  	v15 =	vadd.s32 $0x1, v14;
	_ =	sdelay $0x4  }
0x84: {  	v15 =	vld.idx.msk [tilespmem:v15+s11+$0x0], $0xffff;
	_ =	sdelay $0x4  }
0x85: {  	v16 =	vadd.s32 $0x2, v14;
	vm14 =	vlt.f32 v15, v13  }
0x86: {  	v14 =	vsel vm14, v16, v14;
	_ =	sdelay $0x4  }
0x87: {  	v15 =	vld.idx.msk [tilespmem:v14+s11+$0x0], $0xffff;
	_ =	sdelay $0x4  }
0x88: {  	vm15 =	vlt.f32 v15, v13  }
0x89: {  	v15 =	vsel vm15, $0x1, v0  }
0x8a: {  	v14 =	vadd.s32 v15, v14  }
0x8b: {  	v14 =	vmax.u32 v14, $0x1  }
0x8c: {  	v15 =	vadd.s32 $0xFFFFFFFF, v14;
	_ =	sdelay $0x3  }
0x8d: {  	v17 =	vld.idx.msk [tilespmem:v14+s11+$0x0], $0xffff  }
0x8e: {  	v57 =	vld.idx.msk [tilespmem:v15+s11+$0x0], $0xffff;
	_ =	sdelay $0x4  }
0x8f: {  	v17 =	vsub.f32 v17, v57;
	_ =	sdelay $0x1  }
0x90: {  	(erf) = vrcp.f32 v17;
	_ =	sdelay $0x5  }
0x91: {  	v19 =	vand.u32 $0x7F, v14;
	v18 =	vshll.u32 v15, $0x3  }
0x92: {  	v58 =	vand.u32 $0x7F, v15;
	v18 =	vand.u32 $0x7FFFFC00, v18;
	v14 =	vshll.u32 v14, $0x3  }
0x93: {  	v59 =	vor.u32 v58, v18;
	v14 =	vand.u32 $0x7FFFFC00, v14;
	v13 =	vsub.f32 v13, v57  }
0x94: {  	v16 =	vadd.s32 v2, v59;
	v14 =	vor.u32 v19, v14;
	v60 =	vpop (erf)  }
0x95: {  	v14 =	vadd.s32 v2, v14;
	v13 =	vmul.f32 v60, v13;
	_ =	sdelay $0x1  }
0x96: {  	v17 =	vsub.f32 $1.000000000e+00, v13;
	_ =	sdelay $0x1  }
0x97: {  	[tilespmem:v16+s14+$0x0] =	vst.idx.msk $0xffff, v17  }
0x98: {  	[tilespmem:v14+s14+$0x0] =	vst.idx.msk $0xffff, v13  }
0x99: {  	v13 =	vld [tilespmem:$0x11B10];
	_ =	sdelay $0x4  }
0x9a: {  	v14 =	vshll.u32 v13, $0x3;
	v61 =	vadd.s32 $0x1, v13  }
0x9b: {  	v13 =	vand.u32 $0x7F, v13;
	v14 =	vand.u32 $0xFFFFFC00, v14;
	v62 =	vshll.u32 v61, $0x3  }
0x9c: {  	v13 =	vor.u32 v13, v14;
	v14 =	vand.u32 $0x7F, v61;
	v63 =	vand.u32 $0xFFFFFC00, v62  }
0x9d: {  	v13 =	vadd.s32 v4, v13;
	v14 =	vor.u32 v14, v63  }
0x9e: {  	v14 =	vadd.s32 v4, v14;
	_ =	sdelay $0x2  }
0x9f: {  	[tilespmem:$0x11B00] =	vst v15  }
0xa0: {  	[tilespmem:v13+s14+$0x0] =	vst.idx.msk $0xffff, v3  }
0xa1: {  	[tilespmem:v14+s14+$0x0] =	vst.idx.msk $0xffff, v3  }
0xa2: {  	v13 =	vld [tilespmem:s19+$0xFFFFFF90];
	_ =	sdelay $0x1  }
0xa3: {  	v14 =	vld.idx.msk [tilespmem:v1+s11+$0x0], $0xffff;
	_ =	sdelay $0x2  }
0xa4: {  	v13 =	vmax.f32 v13, v11  }
0xa5: {  	v13 =	vmin.f32 v13, v12  }
0xa6: {  	vm4 =	vlt.f32 v14, v13  }
0xa7: {  	v14 =	vsel vm4, $0x80, v0  }
0xa8: {  	v15 =	vor.u32 $0x3F, v14;
	_ =	sdelay $0x4  }
0xa9: {  	v15 =	vld.idx.msk [tilespmem:v15+s11+$0x0], $0xffff;
	_ =	sdelay $0x4  }
0xaa: {  	v20 =	vor.u32 $0x40, v14;
	vm5 =	vlt.f32 v15, v13  }
0xab: {  	v15 =	vsel vm5, v20, v14  }
0xac: {  	v16 =	vand.u32 $0x40, v15  }
0xad: {  	v14 =	vor.u32 v16, v14  }
0xae: {  	v14 =	vor.u32 $0x1F, v14;
	_ =	sdelay $0x4  }
0xaf: {  	v14 =	vld.idx.msk [tilespmem:v14+s11+$0x0], $0xffff;
	_ =	sdelay $0x4  }
0xb0: {  	v21 =	vor.u32 $0x20, v15;
	vm6 =	vlt.f32 v14, v13  }
0xb1: {  	v14 =	vsel vm6, v21, v15  }
0xb2: {  	v15 =	vor.u32 $0xF, v14;
	_ =	sdelay $0x4  }
0xb3: {  	v15 =	vld.idx.msk [tilespmem:v15+s11+$0x0], $0xffff;
	_ =	sdelay $0x4  }
0xb4: {  	v16 =	vor.u32 $0x10, v14;
	vm7 =	vlt.f32 v15, v13  }
0xb5: {  	v14 =	vsel vm7, v16, v14  }
0xb6: {  	v15 =	vadd.s32 $0x7, v14;
	_ =	sdelay $0x4  }
0xb7: {  	v15 =	vld.idx.msk [tilespmem:v15+s11+$0x0], $0xffff;
	_ =	sdelay $0x4  }
0xb8: {  	v16 =	vadd.s32 $0x8, v14;
	vm8 =	vlt.f32 v15, v13  }
0xb9: {  	v14 =	vsel vm8, v16, v14  }
0xba: {  	v15 =	vadd.s32 $0x3, v14;
	_ =	sdelay $0x4  }
0xbb: {  	v15 =	vld.idx.msk [tilespmem:v15+s11+$0x0], $0xffff;
	_ =	sdelay $0x4  }
0xbc: {  	v16 =	vadd.s32 $0x4, v14;
	vm9 =	vlt.f32 v15, v13  }
0xbd: {  	v14 =	vsel vm9, v16, v14  }
0xbe: {  	v15 =	vadd.s32 $0x1, v14;
	_ =	sdelay $0x4  }
0xbf: {  	v15 =	vld.idx.msk [tilespmem:v15+s11+$0x0], $0xffff;
	_ =	sdelay $0x4  }
0xc0: {  	v16 =	vadd.s32 $0x2, v14;
	vm10 =	vlt.f32 v15, v13  }
0xc1: {  	v14 =	vsel vm10, v16, v14;
	_ =	sdelay $0x4  }
0xc2: {  	v15 =	vld.idx.msk [tilespmem:v14+s11+$0x0], $0xffff;
	_ =	sdelay $0x4  }
0xc3: {  	vm11 =	vlt.f32 v15, v13  }
0xc4: {  	v15 =	vsel vm11, $0x1, v0  }
0xc5: {  	v14 =	vadd.s32 v15, v14  }
0xc6: {  	v14 =	vmax.u32 v14, $0x1  }
0xc7: {  	v15 =	vadd.s32 $0xFFFFFFFF, v14;
	_ =	sdelay $0x3  }
0xc8: {  	v23 =	vld.idx.msk [tilespmem:v14+s11+$0x0], $0xffff  }
0xc9: {  	v22 =	vld.idx.msk [tilespmem:v15+s11+$0x0], $0xffff;
	_ =	sdelay $0x4  }
0xca: {  	v17 =	vsub.f32 v23, v22;
	_ =	sdelay $0x1  }
0xcb: {  	(erf) = vrcp.f32 v17;
	_ =	sdelay $0x5  }
0xcc: {  	v26 =	vand.u32 $0x7F, v14;
	v25 =	vshll.u32 v15, $0x3  }
0xcd: {  	v24 =	vand.u32 $0x7F, v15;
	v18 =	vand.u32 $0x7FFFFC00, v25;
	v14 =	vshll.u32 v14, $0x3  }
0xce: {  	v27 =	vor.u32 v24, v18;
	v14 =	vand.u32 $0x7FFFFC00, v14;
	v13 =	vsub.f32 v13, v22  }
0xcf: {  	v16 =	vadd.s32 v4, v27;
	v14 =	vor.u32 v26, v14;
	v28 =	vpop (erf)  }
0xd0: {  	v14 =	vadd.s32 v4, v14;
	v13 =	vmul.f32 v28, v13;
	_ =	sdelay $0x1  }
0xd1: {  	v17 =	vsub.f32 $1.000000000e+00, v13;
	_ =	sdelay $0x1  }
0xd2: {  	[tilespmem:v16+s14+$0x0] =	vst.idx.msk $0xffff, v17  }
0xd3: {  	[tilespmem:v14+s14+$0x0] =	vst.idx.msk $0xffff, v13  }
0xd4: {  	v13 =	vld [tilespmem:$0x11B20];
	_ =	sdelay $0x4  }
0xd5: {  	v14 =	vshll.u32 v13, $0x3;
	v29 =	vadd.s32 $0x1, v13  }
0xd6: {  	v13 =	vand.u32 $0x7F, v13;
	v14 =	vand.u32 $0xFFFFFC00, v14;
	v30 =	vshll.u32 v29, $0x3  }
0xd7: {  	v13 =	vor.u32 v13, v14;
	v14 =	vand.u32 $0x7F, v29;
	v31 =	vand.u32 $0xFFFFFC00, v30  }
0xd8: {  	v13 =	vadd.s32 v5, v13;
	v14 =	vor.u32 v14, v31  }
0xd9: {  	v14 =	vadd.s32 v5, v14;
	_ =	sdelay $0x2  }
0xda: {  	[tilespmem:$0x11B10] =	vst v15  }
0xdb: {  	[tilespmem:v13+s14+$0x0] =	vst.idx.msk $0xffff, v3  }
0xdc: {  	[tilespmem:v14+s14+$0x0] =	vst.idx.msk $0xffff, v3  }
0xdd: {  	v13 =	vld [tilespmem:s19+$0xFFFFFFA0];
	_ =	sdelay $0x1  }
0xde: {  	v14 =	vld.idx.msk [tilespmem:v1+s11+$0x0], $0xffff;
	_ =	sdelay $0x2  }
0xdf: {  	v13 =	vmax.f32 v13, v11  }
0xe0: {  	v13 =	vmin.f32 v13, v12  }
0xe1: {  	vm12 =	vlt.f32 v14, v13  }
0xe2: {  	v14 =	vsel vm12, $0x80, v0  }
0xe3: {  	v15 =	vor.u32 $0x3F, v14;
	_ =	sdelay $0x4  }
0xe4: {  	v15 =	vld.idx.msk [tilespmem:v15+s11+$0x0], $0xffff;
	_ =	sdelay $0x4  }
0xe5: {  	v32 =	vor.u32 $0x40, v14;
	vm13 =	vlt.f32 v15, v13  }
0xe6: {  	v15 =	vsel vm13, v32, v14  }
0xe7: {  	v16 =	vand.u32 $0x40, v15  }
0xe8: {  	v14 =	vor.u32 v16, v14  }
0xe9: {  	v14 =	vor.u32 $0x1F, v14;
	_ =	sdelay $0x4  }
0xea: {  	v14 =	vld.idx.msk [tilespmem:v14+s11+$0x0], $0xffff;
	_ =	sdelay $0x4  }
0xeb: {  	v33 =	vor.u32 $0x20, v15;
	vm14 =	vlt.f32 v14, v13  }
0xec: {  	v14 =	vsel vm14, v33, v15  }
0xed: {  	v15 =	vor.u32 $0xF, v14;
	_ =	sdelay $0x4  }
0xee: {  	v15 =	vld.idx.msk [tilespmem:v15+s11+$0x0], $0xffff;
	_ =	sdelay $0x4  }
0xef: {  	v16 =	vor.u32 $0x10, v14;
	vm15 =	vlt.f32 v15, v13  }
0xf0: {  	v14 =	vsel vm15, v16, v14  }
0xf1: {  	v15 =	vadd.s32 $0x7, v14;
	_ =	sdelay $0x4  }
0xf2: {  	v15 =	vld.idx.msk [tilespmem:v15+s11+$0x0], $0xffff;
	_ =	sdelay $0x4  }
0xf3: {  	v16 =	vadd.s32 $0x8, v14;
	vm4 =	vlt.f32 v15, v13  }
0xf4: {  	v14 =	vsel vm4, v16, v14  }
0xf5: {  	v15 =	vadd.s32 $0x3, v14;
	_ =	sdelay $0x4  }
0xf6: {  	v15 =	vld.idx.msk [tilespmem:v15+s11+$0x0], $0xffff;
	_ =	sdelay $0x4  }
0xf7: {  	v16 =	vadd.s32 $0x4, v14;
	vm5 =	vlt.f32 v15, v13  }
0xf8: {  	v14 =	vsel vm5, v16, v14  }
0xf9: {  	v15 =	vadd.s32 $0x1, v14;
	_ =	sdelay $0x4  }
0xfa: {  	v15 =	vld.idx.msk [tilespmem:v15+s11+$0x0], $0xffff;
	_ =	sdelay $0x4  }
0xfb: {  	v16 =	vadd.s32 $0x2, v14;
	vm6 =	vlt.f32 v15, v13  }
0xfc: {  	v14 =	vsel vm6, v16, v14;
	_ =	sdelay $0x4  }
0xfd: {  	v15 =	vld.idx.msk [tilespmem:v14+s11+$0x0], $0xffff;
	_ =	sdelay $0x4  }
0xfe: {  	vm7 =	vlt.f32 v15, v13  }
0xff: {  	v15 =	vsel vm7, $0x1, v0  }
0x100: {  	v14 =	vadd.s32 v15, v14  }
0x101: {  	v14 =	vmax.u32 v14, $0x1  }
0x102: {  	v15 =	vadd.s32 $0xFFFFFFFF, v14;
	_ =	sdelay $0x3  }
0x103: {  	v35 =	vld.idx.msk [tilespmem:v14+s11+$0x0], $0xffff  }
0x104: {  	v34 =	vld.idx.msk [tilespmem:v15+s11+$0x0], $0xffff;
	_ =	sdelay $0x4  }
0x105: {  	v17 =	vsub.f32 v35, v34;
	_ =	sdelay $0x1  }
0x106: {  	(erf) = vrcp.f32 v17;
	_ =	sdelay $0x5  }
0x107: {  	v38 =	vand.u32 $0x7F, v14;
	v37 =	vshll.u32 v15, $0x3  }
0x108: {  	v36 =	vand.u32 $0x7F, v15;
	v18 =	vand.u32 $0x7FFFFC00, v37;
	v14 =	vshll.u32 v14, $0x3  }
0x109: {  	v39 =	vor.u32 v36, v18;
	v14 =	vand.u32 $0x7FFFFC00, v14;
	v13 =	vsub.f32 v13, v34  }
0x10a: {  	v16 =	vadd.s32 v5, v39;
	v14 =	vor.u32 v38, v14;
	v40 =	vpop (erf)  }
0x10b: {  	v14 =	vadd.s32 v5, v14;
	v13 =	vmul.f32 v40, v13;
	_ =	sdelay $0x1  }
0x10c: {  	v17 =	vsub.f32 $1.000000000e+00, v13;
	_ =	sdelay $0x1  }
0x10d: {  	[tilespmem:v16+s14+$0x0] =	vst.idx.msk $0xffff, v17  }
0x10e: {  	[tilespmem:v14+s14+$0x0] =	vst.idx.msk $0xffff, v13  }
0x10f: {  	v13 =	vld [tilespmem:$0x11B30];
	_ =	sdelay $0x4  }
0x110: {  	v14 =	vshll.u32 v13, $0x3;
	v41 =	vadd.s32 $0x1, v13  }
0x111: {  	v13 =	vand.u32 $0x7F, v13;
	v14 =	vand.u32 $0xFFFFFC00, v14;
	v42 =	vshll.u32 v41, $0x3  }
0x112: {  	v13 =	vor.u32 v13, v14;
	v14 =	vand.u32 $0x7F, v41;
	v43 =	vand.u32 $0xFFFFFC00, v42  }
0x113: {  	v13 =	vadd.s32 v6, v13;
	v14 =	vor.u32 v14, v43  }
0x114: {  	v14 =	vadd.s32 v6, v14;
	_ =	sdelay $0x2  }
0x115: {  	[tilespmem:$0x11B20] =	vst v15  }
0x116: {  	[tilespmem:v13+s14+$0x0] =	vst.idx.msk $0xffff, v3  }
0x117: {  	[tilespmem:v14+s14+$0x0] =	vst.idx.msk $0xffff, v3  }
0x118: {  	v13 =	vld [tilespmem:s19+$0xFFFFFFB0];
	_ =	sdelay $0x1  }
0x119: {  	v14 =	vld.idx.msk [tilespmem:v1+s11+$0x0], $0xffff;
	_ =	sdelay $0x2  }
0x11a: {  	v13 =	vmax.f32 v13, v11  }
0x11b: {  	v13 =	vmin.f32 v13, v12  }
0x11c: {  	vm8 =	vlt.f32 v14, v13  }
0x11d: {  	v14 =	vsel vm8, $0x80, v0  }
0x11e: {  	v15 =	vor.u32 $0x3F, v14;
	_ =	sdelay $0x4  }
0x11f: {  	v15 =	vld.idx.msk [tilespmem:v15+s11+$0x0], $0xffff;
	_ =	sdelay $0x4  }
0x120: {  	v44 =	vor.u32 $0x40, v14;
	vm9 =	vlt.f32 v15, v13  }
0x121: {  	v15 =	vsel vm9, v44, v14  }
0x122: {  	v16 =	vand.u32 $0x40, v15  }
0x123: {  	v14 =	vor.u32 v16, v14  }
0x124: {  	v14 =	vor.u32 $0x1F, v14;
	_ =	sdelay $0x4  }
0x125: {  	v14 =	vld.idx.msk [tilespmem:v14+s11+$0x0], $0xffff;
	_ =	sdelay $0x4  }
0x126: {  	v45 =	vor.u32 $0x20, v15;
	vm10 =	vlt.f32 v14, v13  }
0x127: {  	v14 =	vsel vm10, v45, v15  }
0x128: {  	v15 =	vor.u32 $0xF, v14;
	_ =	sdelay $0x4  }
0x129: {  	v15 =	vld.idx.msk [tilespmem:v15+s11+$0x0], $0xffff;
	_ =	sdelay $0x4  }
0x12a: {  	v16 =	vor.u32 $0x10, v14;
	vm11 =	vlt.f32 v15, v13  }
0x12b: {  	v14 =	vsel vm11, v16, v14  }
0x12c: {  	v15 =	vadd.s32 $0x7, v14;
	_ =	sdelay $0x4  }
0x12d: {  	v15 =	vld.idx.msk [tilespmem:v15+s11+$0x0], $0xffff;
	_ =	sdelay $0x4  }
0x12e: {  	v16 =	vadd.s32 $0x8, v14;
	vm12 =	vlt.f32 v15, v13  }
0x12f: {  	v14 =	vsel vm12, v16, v14  }
0x130: {  	v15 =	vadd.s32 $0x3, v14;
	_ =	sdelay $0x4  }
0x131: {  	v15 =	vld.idx.msk [tilespmem:v15+s11+$0x0], $0xffff;
	_ =	sdelay $0x4  }
0x132: {  	v16 =	vadd.s32 $0x4, v14;
	vm13 =	vlt.f32 v15, v13  }
0x133: {  	v14 =	vsel vm13, v16, v14  }
0x134: {  	v15 =	vadd.s32 $0x1, v14;
	_ =	sdelay $0x4  }
0x135: {  	v15 =	vld.idx.msk [tilespmem:v15+s11+$0x0], $0xffff;
	_ =	sdelay $0x4  }
0x136: {  	v16 =	vadd.s32 $0x2, v14;
	vm14 =	vlt.f32 v15, v13  }
0x137: {  	v14 =	vsel vm14, v16, v14;
	_ =	sdelay $0x4  }
0x138: {  	v15 =	vld.idx.msk [tilespmem:v14+s11+$0x0], $0xffff;
	_ =	sdelay $0x4  }
0x139: {  	vm15 =	vlt.f32 v15, v13  }
0x13a: {  	v15 =	vsel vm15, $0x1, v0  }
0x13b: {  	v14 =	vadd.s32 v15, v14  }
0x13c: {  	v14 =	vmax.u32 v14, $0x1  }
0x13d: {  	v15 =	vadd.s32 $0xFFFFFFFF, v14;
	_ =	sdelay $0x3  }
0x13e: {  	v47 =	vld.idx.msk [tilespmem:v14+s11+$0x0], $0xffff  }
0x13f: {  	v46 =	vld.idx.msk [tilespmem:v15+s11+$0x0], $0xffff;
	_ =	sdelay $0x4  }
0x140: {  	v17 =	vsub.f32 v47, v46;
	_ =	sdelay $0x1  }
0x141: {  	(erf) = vrcp.f32 v17;
	_ =	sdelay $0x5  }
0x142: {  	v50 =	vand.u32 $0x7F, v14;
	v49 =	vshll.u32 v15, $0x3  }
0x143: {  	v48 =	vand.u32 $0x7F, v15;
	v18 =	vand.u32 $0x7FFFFC00, v49;
	v14 =	vshll.u32 v14, $0x3  }
0x144: {  	v51 =	vor.u32 v48, v18;
	v14 =	vand.u32 $0x7FFFFC00, v14;
	v13 =	vsub.f32 v13, v46  }
0x145: {  	v16 =	vadd.s32 v6, v51;
	v14 =	vor.u32 v50, v14;
	v52 =	vpop (erf)  }
0x146: {  	v14 =	vadd.s32 v6, v14;
	v13 =	vmul.f32 v52, v13;
	_ =	sdelay $0x1  }
0x147: {  	v17 =	vsub.f32 $1.000000000e+00, v13;
	_ =	sdelay $0x1  }
0x148: {  	[tilespmem:v16+s14+$0x0] =	vst.idx.msk $0xffff, v17  }
0x149: {  	[tilespmem:v14+s14+$0x0] =	vst.idx.msk $0xffff, v13  }
0x14a: {  	v13 =	vld [tilespmem:$0x11B40];
	_ =	sdelay $0x4  }
0x14b: {  	v14 =	vshll.u32 v13, $0x3;
	v53 =	vadd.s32 $0x1, v13  }
0x14c: {  	v13 =	vand.u32 $0x7F, v13;
	v14 =	vand.u32 $0xFFFFFC00, v14;
	v54 =	vshll.u32 v53, $0x3  }
0x14d: {  	v13 =	vor.u32 v13, v14;
	v14 =	vand.u32 $0x7F, v53;
	v55 =	vand.u32 $0xFFFFFC00, v54  }
0x14e: {  	v13 =	vadd.s32 v7, v13;
	v14 =	vor.u32 v14, v55  }
0x14f: {  	v14 =	vadd.s32 v7, v14;
	_ =	sdelay $0x2  }
0x150: {  	[tilespmem:$0x11B30] =	vst v15  }
0x151: {  	[tilespmem:v13+s14+$0x0] =	vst.idx.msk $0xffff, v3  }
0x152: {  	[tilespmem:v14+s14+$0x0] =	vst.idx.msk $0xffff, v3  }
0x153: {  	v13 =	vld [tilespmem:s19+$0xFFFFFFC0];
	_ =	sdelay $0x1  }
0x154: {  	v14 =	vld.idx.msk [tilespmem:v1+s11+$0x0], $0xffff;
	_ =	sdelay $0x2  }
0x155: {  	v13 =	vmax.f32 v13, v11  }
0x156: {  	v13 =	vmin.f32 v13, v12  }
0x157: {  	vm4 =	vlt.f32 v14, v13  }
0x158: {  	v14 =	vsel vm4, $0x80, v0  }
0x159: {  	v15 =	vor.u32 $0x3F, v14;
	_ =	sdelay $0x4  }
0x15a: {  	v15 =	vld.idx.msk [tilespmem:v15+s11+$0x0], $0xffff;
	_ =	sdelay $0x4  }
0x15b: {  	v56 =	vor.u32 $0x40, v14;
	vm5 =	vlt.f32 v15, v13  }
0x15c: {  	v15 =	vsel vm5, v56, v14  }
0x15d: {  	v16 =	vand.u32 $0x40, v15  }
0x15e: {  	v14 =	vor.u32 v16, v14  }
0x15f: {  	v14 =	vor.u32 $0x1F, v14;
	_ =	sdelay $0x4  }
0x160: {  	v14 =	vld.idx.msk [tilespmem:v14+s11+$0x0], $0xffff;
	_ =	sdelay $0x4  }
0x161: {  	v57 =	vor.u32 $0x20, v15;
	vm6 =	vlt.f32 v14, v13  }
0x162: {  	v14 =	vsel vm6, v57, v15  }
0x163: {  	v15 =	vor.u32 $0xF, v14;
	_ =	sdelay $0x4  }
0x164: {  	v15 =	vld.idx.msk [tilespmem:v15+s11+$0x0], $0xffff;
	_ =	sdelay $0x4  }
0x165: {  	v16 =	vor.u32 $0x10, v14;
	vm7 =	vlt.f32 v15, v13  }
0x166: {  	v14 =	vsel vm7, v16, v14  }
0x167: {  	v15 =	vadd.s32 $0x7, v14;
	_ =	sdelay $0x4  }
0x168: {  	v15 =	vld.idx.msk [tilespmem:v15+s11+$0x0], $0xffff;
	_ =	sdelay $0x4  }
0x169: {  	v16 =	vadd.s32 $0x8, v14;
	vm8 =	vlt.f32 v15, v13  }
0x16a: {  	v14 =	vsel vm8, v16, v14  }
0x16b: {  	v15 =	vadd.s32 $0x3, v14;
	_ =	sdelay $0x4  }
0x16c: {  	v15 =	vld.idx.msk [tilespmem:v15+s11+$0x0], $0xffff;
	_ =	sdelay $0x4  }
0x16d: {  	v16 =	vadd.s32 $0x4, v14;
	vm9 =	vlt.f32 v15, v13  }
0x16e: {  	v14 =	vsel vm9, v16, v14  }
0x16f: {  	v15 =	vadd.s32 $0x1, v14;
	_ =	sdelay $0x4  }
0x170: {  	v15 =	vld.idx.msk [tilespmem:v15+s11+$0x0], $0xffff;
	_ =	sdelay $0x4  }
0x171: {  	v16 =	vadd.s32 $0x2, v14;
	vm10 =	vlt.f32 v15, v13  }
0x172: {  	v14 =	vsel vm10, v16, v14;
	_ =	sdelay $0x4  }
0x173: {  	v15 =	vld.idx.msk [tilespmem:v14+s11+$0x0], $0xffff;
	_ =	sdelay $0x4  }
0x174: {  	vm11 =	vlt.f32 v15, v13  }
0x175: {  	v15 =	vsel vm11, $0x1, v0  }
0x176: {  	v14 =	vadd.s32 v15, v14  }
0x177: {  	v14 =	vmax.u32 v14, $0x1  }
0x178: {  	v15 =	vadd.s32 $0xFFFFFFFF, v14;
	_ =	sdelay $0x3  }
0x179: {  	v59 =	vld.idx.msk [tilespmem:v14+s11+$0x0], $0xffff  }
0x17a: {  	v58 =	vld.idx.msk [tilespmem:v15+s11+$0x0], $0xffff;
	_ =	sdelay $0x4  }
0x17b: {  	v17 =	vsub.f32 v59, v58;
	_ =	sdelay $0x1  }
0x17c: {  	(erf) = vrcp.f32 v17;
	_ =	sdelay $0x5  }
0x17d: {  	v62 =	vand.u32 $0x7F, v14;
	v61 =	vshll.u32 v15, $0x3  }
0x17e: {  	v60 =	vand.u32 $0x7F, v15;
	v18 =	vand.u32 $0x7FFFFC00, v61;
	v14 =	vshll.u32 v14, $0x3  }
0x17f: {  	v63 =	vor.u32 v60, v18;
	v14 =	vand.u32 $0x7FFFFC00, v14;
	v13 =	vsub.f32 v13, v58  }
0x180: {  	v16 =	vadd.s32 v7, v63;
	v14 =	vor.u32 v62, v14;
	v20 =	vpop (erf)  }
0x181: {  	v14 =	vadd.s32 v7, v14;
	v13 =	vmul.f32 v20, v13;
	_ =	sdelay $0x1  }
0x182: {  	v17 =	vsub.f32 $1.000000000e+00, v13;
	_ =	sdelay $0x1  }
0x183: {  	[tilespmem:v16+s14+$0x0] =	vst.idx.msk $0xffff, v17  }
0x184: {  	[tilespmem:v14+s14+$0x0] =	vst.idx.msk $0xffff, v13  }
0x185: {  	v13 =	vld [tilespmem:$0x11B50];
	_ =	sdelay $0x4  }
0x186: {  	v14 =	vshll.u32 v13, $0x3;
	v21 =	vadd.s32 $0x1, v13  }
0x187: {  	v13 =	vand.u32 $0x7F, v13;
	v14 =	vand.u32 $0xFFFFFC00, v14;
	v22 =	vshll.u32 v21, $0x3  }
0x188: {  	v13 =	vor.u32 v13, v14;
	v14 =	vand.u32 $0x7F, v21;
	v23 =	vand.u32 $0xFFFFFC00, v22  }
0x189: {  	v13 =	vadd.s32 v8, v13;
	v14 =	vor.u32 v14, v23  }
0x18a: {  	v14 =	vadd.s32 v8, v14;
	_ =	sdelay $0x2  }
0x18b: {  	[tilespmem:$0x11B40] =	vst v15  }
0x18c: {  	[tilespmem:v13+s14+$0x0] =	vst.idx.msk $0xffff, v3  }
0x18d: {  	[tilespmem:v14+s14+$0x0] =	vst.idx.msk $0xffff, v3  }
0x18e: {  	v13 =	vld [tilespmem:s19+$0xFFFFFFD0];
	_ =	sdelay $0x1  }
0x18f: {  	v14 =	vld.idx.msk [tilespmem:v1+s11+$0x0], $0xffff;
	_ =	sdelay $0x2  }
0x190: {  	v13 =	vmax.f32 v13, v11  }
0x191: {  	v13 =	vmin.f32 v13, v12  }
0x192: {  	vm12 =	vlt.f32 v14, v13  }
0x193: {  	v14 =	vsel vm12, $0x80, v0  }
0x194: {  	v15 =	vor.u32 $0x3F, v14;
	_ =	sdelay $0x4  }
0x195: {  	v15 =	vld.idx.msk [tilespmem:v15+s11+$0x0], $0xffff;
	_ =	sdelay $0x4  }
0x196: {  	v24 =	vor.u32 $0x40, v14;
	vm13 =	vlt.f32 v15, v13  }
0x197: {  	v15 =	vsel vm13, v24, v14  }
0x198: {  	v16 =	vand.u32 $0x40, v15  }
0x199: {  	v14 =	vor.u32 v16, v14  }
0x19a: {  	v14 =	vor.u32 $0x1F, v14;
	_ =	sdelay $0x4  }
0x19b: {  	v14 =	vld.idx.msk [tilespmem:v14+s11+$0x0], $0xffff;
	_ =	sdelay $0x4  }
0x19c: {  	v25 =	vor.u32 $0x20, v15;
	vm14 =	vlt.f32 v14, v13  }
0x19d: {  	v14 =	vsel vm14, v25, v15  }
0x19e: {  	v15 =	vor.u32 $0xF, v14;
	_ =	sdelay $0x4  }
0x19f: {  	v15 =	vld.idx.msk [tilespmem:v15+s11+$0x0], $0xffff;
	_ =	sdelay $0x4  }
0x1a0: {  	v16 =	vor.u32 $0x10, v14;
	vm15 =	vlt.f32 v15, v13  }
0x1a1: {  	v14 =	vsel vm15, v16, v14  }
0x1a2: {  	v15 =	vadd.s32 $0x7, v14;
	_ =	sdelay $0x4  }
0x1a3: {  	v15 =	vld.idx.msk [tilespmem:v15+s11+$0x0], $0xffff;
	_ =	sdelay $0x4  }
0x1a4: {  	v16 =	vadd.s32 $0x8, v14;
	vm4 =	vlt.f32 v15, v13  }
0x1a5: {  	v14 =	vsel vm4, v16, v14  }
0x1a6: {  	v15 =	vadd.s32 $0x3, v14;
	_ =	sdelay $0x4  }
0x1a7: {  	v15 =	vld.idx.msk [tilespmem:v15+s11+$0x0], $0xffff;
	_ =	sdelay $0x4  }
0x1a8: {  	v16 =	vadd.s32 $0x4, v14;
	vm5 =	vlt.f32 v15, v13  }
0x1a9: {  	v14 =	vsel vm5, v16, v14  }
0x1aa: {  	v15 =	vadd.s32 $0x1, v14;
	_ =	sdelay $0x4  }
0x1ab: {  	v15 =	vld.idx.msk [tilespmem:v15+s11+$0x0], $0xffff;
	_ =	sdelay $0x4  }
0x1ac: {  	v16 =	vadd.s32 $0x2, v14;
	vm6 =	vlt.f32 v15, v13  }
0x1ad: {  	v14 =	vsel vm6, v16, v14;
	_ =	sdelay $0x4  }
0x1ae: {  	v15 =	vld.idx.msk [tilespmem:v14+s11+$0x0], $0xffff;
	_ =	sdelay $0x4  }
0x1af: {  	vm7 =	vlt.f32 v15, v13  }
0x1b0: {  	v15 =	vsel vm7, $0x1, v0  }
0x1b1: {  	v14 =	vadd.s32 v15, v14  }
0x1b2: {  	v14 =	vmax.u32 v14, $0x1  }
0x1b3: {  	v15 =	vadd.s32 $0xFFFFFFFF, v14;
	_ =	sdelay $0x3  }
0x1b4: {  	v27 =	vld.idx.msk [tilespmem:v14+s11+$0x0], $0xffff  }
0x1b5: {  	v26 =	vld.idx.msk [tilespmem:v15+s11+$0x0], $0xffff;
	_ =	sdelay $0x4  }
0x1b6: {  	v17 =	vsub.f32 v27, v26;
	_ =	sdelay $0x1  }
0x1b7: {  	(erf) = vrcp.f32 v17;
	_ =	sdelay $0x5  }
0x1b8: {  	v30 =	vand.u32 $0x7F, v14;
	v29 =	vshll.u32 v15, $0x3  }
0x1b9: {  	v28 =	vand.u32 $0x7F, v15;
	v18 =	vand.u32 $0x7FFFFC00, v29;
	v14 =	vshll.u32 v14, $0x3  }
0x1ba: {  	v31 =	vor.u32 v28, v18;
	v14 =	vand.u32 $0x7FFFFC00, v14;
	v13 =	vsub.f32 v13, v26  }
0x1bb: {  	v16 =	vadd.s32 v8, v31;
	v14 =	vor.u32 v30, v14;
	v32 =	vpop (erf)  }
0x1bc: {  	v14 =	vadd.s32 v8, v14;
	v13 =	vmul.f32 v32, v13;
	_ =	sdelay $0x1  }
0x1bd: {  	v17 =	vsub.f32 $1.000000000e+00, v13;
	_ =	sdelay $0x1  }
0x1be: {  	[tilespmem:v16+s14+$0x0] =	vst.idx.msk $0xffff, v17  }
0x1bf: {  	[tilespmem:v14+s14+$0x0] =	vst.idx.msk $0xffff, v13  }
0x1c0: {  	v13 =	vld [tilespmem:$0x11B60];
	_ =	sdelay $0x4  }
0x1c1: {  	v14 =	vshll.u32 v13, $0x3;
	v33 =	vadd.s32 $0x1, v13  }
0x1c2: {  	v13 =	vand.u32 $0x7F, v13;
	v14 =	vand.u32 $0xFFFFFC00, v14;
	v34 =	vshll.u32 v33, $0x3  }
0x1c3: {  	v13 =	vor.u32 v13, v14;
	v14 =	vand.u32 $0x7F, v33;
	v35 =	vand.u32 $0xFFFFFC00, v34  }
0x1c4: {  	v13 =	vadd.s32 v9, v13;
	v14 =	vor.u32 v14, v35  }
0x1c5: {  	v14 =	vadd.s32 v9, v14;
	_ =	sdelay $0x2  }
0x1c6: {  	[tilespmem:$0x11B50] =	vst v15  }
0x1c7: {  	[tilespmem:v13+s14+$0x0] =	vst.idx.msk $0xffff, v3  }
0x1c8: {  	[tilespmem:v14+s14+$0x0] =	vst.idx.msk $0xffff, v3  }
0x1c9: {  	v13 =	vld [tilespmem:s19+$0xFFFFFFE0];
	_ =	sdelay $0x1  }
0x1ca: {  	v14 =	vld.idx.msk [tilespmem:v1+s11+$0x0], $0xffff;
	_ =	sdelay $0x2  }
0x1cb: {  	v13 =	vmax.f32 v13, v11  }
0x1cc: {  	v13 =	vmin.f32 v13, v12  }
0x1cd: {  	vm8 =	vlt.f32 v14, v13  }
0x1ce: {  	v14 =	vsel vm8, $0x80, v0  }
0x1cf: {  	v15 =	vor.u32 $0x3F, v14;
	_ =	sdelay $0x4  }
0x1d0: {  	v15 =	vld.idx.msk [tilespmem:v15+s11+$0x0], $0xffff;
	_ =	sdelay $0x4  }
0x1d1: {  	v36 =	vor.u32 $0x40, v14;
	vm9 =	vlt.f32 v15, v13  }
0x1d2: {  	v15 =	vsel vm9, v36, v14  }
0x1d3: {  	v16 =	vand.u32 $0x40, v15  }
0x1d4: {  	v14 =	vor.u32 v16, v14  }
0x1d5: {  	v14 =	vor.u32 $0x1F, v14;
	_ =	sdelay $0x4  }
0x1d6: {  	v14 =	vld.idx.msk [tilespmem:v14+s11+$0x0], $0xffff;
	_ =	sdelay $0x4  }
0x1d7: {  	v37 =	vor.u32 $0x20, v15;
	vm10 =	vlt.f32 v14, v13  }
0x1d8: {  	v14 =	vsel vm10, v37, v15  }
0x1d9: {  	v15 =	vor.u32 $0xF, v14;
	_ =	sdelay $0x4  }
0x1da: {  	v15 =	vld.idx.msk [tilespmem:v15+s11+$0x0], $0xffff;
	_ =	sdelay $0x4  }
0x1db: {  	v16 =	vor.u32 $0x10, v14;
	vm11 =	vlt.f32 v15, v13  }
0x1dc: {  	v14 =	vsel vm11, v16, v14  }
0x1dd: {  	v15 =	vadd.s32 $0x7, v14;
	_ =	sdelay $0x4  }
0x1de: {  	v15 =	vld.idx.msk [tilespmem:v15+s11+$0x0], $0xffff;
	_ =	sdelay $0x4  }
0x1df: {  	v16 =	vadd.s32 $0x8, v14;
	vm12 =	vlt.f32 v15, v13  }
0x1e0: {  	v14 =	vsel vm12, v16, v14  }
0x1e1: {  	v15 =	vadd.s32 $0x3, v14;
	_ =	sdelay $0x4  }
0x1e2: {  	v15 =	vld.idx.msk [tilespmem:v15+s11+$0x0], $0xffff;
	_ =	sdelay $0x4  }
0x1e3: {  	v16 =	vadd.s32 $0x4, v14;
	vm13 =	vlt.f32 v15, v13  }
0x1e4: {  	v14 =	vsel vm13, v16, v14  }
0x1e5: {  	v15 =	vadd.s32 $0x1, v14;
	_ =	sdelay $0x4  }
0x1e6: {  	v15 =	vld.idx.msk [tilespmem:v15+s11+$0x0], $0xffff;
	_ =	sdelay $0x4  }
0x1e7: {  	v16 =	vadd.s32 $0x2, v14;
	vm14 =	vlt.f32 v15, v13  }
0x1e8: {  	v14 =	vsel vm14, v16, v14;
	_ =	sdelay $0x4  }
0x1e9: {  	v15 =	vld.idx.msk [tilespmem:v14+s11+$0x0], $0xffff;
	_ =	sdelay $0x4  }
0x1ea: {  	vm15 =	vlt.f32 v15, v13  }
0x1eb: {  	v15 =	vsel vm15, $0x1, v0  }
0x1ec: {  	v14 =	vadd.s32 v15, v14  }
0x1ed: {  	v14 =	vmax.u32 v14, $0x1  }
0x1ee: {  	v15 =	vadd.s32 $0xFFFFFFFF, v14;
	_ =	sdelay $0x3  }
0x1ef: {  	v39 =	vld.idx.msk [tilespmem:v14+s11+$0x0], $0xffff  }
0x1f0: {  	v38 =	vld.idx.msk [tilespmem:v15+s11+$0x0], $0xffff;
	_ =	sdelay $0x4  }
0x1f1: {  	v17 =	vsub.f32 v39, v38;
	_ =	sdelay $0x1  }
0x1f2: {  	(erf) = vrcp.f32 v17;
	_ =	sdelay $0x5  }
0x1f3: {  	v42 =	vand.u32 $0x7F, v14;
	v41 =	vshll.u32 v15, $0x3  }
0x1f4: {  	v40 =	vand.u32 $0x7F, v15;
	v18 =	vand.u32 $0x7FFFFC00, v41;
	v14 =	vshll.u32 v14, $0x3  }
0x1f5: {  	v43 =	vor.u32 v40, v18;
	v14 =	vand.u32 $0x7FFFFC00, v14;
	v13 =	vsub.f32 v13, v38  }
0x1f6: {  	v16 =	vadd.s32 v9, v43;
	v14 =	vor.u32 v42, v14;
	v44 =	vpop (erf)  }
0x1f7: {  	v14 =	vadd.s32 v9, v14;
	v13 =	vmul.f32 v44, v13;
	_ =	sdelay $0x1  }
0x1f8: {  	v17 =	vsub.f32 $1.000000000e+00, v13;
	_ =	sdelay $0x1  }
0x1f9: {  	[tilespmem:v16+s14+$0x0] =	vst.idx.msk $0xffff, v17  }
0x1fa: {  	[tilespmem:v14+s14+$0x0] =	vst.idx.msk $0xffff, v13  }
0x1fb: {  	v13 =	vld [tilespmem:$0x11B70];
	_ =	sdelay $0x4  }
0x1fc: {  	v14 =	vshll.u32 v13, $0x3;
	v45 =	vadd.s32 $0x1, v13  }
0x1fd: {  	v13 =	vand.u32 $0x7F, v13;
	v14 =	vand.u32 $0xFFFFFC00, v14;
	v46 =	vshll.u32 v45, $0x3  }
0x1fe: {  	v13 =	vor.u32 v13, v14;
	v14 =	vand.u32 $0x7F, v45;
	v47 =	vand.u32 $0xFFFFFC00, v46  }
0x1ff: {  	v13 =	vadd.s32 v10, v13;
	v14 =	vor.u32 v14, v47  }
0x200: {  	v14 =	vadd.s32 v10, v14;
	_ =	sdelay $0x2  }
0x201: {  	[tilespmem:$0x11B60] =	vst v15  }
0x202: {  	[tilespmem:v13+s14+$0x0] =	vst.idx.msk $0xffff, v3  }
0x203: {  	[tilespmem:v14+s14+$0x0] =	vst.idx.msk $0xffff, v3  }
0x204: {  	v13 =	vld [tilespmem:s19+$0xFFFFFFF0];
	_ =	sdelay $0x1  }
0x205: {  	v14 =	vld.idx.msk [tilespmem:v1+s11+$0x0], $0xffff;
	_ =	sdelay $0x2  }
0x206: {  	v13 =	vmax.f32 v13, v11  }
0x207: {  	v13 =	vmin.f32 v13, v12  }
0x208: {  	vm4 =	vlt.f32 v14, v13  }
0x209: {  	v14 =	vsel vm4, $0x80, v0  }
0x20a: {  	v15 =	vor.u32 $0x3F, v14;
	_ =	sdelay $0x4  }
0x20b: {  	v15 =	vld.idx.msk [tilespmem:v15+s11+$0x0], $0xffff;
	_ =	sdelay $0x4  }
0x20c: {  	v48 =	vor.u32 $0x40, v14;
	vm5 =	vlt.f32 v15, v13  }
0x20d: {  	v15 =	vsel vm5, v48, v14  }
0x20e: {  	v16 =	vand.u32 $0x40, v15  }
0x20f: {  	v14 =	vor.u32 v16, v14  }
0x210: {  	v14 =	vor.u32 $0x1F, v14;
	_ =	sdelay $0x4  }
0x211: {  	v14 =	vld.idx.msk [tilespmem:v14+s11+$0x0], $0xffff;
	_ =	sdelay $0x4  }
0x212: {  	v49 =	vor.u32 $0x20, v15;
	vm6 =	vlt.f32 v14, v13  }
0x213: {  	v14 =	vsel vm6, v49, v15  }
0x214: {  	v15 =	vor.u32 $0xF, v14;
	_ =	sdelay $0x4  }
0x215: {  	v15 =	vld.idx.msk [tilespmem:v15+s11+$0x0], $0xffff;
	_ =	sdelay $0x4  }
0x216: {  	v16 =	vor.u32 $0x10, v14;
	vm7 =	vlt.f32 v15, v13  }
0x217: {  	v14 =	vsel vm7, v16, v14  }
0x218: {  	v15 =	vadd.s32 $0x7, v14;
	_ =	sdelay $0x4  }
0x219: {  	v15 =	vld.idx.msk [tilespmem:v15+s11+$0x0], $0xffff;
	_ =	sdelay $0x4  }
0x21a: {  	v16 =	vadd.s32 $0x8, v14;
	vm8 =	vlt.f32 v15, v13  }
0x21b: {  	v14 =	vsel vm8, v16, v14  }
0x21c: {  	v15 =	vadd.s32 $0x3, v14;
	_ =	sdelay $0x4  }
0x21d: {  	v15 =	vld.idx.msk [tilespmem:v15+s11+$0x0], $0xffff;
	_ =	sdelay $0x4  }
0x21e: {  	v16 =	vadd.s32 $0x4, v14;
	vm9 =	vlt.f32 v15, v13  }
0x21f: {  	v14 =	vsel vm9, v16, v14  }
0x220: {  	v15 =	vadd.s32 $0x1, v14;
	_ =	sdelay $0x4  }
0x221: {  	v15 =	vld.idx.msk [tilespmem:v15+s11+$0x0], $0xffff;
	_ =	sdelay $0x4  }
0x222: {  	v16 =	vadd.s32 $0x2, v14;
	vm10 =	vlt.f32 v15, v13  }
0x223: {  	v14 =	vsel vm10, v16, v14;
	_ =	sdelay $0x4  }
0x224: {  	v15 =	vld.idx.msk [tilespmem:v14+s11+$0x0], $0xffff;
	_ =	sdelay $0x4  }
0x225: {  	vm11 =	vlt.f32 v15, v13  }
0x226: {  	v15 =	vsel vm11, $0x1, v0  }
0x227: {  	v14 =	vadd.s32 v15, v14  }
0x228: {  	v14 =	vmax.u32 v14, $0x1  }
0x229: {  	v15 =	vadd.s32 $0xFFFFFFFF, v14;
	_ =	sdelay $0x3  }
0x22a: {  	v51 =	vld.idx.msk [tilespmem:v14+s11+$0x0], $0xffff  }
0x22b: {  	v50 =	vld.idx.msk [tilespmem:v15+s11+$0x0], $0xffff;
	_ =	sdelay $0x4  }
0x22c: {  	v17 =	vsub.f32 v51, v50;
	_ =	sdelay $0x1  }
0x22d: {  	(erf) = vrcp.f32 v17;
	_ =	sdelay $0x5  }
0x22e: {  	v54 =	vand.u32 $0x7F, v14;
	v53 =	vshll.u32 v15, $0x3  }
0x22f: {  	v52 =	vand.u32 $0x7F, v15;
	v18 =	vand.u32 $0x7FFFFC00, v53;
	v14 =	vshll.u32 v14, $0x3  }
0x230: {  	v55 =	vor.u32 v52, v18;
	v14 =	vand.u32 $0x7FFFFC00, v14;
	v13 =	vsub.f32 v13, v50  }
0x231: {  	v16 =	vadd.s32 v10, v55;
	v14 =	vor.u32 v54, v14;
	v56 =	vpop (erf)  }
0x232: {  	v14 =	vadd.s32 v10, v14;
	v13 =	vmul.f32 v56, v13;
	_ =	sdelay $0x1  }
0x233: {  	v17 =	vsub.f32 $1.000000000e+00, v13;
	_ =	sdelay $0x1  }
0x234: {  	[tilespmem:v16+s14+$0x0] =	vst.idx.msk $0xffff, v17  }
0x235: {  	[tilespmem:v14+s14+$0x0] =	vst.idx.msk $0xffff, v13  }
0x236: {  	s31 =	sadd.s32 s20, s9;
	s22 =	simm.s32 @!p0 $0x2;
	[tilespmem:$0x11B70] =	vst v15  }
0x237: {  	[hbm4b:s31+s2] =	stream.linear.scatter [tilespmem:s14], [sflag:$0x1], $0x8000, $0x38;
	[tilespmem:$0x11C00] =	vst v63  }
0x238: {  	_ =	swait.ge @!p0 [sflag:s22], $0x8000  }
0x239: {  	[sflag:s22] =	ssyncset.done @!p0 $0x0  }
0x23a: {  	[sflag:s22] =	ssyncadd.s32 @!p0 $0xFFFF8000  }
0x23b: {  	v13 =	vld [tilespmem:$0x11B80];
	_ =	sdelay $0x4  }
0x23c: {  	v14 =	vshll.u32 v13, $0x3;
	v15 =	vadd.s32 $0x1, v13  }
0x23d: {  	v13 =	vand.u32 $0x7F, v13;
	v14 =	vand.u32 $0xFFFFFC00, v14;
	v57 =	vshll.u32 v15, $0x3  }
0x23e: {  	v13 =	vor.u32 v13, v14;
	v14 =	vand.u32 $0x7F, v15;
	v15 =	vand.u32 $0xFFFFFC00, v57  }
0x23f: {  	v13 =	vadd.s32 v2, v13;
	v14 =	vor.u32 v14, v15  }
0x240: {  	v14 =	vadd.s32 v2, v14;
	_ =	sdelay $0x3  }
0x241: {  	[tilespmem:v13+s15+$0x0] =	vst.idx.msk $0xffff, v3  }
0x242: {  	[tilespmem:v14+s15+$0x0] =	vst.idx.msk $0xffff, v3  }
0x243: {  	v13 =	vld [tilespmem:s19+$0x0];
	_ =	sdelay $0x1  }
0x244: {  	v14 =	vld.idx.msk [tilespmem:v1+s11+$0x0], $0xffff;
	_ =	sdelay $0x2  }
0x245: {  	v13 =	vmax.f32 v13, v11  }
0x246: {  	v13 =	vmin.f32 v13, v12  }
0x247: {  	vm12 =	vlt.f32 v14, v13  }
0x248: {  	v14 =	vsel vm12, $0x80, v0  }
0x249: {  	v15 =	vor.u32 $0x3F, v14;
	_ =	sdelay $0x4  }
0x24a: {  	v15 =	vld.idx.msk [tilespmem:v15+s11+$0x0], $0xffff;
	_ =	sdelay $0x4  }
0x24b: {  	v58 =	vor.u32 $0x40, v14;
	vm13 =	vlt.f32 v15, v13  }
0x24c: {  	v15 =	vsel vm13, v58, v14  }
0x24d: {  	v16 =	vand.u32 $0x40, v15  }
0x24e: {  	v14 =	vor.u32 v16, v14  }
0x24f: {  	v14 =	vor.u32 $0x1F, v14;
	_ =	sdelay $0x4  }
0x250: {  	v14 =	vld.idx.msk [tilespmem:v14+s11+$0x0], $0xffff;
	_ =	sdelay $0x4  }
0x251: {  	v59 =	vor.u32 $0x20, v15;
	vm14 =	vlt.f32 v14, v13  }
0x252: {  	v14 =	vsel vm14, v59, v15  }
0x253: {  	v15 =	vor.u32 $0xF, v14;
	_ =	sdelay $0x4  }
0x254: {  	v15 =	vld.idx.msk [tilespmem:v15+s11+$0x0], $0xffff;
	_ =	sdelay $0x4  }
0x255: {  	v16 =	vor.u32 $0x10, v14;
	vm15 =	vlt.f32 v15, v13  }
0x256: {  	v14 =	vsel vm15, v16, v14  }
0x257: {  	v15 =	vadd.s32 $0x7, v14;
	_ =	sdelay $0x4  }
0x258: {  	v15 =	vld.idx.msk [tilespmem:v15+s11+$0x0], $0xffff;
	_ =	sdelay $0x4  }
0x259: {  	v16 =	vadd.s32 $0x8, v14;
	vm4 =	vlt.f32 v15, v13  }
0x25a: {  	v14 =	vsel vm4, v16, v14  }
0x25b: {  	v15 =	vadd.s32 $0x3, v14;
	_ =	sdelay $0x4  }
0x25c: {  	v15 =	vld.idx.msk [tilespmem:v15+s11+$0x0], $0xffff;
	_ =	sdelay $0x4  }
0x25d: {  	v16 =	vadd.s32 $0x4, v14;
	vm5 =	vlt.f32 v15, v13  }
0x25e: {  	v14 =	vsel vm5, v16, v14  }
0x25f: {  	v15 =	vadd.s32 $0x1, v14;
	_ =	sdelay $0x4  }
0x260: {  	v15 =	vld.idx.msk [tilespmem:v15+s11+$0x0], $0xffff;
	_ =	sdelay $0x4  }
0x261: {  	v16 =	vadd.s32 $0x2, v14;
	vm6 =	vlt.f32 v15, v13  }
0x262: {  	v14 =	vsel vm6, v16, v14;
	_ =	sdelay $0x4  }
0x263: {  	v15 =	vld.idx.msk [tilespmem:v14+s11+$0x0], $0xffff;
	_ =	sdelay $0x4  }
0x264: {  	vm7 =	vlt.f32 v15, v13  }
0x265: {  	v15 =	vsel vm7, $0x1, v0  }
0x266: {  	v14 =	vadd.s32 v15, v14  }
0x267: {  	v14 =	vmax.u32 v14, $0x1  }
0x268: {  	v15 =	vadd.s32 $0xFFFFFFFF, v14;
	_ =	sdelay $0x3  }
0x269: {  	v61 =	vld.idx.msk [tilespmem:v14+s11+$0x0], $0xffff  }
0x26a: {  	v60 =	vld.idx.msk [tilespmem:v15+s11+$0x0], $0xffff;
	_ =	sdelay $0x4  }
0x26b: {  	v17 =	vsub.f32 v61, v60;
	_ =	sdelay $0x1  }
0x26c: {  	(erf) = vrcp.f32 v17;
	_ =	sdelay $0x5  }
0x26d: {  	v21 =	vand.u32 $0x7F, v14;
	v63 =	vshll.u32 v15, $0x3  }
0x26e: {  	v62 =	vand.u32 $0x7F, v15;
	v18 =	vand.u32 $0x7FFFFC00, v63;
	v14 =	vshll.u32 v14, $0x3  }
0x26f: {  	v22 =	vor.u32 v62, v18;
	v14 =	vand.u32 $0x7FFFFC00, v14;
	v13 =	vsub.f32 v13, v60  }
0x270: {  	v16 =	vadd.s32 v2, v22;
	v14 =	vor.u32 v21, v14;
	v23 =	vpop (erf)  }
0x271: {  	v14 =	vadd.s32 v2, v14;
	v13 =	vmul.f32 v23, v13;
	_ =	sdelay $0x1  }
0x272: {  	v17 =	vsub.f32 $1.000000000e+00, v13;
	_ =	sdelay $0x1  }
0x273: {  	[tilespmem:v16+s15+$0x0] =	vst.idx.msk $0xffff, v17  }
0x274: {  	[tilespmem:v14+s15+$0x0] =	vst.idx.msk $0xffff, v13  }
0x275: {  	v13 =	vld [tilespmem:$0x11B90];
	_ =	sdelay $0x4  }
0x276: {  	v14 =	vshll.u32 v13, $0x3;
	v24 =	vadd.s32 $0x1, v13  }
0x277: {  	v13 =	vand.u32 $0x7F, v13;
	v14 =	vand.u32 $0xFFFFFC00, v14;
	v25 =	vshll.u32 v24, $0x3  }
0x278: {  	v13 =	vor.u32 v13, v14;
	v14 =	vand.u32 $0x7F, v24;
	v26 =	vand.u32 $0xFFFFFC00, v25  }
0x279: {  	v13 =	vadd.s32 v4, v13;
	v14 =	vor.u32 v14, v26  }
0x27a: {  	v14 =	vadd.s32 v4, v14;
	_ =	sdelay $0x2  }
0x27b: {  	[tilespmem:$0x11B80] =	vst v15  }
0x27c: {  	[tilespmem:v13+s15+$0x0] =	vst.idx.msk $0xffff, v3  }
0x27d: {  	[tilespmem:v14+s15+$0x0] =	vst.idx.msk $0xffff, v3  }
0x27e: {  	v13 =	vld [tilespmem:s19+$0x10];
	_ =	sdelay $0x1  }
0x27f: {  	v14 =	vld.idx.msk [tilespmem:v1+s11+$0x0], $0xffff;
	_ =	sdelay $0x2  }
0x280: {  	v13 =	vmax.f32 v13, v11  }
0x281: {  	v13 =	vmin.f32 v13, v12  }
0x282: {  	vm8 =	vlt.f32 v14, v13  }
0x283: {  	v14 =	vsel vm8, $0x80, v0  }
0x284: {  	v15 =	vor.u32 $0x3F, v14;
	_ =	sdelay $0x4  }
0x285: {  	v15 =	vld.idx.msk [tilespmem:v15+s11+$0x0], $0xffff;
	_ =	sdelay $0x4  }
0x286: {  	v27 =	vor.u32 $0x40, v14;
	vm9 =	vlt.f32 v15, v13  }
0x287: {  	v15 =	vsel vm9, v27, v14  }
0x288: {  	v16 =	vand.u32 $0x40, v15  }
0x289: {  	v14 =	vor.u32 v16, v14  }
0x28a: {  	v14 =	vor.u32 $0x1F, v14;
	_ =	sdelay $0x4  }
0x28b: {  	v14 =	vld.idx.msk [tilespmem:v14+s11+$0x0], $0xffff;
	_ =	sdelay $0x4  }
0x28c: {  	v28 =	vor.u32 $0x20, v15;
	vm10 =	vlt.f32 v14, v13  }
0x28d: {  	v14 =	vsel vm10, v28, v15  }
0x28e: {  	v15 =	vor.u32 $0xF, v14;
	_ =	sdelay $0x4  }
0x28f: {  	v15 =	vld.idx.msk [tilespmem:v15+s11+$0x0], $0xffff;
	_ =	sdelay $0x4  }
0x290: {  	v16 =	vor.u32 $0x10, v14;
	vm11 =	vlt.f32 v15, v13  }
0x291: {  	v14 =	vsel vm11, v16, v14  }
0x292: {  	v15 =	vadd.s32 $0x7, v14;
	_ =	sdelay $0x4  }
0x293: {  	v15 =	vld.idx.msk [tilespmem:v15+s11+$0x0], $0xffff;
	_ =	sdelay $0x4  }
0x294: {  	v16 =	vadd.s32 $0x8, v14;
	vm12 =	vlt.f32 v15, v13  }
0x295: {  	v14 =	vsel vm12, v16, v14  }
0x296: {  	v15 =	vadd.s32 $0x3, v14;
	_ =	sdelay $0x4  }
0x297: {  	v15 =	vld.idx.msk [tilespmem:v15+s11+$0x0], $0xffff;
	_ =	sdelay $0x4  }
0x298: {  	v16 =	vadd.s32 $0x4, v14;
	vm13 =	vlt.f32 v15, v13  }
0x299: {  	v14 =	vsel vm13, v16, v14  }
0x29a: {  	v15 =	vadd.s32 $0x1, v14;
	_ =	sdelay $0x4  }
0x29b: {  	v15 =	vld.idx.msk [tilespmem:v15+s11+$0x0], $0xffff;
	_ =	sdelay $0x4  }
0x29c: {  	v16 =	vadd.s32 $0x2, v14;
	vm14 =	vlt.f32 v15, v13  }
0x29d: {  	v14 =	vsel vm14, v16, v14;
	_ =	sdelay $0x4  }
0x29e: {  	v15 =	vld.idx.msk [tilespmem:v14+s11+$0x0], $0xffff;
	_ =	sdelay $0x4  }
0x29f: {  	vm15 =	vlt.f32 v15, v13  }
0x2a0: {  	v15 =	vsel vm15, $0x1, v0  }
0x2a1: {  	v14 =	vadd.s32 v15, v14  }
0x2a2: {  	v14 =	vmax.u32 v14, $0x1  }
0x2a3: {  	v15 =	vadd.s32 $0xFFFFFFFF, v14;
	_ =	sdelay $0x3  }
0x2a4: {  	v30 =	vld.idx.msk [tilespmem:v14+s11+$0x0], $0xffff  }
0x2a5: {  	v29 =	vld.idx.msk [tilespmem:v15+s11+$0x0], $0xffff;
	_ =	sdelay $0x4  }
0x2a6: {  	v17 =	vsub.f32 v30, v29;
	_ =	sdelay $0x1  }
0x2a7: {  	(erf) = vrcp.f32 v17;
	_ =	sdelay $0x5  }
0x2a8: {  	v33 =	vand.u32 $0x7F, v14;
	v32 =	vshll.u32 v15, $0x3  }
0x2a9: {  	v31 =	vand.u32 $0x7F, v15;
	v18 =	vand.u32 $0x7FFFFC00, v32;
	v14 =	vshll.u32 v14, $0x3  }
0x2aa: {  	v34 =	vor.u32 v31, v18;
	v14 =	vand.u32 $0x7FFFFC00, v14;
	v13 =	vsub.f32 v13, v29  }
0x2ab: {  	v16 =	vadd.s32 v4, v34;
	v14 =	vor.u32 v33, v14;
	v35 =	vpop (erf)  }
0x2ac: {  	v14 =	vadd.s32 v4, v14;
	v13 =	vmul.f32 v35, v13;
	_ =	sdelay $0x1  }
0x2ad: {  	v17 =	vsub.f32 $1.000000000e+00, v13;
	_ =	sdelay $0x1  }
0x2ae: {  	[tilespmem:v16+s15+$0x0] =	vst.idx.msk $0xffff, v17  }
0x2af: {  	[tilespmem:v14+s15+$0x0] =	vst.idx.msk $0xffff, v13  }
0x2b0: {  	v13 =	vld [tilespmem:$0x11BA0];
	_ =	sdelay $0x4  }
0x2b1: {  	v14 =	vshll.u32 v13, $0x3;
	v36 =	vadd.s32 $0x1, v13  }
0x2b2: {  	v13 =	vand.u32 $0x7F, v13;
	v14 =	vand.u32 $0xFFFFFC00, v14;
	v37 =	vshll.u32 v36, $0x3  }
0x2b3: {  	v13 =	vor.u32 v13, v14;
	v14 =	vand.u32 $0x7F, v36;
	v38 =	vand.u32 $0xFFFFFC00, v37  }
0x2b4: {  	v13 =	vadd.s32 v5, v13;
	v14 =	vor.u32 v14, v38  }
0x2b5: {  	v14 =	vadd.s32 v5, v14;
	_ =	sdelay $0x2  }
0x2b6: {  	[tilespmem:$0x11B90] =	vst v15  }
0x2b7: {  	[tilespmem:v13+s15+$0x0] =	vst.idx.msk $0xffff, v3  }
0x2b8: {  	[tilespmem:v14+s15+$0x0] =	vst.idx.msk $0xffff, v3  }
0x2b9: {  	v13 =	vld [tilespmem:s19+$0x20];
	_ =	sdelay $0x1  }
0x2ba: {  	v14 =	vld.idx.msk [tilespmem:v1+s11+$0x0], $0xffff;
	_ =	sdelay $0x2  }
0x2bb: {  	v13 =	vmax.f32 v13, v11  }
0x2bc: {  	v13 =	vmin.f32 v13, v12  }
0x2bd: {  	vm4 =	vlt.f32 v14, v13  }
0x2be: {  	v14 =	vsel vm4, $0x80, v0  }
0x2bf: {  	v15 =	vor.u32 $0x3F, v14;
	_ =	sdelay $0x4  }
0x2c0: {  	v15 =	vld.idx.msk [tilespmem:v15+s11+$0x0], $0xffff;
	_ =	sdelay $0x4  }
0x2c1: {  	v39 =	vor.u32 $0x40, v14;
	vm5 =	vlt.f32 v15, v13  }
0x2c2: {  	v15 =	vsel vm5, v39, v14  }
0x2c3: {  	v16 =	vand.u32 $0x40, v15  }
0x2c4: {  	v14 =	vor.u32 v16, v14  }
0x2c5: {  	v14 =	vor.u32 $0x1F, v14;
	_ =	sdelay $0x4  }
0x2c6: {  	v14 =	vld.idx.msk [tilespmem:v14+s11+$0x0], $0xffff;
	_ =	sdelay $0x4  }
0x2c7: {  	v40 =	vor.u32 $0x20, v15;
	vm6 =	vlt.f32 v14, v13  }
0x2c8: {  	v14 =	vsel vm6, v40, v15  }
0x2c9: {  	v15 =	vor.u32 $0xF, v14;
	_ =	sdelay $0x4  }
0x2ca: {  	v15 =	vld.idx.msk [tilespmem:v15+s11+$0x0], $0xffff;
	_ =	sdelay $0x4  }
0x2cb: {  	v16 =	vor.u32 $0x10, v14;
	vm7 =	vlt.f32 v15, v13  }
0x2cc: {  	v14 =	vsel vm7, v16, v14  }
0x2cd: {  	v15 =	vadd.s32 $0x7, v14;
	_ =	sdelay $0x4  }
0x2ce: {  	v15 =	vld.idx.msk [tilespmem:v15+s11+$0x0], $0xffff;
	_ =	sdelay $0x4  }
0x2cf: {  	v16 =	vadd.s32 $0x8, v14;
	vm8 =	vlt.f32 v15, v13  }
0x2d0: {  	v14 =	vsel vm8, v16, v14  }
0x2d1: {  	v15 =	vadd.s32 $0x3, v14;
	_ =	sdelay $0x4  }
0x2d2: {  	v15 =	vld.idx.msk [tilespmem:v15+s11+$0x0], $0xffff;
	_ =	sdelay $0x4  }
0x2d3: {  	v16 =	vadd.s32 $0x4, v14;
	vm9 =	vlt.f32 v15, v13  }
0x2d4: {  	v14 =	vsel vm9, v16, v14  }
0x2d5: {  	v15 =	vadd.s32 $0x1, v14;
	_ =	sdelay $0x4  }
0x2d6: {  	v15 =	vld.idx.msk [tilespmem:v15+s11+$0x0], $0xffff;
	_ =	sdelay $0x4  }
0x2d7: {  	v16 =	vadd.s32 $0x2, v14;
	vm10 =	vlt.f32 v15, v13  }
0x2d8: {  	v14 =	vsel vm10, v16, v14;
	_ =	sdelay $0x4  }
0x2d9: {  	v15 =	vld.idx.msk [tilespmem:v14+s11+$0x0], $0xffff;
	_ =	sdelay $0x4  }
0x2da: {  	vm11 =	vlt.f32 v15, v13  }
0x2db: {  	v15 =	vsel vm11, $0x1, v0  }
0x2dc: {  	v14 =	vadd.s32 v15, v14  }
0x2dd: {  	v14 =	vmax.u32 v14, $0x1  }
0x2de: {  	v15 =	vadd.s32 $0xFFFFFFFF, v14;
	_ =	sdelay $0x3  }
0x2df: {  	v42 =	vld.idx.msk [tilespmem:v14+s11+$0x0], $0xffff  }
0x2e0: {  	v41 =	vld.idx.msk [tilespmem:v15+s11+$0x0], $0xffff;
	_ =	sdelay $0x4  }
0x2e1: {  	v17 =	vsub.f32 v42, v41;
	_ =	sdelay $0x1  }
0x2e2: {  	(erf) = vrcp.f32 v17;
	_ =	sdelay $0x5  }
0x2e3: {  	v45 =	vand.u32 $0x7F, v14;
	v44 =	vshll.u32 v15, $0x3  }
0x2e4: {  	v43 =	vand.u32 $0x7F, v15;
	v18 =	vand.u32 $0x7FFFFC00, v44;
	v14 =	vshll.u32 v14, $0x3  }
0x2e5: {  	v46 =	vor.u32 v43, v18;
	v14 =	vand.u32 $0x7FFFFC00, v14;
	v13 =	vsub.f32 v13, v41  }
0x2e6: {  	v16 =	vadd.s32 v5, v46;
	v14 =	vor.u32 v45, v14;
	v47 =	vpop (erf)  }
0x2e7: {  	v14 =	vadd.s32 v5, v14;
	v13 =	vmul.f32 v47, v13;
	_ =	sdelay $0x1  }
0x2e8: {  	v17 =	vsub.f32 $1.000000000e+00, v13;
	_ =	sdelay $0x1  }
0x2e9: {  	[tilespmem:v16+s15+$0x0] =	vst.idx.msk $0xffff, v17  }
0x2ea: {  	[tilespmem:v14+s15+$0x0] =	vst.idx.msk $0xffff, v13  }
0x2eb: {  	v13 =	vld [tilespmem:$0x11BB0];
	_ =	sdelay $0x4  }
0x2ec: {  	v14 =	vshll.u32 v13, $0x3;
	v48 =	vadd.s32 $0x1, v13  }
0x2ed: {  	v13 =	vand.u32 $0x7F, v13;
	v14 =	vand.u32 $0xFFFFFC00, v14;
	v49 =	vshll.u32 v48, $0x3  }
0x2ee: {  	v13 =	vor.u32 v13, v14;
	v14 =	vand.u32 $0x7F, v48;
	v50 =	vand.u32 $0xFFFFFC00, v49  }
0x2ef: {  	v13 =	vadd.s32 v6, v13;
	v14 =	vor.u32 v14, v50  }
0x2f0: {  	v14 =	vadd.s32 v6, v14;
	_ =	sdelay $0x2  }
0x2f1: {  	[tilespmem:$0x11BA0] =	vst v15  }
0x2f2: {  	[tilespmem:v13+s15+$0x0] =	vst.idx.msk $0xffff, v3  }
0x2f3: {  	[tilespmem:v14+s15+$0x0] =	vst.idx.msk $0xffff, v3  }
0x2f4: {  	v13 =	vld [tilespmem:s19+$0x30];
	_ =	sdelay $0x1  }
0x2f5: {  	v14 =	vld.idx.msk [tilespmem:v1+s11+$0x0], $0xffff;
	_ =	sdelay $0x2  }
0x2f6: {  	v13 =	vmax.f32 v13, v11  }
0x2f7: {  	v13 =	vmin.f32 v13, v12  }
0x2f8: {  	vm12 =	vlt.f32 v14, v13  }
0x2f9: {  	v14 =	vsel vm12, $0x80, v0  }
0x2fa: {  	v15 =	vor.u32 $0x3F, v14;
	_ =	sdelay $0x4  }
0x2fb: {  	v15 =	vld.idx.msk [tilespmem:v15+s11+$0x0], $0xffff;
	_ =	sdelay $0x4  }
0x2fc: {  	v51 =	vor.u32 $0x40, v14;
	vm13 =	vlt.f32 v15, v13  }
0x2fd: {  	v15 =	vsel vm13, v51, v14  }
0x2fe: {  	v16 =	vand.u32 $0x40, v15  }
0x2ff: {  	v14 =	vor.u32 v16, v14  }
0x300: {  	v14 =	vor.u32 $0x1F, v14;
	_ =	sdelay $0x4  }
0x301: {  	v14 =	vld.idx.msk [tilespmem:v14+s11+$0x0], $0xffff;
	_ =	sdelay $0x4  }
0x302: {  	v52 =	vor.u32 $0x20, v15;
	vm14 =	vlt.f32 v14, v13  }
0x303: {  	v14 =	vsel vm14, v52, v15  }
0x304: {  	v15 =	vor.u32 $0xF, v14;
	_ =	sdelay $0x4  }
0x305: {  	v15 =	vld.idx.msk [tilespmem:v15+s11+$0x0], $0xffff;
	_ =	sdelay $0x4  }
0x306: {  	v16 =	vor.u32 $0x10, v14;
	vm15 =	vlt.f32 v15, v13  }
0x307: {  	v14 =	vsel vm15, v16, v14  }
0x308: {  	v15 =	vadd.s32 $0x7, v14;
	_ =	sdelay $0x4  }
0x309: {  	v15 =	vld.idx.msk [tilespmem:v15+s11+$0x0], $0xffff;
	_ =	sdelay $0x4  }
0x30a: {  	v16 =	vadd.s32 $0x8, v14;
	vm4 =	vlt.f32 v15, v13  }
0x30b: {  	v14 =	vsel vm4, v16, v14  }
0x30c: {  	v15 =	vadd.s32 $0x3, v14;
	_ =	sdelay $0x4  }
0x30d: {  	v15 =	vld.idx.msk [tilespmem:v15+s11+$0x0], $0xffff;
	_ =	sdelay $0x4  }
0x30e: {  	v16 =	vadd.s32 $0x4, v14;
	vm5 =	vlt.f32 v15, v13  }
0x30f: {  	v14 =	vsel vm5, v16, v14  }
0x310: {  	v15 =	vadd.s32 $0x1, v14;
	_ =	sdelay $0x4  }
0x311: {  	v15 =	vld.idx.msk [tilespmem:v15+s11+$0x0], $0xffff;
	_ =	sdelay $0x4  }
0x312: {  	v16 =	vadd.s32 $0x2, v14;
	vm6 =	vlt.f32 v15, v13  }
0x313: {  	v14 =	vsel vm6, v16, v14;
	_ =	sdelay $0x4  }
0x314: {  	v15 =	vld.idx.msk [tilespmem:v14+s11+$0x0], $0xffff;
	_ =	sdelay $0x4  }
0x315: {  	vm7 =	vlt.f32 v15, v13  }
0x316: {  	v15 =	vsel vm7, $0x1, v0  }
0x317: {  	v14 =	vadd.s32 v15, v14  }
0x318: {  	v14 =	vmax.u32 v14, $0x1  }
0x319: {  	v15 =	vadd.s32 $0xFFFFFFFF, v14;
	_ =	sdelay $0x3  }
0x31a: {  	v54 =	vld.idx.msk [tilespmem:v14+s11+$0x0], $0xffff  }
0x31b: {  	v53 =	vld.idx.msk [tilespmem:v15+s11+$0x0], $0xffff;
	_ =	sdelay $0x4  }
0x31c: {  	v17 =	vsub.f32 v54, v53;
	_ =	sdelay $0x1  }
0x31d: {  	(erf) = vrcp.f32 v17;
	_ =	sdelay $0x5  }
0x31e: {  	v57 =	vand.u32 $0x7F, v14;
	v56 =	vshll.u32 v15, $0x3  }
0x31f: {  	v55 =	vand.u32 $0x7F, v15;
	v18 =	vand.u32 $0x7FFFFC00, v56;
	v14 =	vshll.u32 v14, $0x3  }
0x320: {  	v58 =	vor.u32 v55, v18;
	v14 =	vand.u32 $0x7FFFFC00, v14;
	v13 =	vsub.f32 v13, v53  }
0x321: {  	v16 =	vadd.s32 v6, v58;
	v14 =	vor.u32 v57, v14;
	v59 =	vpop (erf)  }
0x322: {  	v14 =	vadd.s32 v6, v14;
	v13 =	vmul.f32 v59, v13;
	_ =	sdelay $0x1  }
0x323: {  	v17 =	vsub.f32 $1.000000000e+00, v13;
	_ =	sdelay $0x1  }
0x324: {  	[tilespmem:v16+s15+$0x0] =	vst.idx.msk $0xffff, v17  }
0x325: {  	[tilespmem:v14+s15+$0x0] =	vst.idx.msk $0xffff, v13  }
0x326: {  	v13 =	vld [tilespmem:$0x11BC0];
	_ =	sdelay $0x4  }
0x327: {  	v14 =	vshll.u32 v13, $0x3;
	v60 =	vadd.s32 $0x1, v13  }
0x328: {  	v13 =	vand.u32 $0x7F, v13;
	v14 =	vand.u32 $0xFFFFFC00, v14;
	v61 =	vshll.u32 v60, $0x3  }
0x329: {  	v13 =	vor.u32 v13, v14;
	v14 =	vand.u32 $0x7F, v60;
	v62 =	vand.u32 $0xFFFFFC00, v61  }
0x32a: {  	v13 =	vadd.s32 v7, v13;
	v14 =	vor.u32 v14, v62  }
0x32b: {  	v14 =	vadd.s32 v7, v14;
	_ =	sdelay $0x2  }
0x32c: {  	[tilespmem:$0x11BB0] =	vst v15  }
0x32d: {  	[tilespmem:v13+s15+$0x0] =	vst.idx.msk $0xffff, v3  }
0x32e: {  	[tilespmem:v14+s15+$0x0] =	vst.idx.msk $0xffff, v3  }
0x32f: {  	v13 =	vld [tilespmem:s19+$0x40];
	_ =	sdelay $0x1  }
0x330: {  	v14 =	vld.idx.msk [tilespmem:v1+s11+$0x0], $0xffff;
	_ =	sdelay $0x2  }
0x331: {  	v13 =	vmax.f32 v13, v11  }
0x332: {  	v13 =	vmin.f32 v13, v12  }
0x333: {  	vm8 =	vlt.f32 v14, v13  }
0x334: {  	v14 =	vsel vm8, $0x80, v0  }
0x335: {  	v15 =	vor.u32 $0x3F, v14;
	_ =	sdelay $0x4  }
0x336: {  	v15 =	vld.idx.msk [tilespmem:v15+s11+$0x0], $0xffff;
	_ =	sdelay $0x4  }
0x337: {  	v63 =	vor.u32 $0x40, v14;
	vm9 =	vlt.f32 v15, v13  }
0x338: {  	v15 =	vsel vm9, v63, v14  }
0x339: {  	v16 =	vand.u32 $0x40, v15  }
0x33a: {  	v14 =	vor.u32 v16, v14  }
0x33b: {  	v14 =	vor.u32 $0x1F, v14;
	_ =	sdelay $0x4  }
0x33c: {  	v14 =	vld.idx.msk [tilespmem:v14+s11+$0x0], $0xffff;
	_ =	sdelay $0x4  }
0x33d: {  	v20 =	vor.u32 $0x20, v15;
	vm10 =	vlt.f32 v14, v13  }
0x33e: {  	v14 =	vsel vm10, v20, v15  }
0x33f: {  	v15 =	vor.u32 $0xF, v14;
	_ =	sdelay $0x4  }
0x340: {  	v15 =	vld.idx.msk [tilespmem:v15+s11+$0x0], $0xffff;
	_ =	sdelay $0x4  }
0x341: {  	v16 =	vor.u32 $0x10, v14;
	vm11 =	vlt.f32 v15, v13  }
0x342: {  	v14 =	vsel vm11, v16, v14  }
0x343: {  	v15 =	vadd.s32 $0x7, v14;
	_ =	sdelay $0x4  }
0x344: {  	v15 =	vld.idx.msk [tilespmem:v15+s11+$0x0], $0xffff;
	_ =	sdelay $0x4  }
0x345: {  	v16 =	vadd.s32 $0x8, v14;
	vm12 =	vlt.f32 v15, v13  }
0x346: {  	v14 =	vsel vm12, v16, v14  }
0x347: {  	v15 =	vadd.s32 $0x3, v14;
	_ =	sdelay $0x4  }
0x348: {  	v15 =	vld.idx.msk [tilespmem:v15+s11+$0x0], $0xffff;
	_ =	sdelay $0x4  }
0x349: {  	v16 =	vadd.s32 $0x4, v14;
	vm13 =	vlt.f32 v15, v13  }
0x34a: {  	v14 =	vsel vm13, v16, v14  }
0x34b: {  	v15 =	vadd.s32 $0x1, v14;
	_ =	sdelay $0x4  }
0x34c: {  	v15 =	vld.idx.msk [tilespmem:v15+s11+$0x0], $0xffff;
	_ =	sdelay $0x4  }
0x34d: {  	v16 =	vadd.s32 $0x2, v14;
	vm14 =	vlt.f32 v15, v13  }
0x34e: {  	v14 =	vsel vm14, v16, v14;
	_ =	sdelay $0x4  }
0x34f: {  	v15 =	vld.idx.msk [tilespmem:v14+s11+$0x0], $0xffff;
	_ =	sdelay $0x4  }
0x350: {  	vm15 =	vlt.f32 v15, v13  }
0x351: {  	v15 =	vsel vm15, $0x1, v0  }
0x352: {  	v14 =	vadd.s32 v15, v14  }
0x353: {  	v14 =	vmax.u32 v14, $0x1  }
0x354: {  	v15 =	vadd.s32 $0xFFFFFFFF, v14;
	_ =	sdelay $0x3  }
0x355: {  	v22 =	vld.idx.msk [tilespmem:v14+s11+$0x0], $0xffff  }
0x356: {  	v21 =	vld.idx.msk [tilespmem:v15+s11+$0x0], $0xffff;
	_ =	sdelay $0x4  }
0x357: {  	v17 =	vsub.f32 v22, v21;
	_ =	sdelay $0x1  }
0x358: {  	(erf) = vrcp.f32 v17;
	_ =	sdelay $0x5  }
0x359: {  	v25 =	vand.u32 $0x7F, v14;
	v24 =	vshll.u32 v15, $0x3  }
0x35a: {  	v23 =	vand.u32 $0x7F, v15;
	v18 =	vand.u32 $0x7FFFFC00, v24;
	v14 =	vshll.u32 v14, $0x3  }
0x35b: {  	v26 =	vor.u32 v23, v18;
	v14 =	vand.u32 $0x7FFFFC00, v14;
	v13 =	vsub.f32 v13, v21  }
0x35c: {  	v16 =	vadd.s32 v7, v26;
	v14 =	vor.u32 v25, v14;
	v27 =	vpop (erf)  }
0x35d: {  	v14 =	vadd.s32 v7, v14;
	v13 =	vmul.f32 v27, v13;
	_ =	sdelay $0x1  }
0x35e: {  	v17 =	vsub.f32 $1.000000000e+00, v13;
	_ =	sdelay $0x1  }
0x35f: {  	[tilespmem:v16+s15+$0x0] =	vst.idx.msk $0xffff, v17  }
0x360: {  	[tilespmem:v14+s15+$0x0] =	vst.idx.msk $0xffff, v13  }
0x361: {  	v13 =	vld [tilespmem:$0x11BD0];
	_ =	sdelay $0x4  }
0x362: {  	v14 =	vshll.u32 v13, $0x3;
	v28 =	vadd.s32 $0x1, v13  }
0x363: {  	v13 =	vand.u32 $0x7F, v13;
	v14 =	vand.u32 $0xFFFFFC00, v14;
	v29 =	vshll.u32 v28, $0x3  }
0x364: {  	v13 =	vor.u32 v13, v14;
	v14 =	vand.u32 $0x7F, v28;
	v30 =	vand.u32 $0xFFFFFC00, v29  }
0x365: {  	v13 =	vadd.s32 v8, v13;
	v14 =	vor.u32 v14, v30  }
0x366: {  	v14 =	vadd.s32 v8, v14;
	_ =	sdelay $0x2  }
0x367: {  	[tilespmem:$0x11BC0] =	vst v15  }
0x368: {  	[tilespmem:v13+s15+$0x0] =	vst.idx.msk $0xffff, v3  }
0x369: {  	[tilespmem:v14+s15+$0x0] =	vst.idx.msk $0xffff, v3  }
0x36a: {  	v13 =	vld [tilespmem:s19+$0x50];
	_ =	sdelay $0x1  }
0x36b: {  	v14 =	vld.idx.msk [tilespmem:v1+s11+$0x0], $0xffff;
	_ =	sdelay $0x2  }
0x36c: {  	v13 =	vmax.f32 v13, v11  }
0x36d: {  	v13 =	vmin.f32 v13, v12  }
0x36e: {  	vm4 =	vlt.f32 v14, v13  }
0x36f: {  	v14 =	vsel vm4, $0x80, v0  }
0x370: {  	v15 =	vor.u32 $0x3F, v14;
	_ =	sdelay $0x4  }
0x371: {  	v15 =	vld.idx.msk [tilespmem:v15+s11+$0x0], $0xffff;
	_ =	sdelay $0x4  }
0x372: {  	v31 =	vor.u32 $0x40, v14;
	vm5 =	vlt.f32 v15, v13  }
0x373: {  	v15 =	vsel vm5, v31, v14  }
0x374: {  	v16 =	vand.u32 $0x40, v15  }
0x375: {  	v14 =	vor.u32 v16, v14  }
0x376: {  	v14 =	vor.u32 $0x1F, v14;
	_ =	sdelay $0x4  }
0x377: {  	v14 =	vld.idx.msk [tilespmem:v14+s11+$0x0], $0xffff;
	_ =	sdelay $0x4  }
0x378: {  	v32 =	vor.u32 $0x20, v15;
	vm6 =	vlt.f32 v14, v13  }
0x379: {  	v14 =	vsel vm6, v32, v15  }
0x37a: {  	v15 =	vor.u32 $0xF, v14;
	_ =	sdelay $0x4  }
0x37b: {  	v15 =	vld.idx.msk [tilespmem:v15+s11+$0x0], $0xffff;
	_ =	sdelay $0x4  }
0x37c: {  	v16 =	vor.u32 $0x10, v14;
	vm7 =	vlt.f32 v15, v13  }
0x37d: {  	v14 =	vsel vm7, v16, v14  }
0x37e: {  	v15 =	vadd.s32 $0x7, v14;
	_ =	sdelay $0x4  }
0x37f: {  	v15 =	vld.idx.msk [tilespmem:v15+s11+$0x0], $0xffff;
	_ =	sdelay $0x4  }
0x380: {  	v16 =	vadd.s32 $0x8, v14;
	vm8 =	vlt.f32 v15, v13  }
0x381: {  	v14 =	vsel vm8, v16, v14  }
0x382: {  	v15 =	vadd.s32 $0x3, v14;
	_ =	sdelay $0x4  }
0x383: {  	v15 =	vld.idx.msk [tilespmem:v15+s11+$0x0], $0xffff;
	_ =	sdelay $0x4  }
0x384: {  	v16 =	vadd.s32 $0x4, v14;
	vm9 =	vlt.f32 v15, v13  }
0x385: {  	v14 =	vsel vm9, v16, v14  }
0x386: {  	v15 =	vadd.s32 $0x1, v14;
	_ =	sdelay $0x4  }
0x387: {  	v15 =	vld.idx.msk [tilespmem:v15+s11+$0x0], $0xffff;
	_ =	sdelay $0x4  }
0x388: {  	v16 =	vadd.s32 $0x2, v14;
	vm10 =	vlt.f32 v15, v13  }
0x389: {  	v14 =	vsel vm10, v16, v14;
	_ =	sdelay $0x4  }
0x38a: {  	v15 =	vld.idx.msk [tilespmem:v14+s11+$0x0], $0xffff;
	_ =	sdelay $0x4  }
0x38b: {  	vm11 =	vlt.f32 v15, v13  }
0x38c: {  	v15 =	vsel vm11, $0x1, v0  }
0x38d: {  	v14 =	vadd.s32 v15, v14  }
0x38e: {  	v14 =	vmax.u32 v14, $0x1  }
0x38f: {  	v15 =	vadd.s32 $0xFFFFFFFF, v14;
	_ =	sdelay $0x3  }
0x390: {  	v34 =	vld.idx.msk [tilespmem:v14+s11+$0x0], $0xffff  }
0x391: {  	v33 =	vld.idx.msk [tilespmem:v15+s11+$0x0], $0xffff;
	_ =	sdelay $0x4  }
0x392: {  	v17 =	vsub.f32 v34, v33;
	_ =	sdelay $0x1  }
0x393: {  	(erf) = vrcp.f32 v17;
	_ =	sdelay $0x5  }
0x394: {  	v37 =	vand.u32 $0x7F, v14;
	v36 =	vshll.u32 v15, $0x3  }
0x395: {  	v35 =	vand.u32 $0x7F, v15;
	v18 =	vand.u32 $0x7FFFFC00, v36;
	v14 =	vshll.u32 v14, $0x3  }
0x396: {  	v38 =	vor.u32 v35, v18;
	v14 =	vand.u32 $0x7FFFFC00, v14;
	v13 =	vsub.f32 v13, v33  }
0x397: {  	v16 =	vadd.s32 v8, v38;
	v14 =	vor.u32 v37, v14;
	v39 =	vpop (erf)  }
0x398: {  	v14 =	vadd.s32 v8, v14;
	v13 =	vmul.f32 v39, v13;
	_ =	sdelay $0x1  }
0x399: {  	v17 =	vsub.f32 $1.000000000e+00, v13;
	_ =	sdelay $0x1  }
0x39a: {  	[tilespmem:v16+s15+$0x0] =	vst.idx.msk $0xffff, v17  }
0x39b: {  	[tilespmem:v14+s15+$0x0] =	vst.idx.msk $0xffff, v13  }
0x39c: {  	v13 =	vld [tilespmem:$0x11BE0];
	_ =	sdelay $0x4  }
0x39d: {  	v14 =	vshll.u32 v13, $0x3;
	v40 =	vadd.s32 $0x1, v13  }
0x39e: {  	v13 =	vand.u32 $0x7F, v13;
	v14 =	vand.u32 $0xFFFFFC00, v14;
	v41 =	vshll.u32 v40, $0x3  }
0x39f: {  	v13 =	vor.u32 v13, v14;
	v14 =	vand.u32 $0x7F, v40;
	v42 =	vand.u32 $0xFFFFFC00, v41  }
0x3a0: {  	v13 =	vadd.s32 v9, v13;
	v14 =	vor.u32 v14, v42  }
0x3a1: {  	v14 =	vadd.s32 v9, v14;
	_ =	sdelay $0x2  }
0x3a2: {  	[tilespmem:$0x11BD0] =	vst v15  }
0x3a3: {  	[tilespmem:v13+s15+$0x0] =	vst.idx.msk $0xffff, v3  }
0x3a4: {  	[tilespmem:v14+s15+$0x0] =	vst.idx.msk $0xffff, v3  }
0x3a5: {  	v13 =	vld [tilespmem:s19+$0x60];
	_ =	sdelay $0x1  }
0x3a6: {  	v14 =	vld.idx.msk [tilespmem:v1+s11+$0x0], $0xffff;
	_ =	sdelay $0x2  }
0x3a7: {  	v13 =	vmax.f32 v13, v11  }
0x3a8: {  	v13 =	vmin.f32 v13, v12  }
0x3a9: {  	vm12 =	vlt.f32 v14, v13  }
0x3aa: {  	v14 =	vsel vm12, $0x80, v0  }
0x3ab: {  	v15 =	vor.u32 $0x3F, v14;
	_ =	sdelay $0x4  }
0x3ac: {  	v15 =	vld.idx.msk [tilespmem:v15+s11+$0x0], $0xffff;
	_ =	sdelay $0x4  }
0x3ad: {  	v43 =	vor.u32 $0x40, v14;
	vm13 =	vlt.f32 v15, v13  }
0x3ae: {  	v15 =	vsel vm13, v43, v14  }
0x3af: {  	v16 =	vand.u32 $0x40, v15  }
0x3b0: {  	v14 =	vor.u32 v16, v14  }
0x3b1: {  	v14 =	vor.u32 $0x1F, v14;
	_ =	sdelay $0x4  }
0x3b2: {  	v14 =	vld.idx.msk [tilespmem:v14+s11+$0x0], $0xffff;
	_ =	sdelay $0x4  }
0x3b3: {  	v44 =	vor.u32 $0x20, v15;
	vm14 =	vlt.f32 v14, v13  }
0x3b4: {  	v14 =	vsel vm14, v44, v15  }
0x3b5: {  	v15 =	vor.u32 $0xF, v14;
	_ =	sdelay $0x4  }
0x3b6: {  	v15 =	vld.idx.msk [tilespmem:v15+s11+$0x0], $0xffff;
	_ =	sdelay $0x4  }
0x3b7: {  	v16 =	vor.u32 $0x10, v14;
	vm15 =	vlt.f32 v15, v13  }
0x3b8: {  	v14 =	vsel vm15, v16, v14  }
0x3b9: {  	v15 =	vadd.s32 $0x7, v14;
	_ =	sdelay $0x4  }
0x3ba: {  	v15 =	vld.idx.msk [tilespmem:v15+s11+$0x0], $0xffff;
	_ =	sdelay $0x4  }
0x3bb: {  	v16 =	vadd.s32 $0x8, v14;
	vm4 =	vlt.f32 v15, v13  }
0x3bc: {  	v14 =	vsel vm4, v16, v14  }
0x3bd: {  	v15 =	vadd.s32 $0x3, v14;
	_ =	sdelay $0x4  }
0x3be: {  	v15 =	vld.idx.msk [tilespmem:v15+s11+$0x0], $0xffff;
	_ =	sdelay $0x4  }
0x3bf: {  	v16 =	vadd.s32 $0x4, v14;
	vm5 =	vlt.f32 v15, v13  }
0x3c0: {  	v14 =	vsel vm5, v16, v14  }
0x3c1: {  	v15 =	vadd.s32 $0x1, v14;
	_ =	sdelay $0x4  }
0x3c2: {  	v15 =	vld.idx.msk [tilespmem:v15+s11+$0x0], $0xffff;
	_ =	sdelay $0x4  }
0x3c3: {  	v16 =	vadd.s32 $0x2, v14;
	vm6 =	vlt.f32 v15, v13  }
0x3c4: {  	v14 =	vsel vm6, v16, v14;
	_ =	sdelay $0x4  }
0x3c5: {  	v15 =	vld.idx.msk [tilespmem:v14+s11+$0x0], $0xffff;
	_ =	sdelay $0x4  }
0x3c6: {  	vm7 =	vlt.f32 v15, v13  }
0x3c7: {  	v15 =	vsel vm7, $0x1, v0  }
0x3c8: {  	v14 =	vadd.s32 v15, v14  }
0x3c9: {  	v14 =	vmax.u32 v14, $0x1  }
0x3ca: {  	v15 =	vadd.s32 $0xFFFFFFFF, v14;
	_ =	sdelay $0x3  }
0x3cb: {  	v46 =	vld.idx.msk [tilespmem:v14+s11+$0x0], $0xffff  }
0x3cc: {  	v45 =	vld.idx.msk [tilespmem:v15+s11+$0x0], $0xffff;
	_ =	sdelay $0x4  }
0x3cd: {  	v17 =	vsub.f32 v46, v45;
	_ =	sdelay $0x1  }
0x3ce: {  	(erf) = vrcp.f32 v17;
	_ =	sdelay $0x5  }
0x3cf: {  	v49 =	vand.u32 $0x7F, v14;
	v48 =	vshll.u32 v15, $0x3  }
0x3d0: {  	v47 =	vand.u32 $0x7F, v15;
	v18 =	vand.u32 $0x7FFFFC00, v48;
	v14 =	vshll.u32 v14, $0x3  }
0x3d1: {  	v50 =	vor.u32 v47, v18;
	v14 =	vand.u32 $0x7FFFFC00, v14;
	v13 =	vsub.f32 v13, v45  }
0x3d2: {  	v16 =	vadd.s32 v9, v50;
	v14 =	vor.u32 v49, v14;
	v51 =	vpop (erf)  }
0x3d3: {  	v14 =	vadd.s32 v9, v14;
	v13 =	vmul.f32 v51, v13;
	_ =	sdelay $0x1  }
0x3d4: {  	v17 =	vsub.f32 $1.000000000e+00, v13;
	_ =	sdelay $0x1  }
0x3d5: {  	[tilespmem:v16+s15+$0x0] =	vst.idx.msk $0xffff, v17  }
0x3d6: {  	[tilespmem:v14+s15+$0x0] =	vst.idx.msk $0xffff, v13  }
0x3d7: {  	v13 =	vld [tilespmem:$0x11BF0];
	_ =	sdelay $0x4  }
0x3d8: {  	v14 =	vshll.u32 v13, $0x3;
	v52 =	vadd.s32 $0x1, v13  }
0x3d9: {  	v13 =	vand.u32 $0x7F, v13;
	v14 =	vand.u32 $0xFFFFFC00, v14;
	v53 =	vshll.u32 v52, $0x3  }
0x3da: {  	v13 =	vor.u32 v13, v14;
	v14 =	vand.u32 $0x7F, v52;
	v54 =	vand.u32 $0xFFFFFC00, v53  }
0x3db: {  	v13 =	vadd.s32 v10, v13;
	v14 =	vor.u32 v14, v54  }
0x3dc: {  	v14 =	vadd.s32 v10, v14;
	_ =	sdelay $0x2  }
0x3dd: {  	[tilespmem:$0x11BE0] =	vst v15  }
0x3de: {  	[tilespmem:v13+s15+$0x0] =	vst.idx.msk $0xffff, v3  }
0x3df: {  	[tilespmem:v14+s15+$0x0] =	vst.idx.msk $0xffff, v3  }
0x3e0: {  	v13 =	vld [tilespmem:s19+$0x70];
	_ =	sdelay $0x1  }
0x3e1: {  	v14 =	vld.idx.msk [tilespmem:v1+s11+$0x0], $0xffff;
	_ =	sdelay $0x2  }
0x3e2: {  	v13 =	vmax.f32 v13, v11  }
0x3e3: {  	v13 =	vmin.f32 v13, v12  }
0x3e4: {  	vm8 =	vlt.f32 v14, v13  }
0x3e5: {  	v14 =	vsel vm8, $0x80, v0  }
0x3e6: {  	v15 =	vor.u32 $0x3F, v14;
	_ =	sdelay $0x4  }
0x3e7: {  	v15 =	vld.idx.msk [tilespmem:v15+s11+$0x0], $0xffff;
	_ =	sdelay $0x4  }
0x3e8: {  	v55 =	vor.u32 $0x40, v14;
	vm9 =	vlt.f32 v15, v13  }
0x3e9: {  	v15 =	vsel vm9, v55, v14  }
0x3ea: {  	v16 =	vand.u32 $0x40, v15  }
0x3eb: {  	v14 =	vor.u32 v16, v14  }
0x3ec: {  	v14 =	vor.u32 $0x1F, v14;
	_ =	sdelay $0x4  }
0x3ed: {  	v14 =	vld.idx.msk [tilespmem:v14+s11+$0x0], $0xffff;
	_ =	sdelay $0x4  }
0x3ee: {  	v56 =	vor.u32 $0x20, v15;
	vm10 =	vlt.f32 v14, v13  }
0x3ef: {  	v14 =	vsel vm10, v56, v15  }
0x3f0: {  	v15 =	vor.u32 $0xF, v14;
	_ =	sdelay $0x4  }
0x3f1: {  	v15 =	vld.idx.msk [tilespmem:v15+s11+$0x0], $0xffff;
	_ =	sdelay $0x4  }
0x3f2: {  	v16 =	vor.u32 $0x10, v14;
	vm11 =	vlt.f32 v15, v13  }
0x3f3: {  	v14 =	vsel vm11, v16, v14  }
0x3f4: {  	v15 =	vadd.s32 $0x7, v14;
	_ =	sdelay $0x4  }
0x3f5: {  	v15 =	vld.idx.msk [tilespmem:v15+s11+$0x0], $0xffff;
	_ =	sdelay $0x4  }
0x3f6: {  	v16 =	vadd.s32 $0x8, v14;
	vm12 =	vlt.f32 v15, v13  }
0x3f7: {  	v14 =	vsel vm12, v16, v14  }
0x3f8: {  	v15 =	vadd.s32 $0x3, v14;
	_ =	sdelay $0x4  }
0x3f9: {  	v15 =	vld.idx.msk [tilespmem:v15+s11+$0x0], $0xffff;
	_ =	sdelay $0x4  }
0x3fa: {  	v16 =	vadd.s32 $0x4, v14;
	vm13 =	vlt.f32 v15, v13  }
0x3fb: {  	v14 =	vsel vm13, v16, v14  }
0x3fc: {  	v15 =	vadd.s32 $0x1, v14;
	_ =	sdelay $0x4  }
0x3fd: {  	v15 =	vld.idx.msk [tilespmem:v15+s11+$0x0], $0xffff;
	_ =	sdelay $0x4  }
0x3fe: {  	v16 =	vadd.s32 $0x2, v14;
	vm14 =	vlt.f32 v15, v13  }
0x3ff: {  	v14 =	vsel vm14, v16, v14;
	_ =	sdelay $0x4  }
0x400: {  	v15 =	vld.idx.msk [tilespmem:v14+s11+$0x0], $0xffff;
	_ =	sdelay $0x4  }
0x401: {  	vm15 =	vlt.f32 v15, v13  }
0x402: {  	v15 =	vsel vm15, $0x1, v0  }
0x403: {  	v14 =	vadd.s32 v15, v14  }
0x404: {  	v14 =	vmax.u32 v14, $0x1  }
0x405: {  	v15 =	vadd.s32 $0xFFFFFFFF, v14;
	_ =	sdelay $0x3  }
0x406: {  	v58 =	vld.idx.msk [tilespmem:v14+s11+$0x0], $0xffff  }
0x407: {  	v57 =	vld.idx.msk [tilespmem:v15+s11+$0x0], $0xffff;
	_ =	sdelay $0x4  }
0x408: {  	v17 =	vsub.f32 v58, v57;
	_ =	sdelay $0x1  }
0x409: {  	(erf) = vrcp.f32 v17;
	_ =	sdelay $0x5  }
0x40a: {  	v61 =	vand.u32 $0x7F, v14;
	v60 =	vshll.u32 v15, $0x3  }
0x40b: {  	v59 =	vand.u32 $0x7F, v15;
	v18 =	vand.u32 $0x7FFFFC00, v60;
	v14 =	vshll.u32 v14, $0x3  }
0x40c: {  	v62 =	vor.u32 v59, v18;
	v14 =	vand.u32 $0x7FFFFC00, v14;
	v13 =	vsub.f32 v13, v57  }
0x40d: {  	v16 =	vadd.s32 v10, v62;
	v14 =	vor.u32 v61, v14;
	v63 =	vpop (erf)  }
0x40e: {  	v14 =	vadd.s32 v10, v14;
	v13 =	vmul.f32 v63, v13  }
0x40f: {  	s20 =	sadd.s32 $0x2000, s20  }
0x410: {  	p0 =	sne.s32 s20, $0x32000;
	v17 =	vsub.f32 $1.000000000e+00, v13  }
.Ltmp0:
0x411: {  	_ = 	snop;
	(pc) =	sbr.rel @p0 .LBB2_2-.Ltmp0, $4  }
0x412: {  	[tilespmem:v16+s15+$0x0] =	vst.idx.msk $0xffff, v17  }
0x413: {  	[tilespmem:v14+s15+$0x0] =	vst.idx.msk $0xffff, v13  }
0x414: {  	s21 =	sadd.s32 $0x1000, s31;
	s19 =	sadd.s32 $0x100, s19;
	[tilespmem:$0x11BF0] =	vst v15  }
0x415: {  	[hbm4b:s21+s2] =	stream.linear.scatter [tilespmem:s15], [sflag:$0x2], $0x8000, $0x38;
	[tilespmem:$0x11C00] =	vst v63  }
0x416: {  	s18 =	sadd.s32 $0x1, s18  }
0x417: {  	_ =	swait.ge [sflag:s16], $0x8000;
	p0 =	sne.s32 s18, s8  }
.Ltmp1:
0x418: {  	[sflag:s16] =	ssyncset.done $0x0;
	(pc) =	sbr.rel @p0 .LBB2_1-.Ltmp1, $4  }
0x419: {  	[sflag:s16] =	ssyncadd.s32 $0xFFFF8000  }
0x41a: {  	_ =	swait.ge [sflag:s17], $0x8000  }
0x41b: {  	[sflag:s17] =	ssyncset.done $0x0  }
0x41c: {  	[sflag:s17] =	ssyncadd.s32 $0xFFFF8000  }
0x41d: {  	_ =	sfence.sel $0x180000  }
0x41e: {  	[bflag:$0x0] =	sbarrier.arrive $0xFFFF  }
0x41f: {  	p0 =	sne.s32 s0, $0x0;
	_ =	strace $0x90000047  }
0x420: {  	s0 =	sadd.s32 @!p0 $0x100000, s1;
	[bflag:$0x2] =	sbarrier.arrive $0xFFFF  }
0x421: {  	[sflag:s0] =	ssyncadd.tile.s32 @!p0 $0x1;
	_ =	shalt  }
.Lfunc_end2:
_tile_overlayer_lowered:
.L_overlay_start_2:
0x422: {  	(tag) =	ssettag $0x2  }
0x423: {  	s0 =	rddreg [dreg:$0x0];
	s2 =	stileid.u32  }
0x424: {  	s1 =	rddreg [dreg:$0x1];
	p0 =	sne.s32 s2, $0x0  }
0x425: {  	s3 =	rddreg [dreg:$0x2];
	[bflag:$0x3] =	sbarrier.arrive $0xFFFF;
	s2 =	simm.s32 @!p0 $0x1C03  }
0x426: {  	[timem:s3], [sflag:s2] =	dma.local @!p0 [hbm:s0], s1  }
0x427: {  	s0 =	simm.s32 @!p0 $0x3  }
0x428: {  	_ =	swait.ge @!p0 [sflag:s0], s1  }
0x429: {  	s1 =	ssub.s32 @!p0 $0x0, s1;
	[sflag:s0] =	ssyncset.done @!p0 $0x0  }
0x42a: {  	[sflag:s0] =	ssyncadd.s32 @!p0 s1  }
0x42b: {  	[bflag:$0x3] =	sbarrier.arrive $0xFFFF  }
0x42c: {  	_ =	shalt  }

</sc_bundles>
